<compile_context>
chip_gen: v7x
topology: tpu7x:2x2x1
jax: 0.10.2.dev20260603
libtpu: 0.0.44.dev20260713+nightly
codegen_flags: <defaults>
</compile_context>

<pallas_src>
import functools

import jax
import jax.numpy as jnp
from jax import lax
from jax.experimental import pallas as pl
from jax.experimental.pallas import tpu as pltpu
from jax.experimental.pallas import tpu_sc as plsc

N = 10000
NPAD = 10080
D = 128
AW = 16
ACCW = D + AW
E_RAW = 320000
EV = E_RAW + N
NC, NS = 2, 16
NW = NC * NS
K = 128
CH = 81
EPW = K * CH
EP = EPW * NW
BLK = 2000
GRID = N // BLK
BLK2 = 2016
GRID2 = NPAD // BLK2


def _proj_body(x_ref, w_ref, as_ref, ad_ref, h_ref, asrc_ref, adst_ref):
    h = jnp.dot(x_ref[...], w_ref[...], preferred_element_type=jnp.float32)
    h_ref[...] = h
    asrc_ref[...] = jnp.dot(h, as_ref[...], preferred_element_type=jnp.float32)
    adst_ref[...] = jnp.dot(h, ad_ref[...], preferred_element_type=jnp.float32)


def _proj(x, W, As, Ad):
    return pl.pallas_call(
        _proj_body,
        grid=(GRID,),
        in_specs=[
            pl.BlockSpec((BLK, D), lambda i: (i, 0)),
            pl.BlockSpec((D, D), lambda i: (0, 0)),
            pl.BlockSpec((D, AW), lambda i: (0, 0)),
            pl.BlockSpec((D, AW), lambda i: (0, 0)),
        ],
        out_specs=[
            pl.BlockSpec((BLK, D), lambda i: (i, 0)),
            pl.BlockSpec((BLK, AW), lambda i: (i, 0)),
            pl.BlockSpec((BLK, AW), lambda i: (i, 0)),
        ],
        out_shape=[
            jax.ShapeDtypeStruct((N, D), jnp.float32),
            jax.ShapeDtypeStruct((N, AW), jnp.float32),
            jax.ShapeDtypeStruct((N, AW), jnp.float32),
        ],
    )(x, W, As, Ad)


def _mid_body(acc_ref, b_ref, w_ref, as_ref, ad_ref, h2_ref, asrc_ref, adst_ref):
    t = acc_ref[0] + acc_ref[1]
    s0 = t[:, 128:129]
    s1 = t[:, 129:130]
    hm = jnp.concatenate(
        [t[:, 0:64] / (s0 + 1e-16), t[:, 64:128] / (s1 + 1e-16)], axis=1)
    hm = jnp.maximum(hm + b_ref[...], 0.0)
    h2 = jnp.dot(hm, w_ref[...], preferred_element_type=jnp.float32)
    h2_ref[...] = h2
    asrc_ref[...] = jnp.dot(h2, as_ref[...], preferred_element_type=jnp.float32)
    adst_ref[...] = jnp.dot(h2, ad_ref[...], preferred_element_type=jnp.float32)


def _mid(acc, b1, W2, As2, Ad2):
    return pl.pallas_call(
        _mid_body,
        grid=(GRID2,),
        in_specs=[
            pl.BlockSpec((2, BLK2, ACCW), lambda i: (0, i, 0)),
            pl.BlockSpec((1, D), lambda i: (0, 0)),
            pl.BlockSpec((D, D), lambda i: (0, 0)),
            pl.BlockSpec((D, AW), lambda i: (0, 0)),
            pl.BlockSpec((D, AW), lambda i: (0, 0)),
        ],
        out_specs=[
            pl.BlockSpec((BLK2, D), lambda i: (i, 0)),
            pl.BlockSpec((BLK2, AW), lambda i: (i, 0)),
            pl.BlockSpec((BLK2, AW), lambda i: (i, 0)),
        ],
        out_shape=[
            jax.ShapeDtypeStruct((NPAD, D), jnp.float32),
            jax.ShapeDtypeStruct((NPAD, AW), jnp.float32),
            jax.ShapeDtypeStruct((NPAD, AW), jnp.float32),
        ],
    )(acc, b1, W2, As2, Ad2)


def _fin_body(acc_ref, b_ref, out_ref):
    t = acc_ref[0] + acc_ref[1]
    s = t[:, 128:129]
    out_ref[...] = t[:, 0:128] / (s + 1e-16) + b_ref[...]


def _fin(acc, b2):
    return pl.pallas_call(
        _fin_body,
        grid=(GRID2,),
        in_specs=[
            pl.BlockSpec((2, BLK2, ACCW), lambda i: (0, i, 0)),
            pl.BlockSpec((1, D), lambda i: (0, 0)),
        ],
        out_specs=pl.BlockSpec((BLK2, D), lambda i: (i, 0)),
        out_shape=jax.ShapeDtypeStruct((NPAD, D), jnp.float32),
    )(acc, b2)


def _make_edge_kernel(heads, n_h):
    mesh = plsc.VectorSubcoreMesh(
        core_axis_name="c", subcore_axis_name="s",
        num_cores=NC, num_subcores=NS)
    rows_per_tile = NPAD // NS
    zc = rows_per_tile // 5

    @functools.partial(
        pl.kernel,
        out_type=jax.ShapeDtypeStruct((NC, NPAD, ACCW), jnp.float32),
        mesh=mesh,
        compiler_params=pltpu.CompilerParams(
            use_tc_tiling_on_sc=False, needs_layout_passes=False),
        scratch_types=[
            pltpu.VMEM((2, K), jnp.int32),
            pltpu.VMEM((K, AW), jnp.float32),
            pltpu.VMEM((K, AW), jnp.float32),
            pltpu.VMEM((K, D), jnp.float32),
            pltpu.VMEM((K, ACCW), jnp.float32),
            pltpu.SemaphoreType.DMA,
            pltpu.SemaphoreType.DMA,
            pltpu.SemaphoreType.DMA,
            pltpu.VMEM_SHARED((NPAD, ACCW), jnp.float32),
        ],
    )
    def ek(edges_hbm, asrc_hbm, adst_hbm, h_hbm, out_hbm,
           ebuf, asv, adv, rows, stage, hsem, asem, adsem, shared):
        c = lax.axis_index("c")
        s = lax.axis_index("s")
        wid = s * NC + c

        zero16 = jnp.zeros((16,), jnp.float32)

        def zrow(e, carry):
            for j in range(ACCW // 16):
                stage[e, pl.ds(j * 16, 16)] = zero16
            return carry

        lax.fori_loop(0, K, zrow, 0)
        for q in range(rows_per_tile // zc):
            pltpu.sync_copy(stage.at[pl.ds(0, zc)],
                            shared.at[pl.ds(s * rows_per_tile + q * zc, zc)])
        plsc.subcore_barrier()

        def chunk(i, carry):
            ci = wid * CH + i
            base = ci * K
            pltpu.sync_copy(edges_hbm.at[ci], ebuf)
            srcv = ebuf.at[0]
            dstv = ebuf.at[1]
            g_h = pltpu.async_copy(h_hbm.at[srcv], rows, hsem)
            g_as = pltpu.async_copy(asrc_hbm.at[srcv], asv, asem)
            g_ad = pltpu.async_copy(adst_hbm.at[dstv], adv, adsem)
            g_as.wait()
            g_ad.wait()
            g_h.wait()

            @plsc.parallel_loop(0, K, unroll=8)
            def mult(e2):
                a16 = asv[e2, :] + adv[e2, :]
                a16 = jnp.where(a16 >= 0.0, a16, 0.2 * a16)
                w16 = jnp.exp(a16)
                valid = (base + e2) < EV
                w16 = jnp.where(jnp.full((16,), valid), w16, 0.0)
                stage[e2, pl.ds(D, 16)] = w16
                w0 = jnp.broadcast_to(w16[0], (16,))
                w1 = jnp.broadcast_to(w16[1], (16,)) if heads == 2 else w0
                for j in range(8):
                    wsc = w0 if (heads == 1 or j < 4) else w1
                    stage[e2, pl.ds(j * 16, 16)] = rows[e2, pl.ds(j * 16, 16)] * wsc

            pltpu.sync_copy(stage, shared.at[dstv], add=True)
            return carry

        lax.fori_loop(0, CH, chunk, 0)
        plsc.subcore_barrier()
        for q in range(rows_per_tile // zc):
            r0 = s * rows_per_tile + q * zc
            pltpu.sync_copy(shared.at[pl.ds(r0, zc)],
                            out_hbm.at[c, pl.ds(r0, zc)])

    return ek


_edge_cache = {}


def _edge(heads, n_h):
    if (heads, n_h) not in _edge_cache:
        _edge_cache[(heads, n_h)] = _make_edge_kernel(heads, n_h)
    return _edge_cache[(heads, n_h)]


def kernel(x, edge_index, drpt, W1, att_src1, att_dst1, b1,
           W2, att_src2, att_dst2, b2):
    loop = jnp.arange(N, dtype=edge_index.dtype)
    pad = jnp.zeros((EP - EV,), dtype=edge_index.dtype)
    src = jnp.concatenate([edge_index[0], loop, pad])
    dst = jnp.concatenate([edge_index[1], loop, pad])
    edges = (jnp.stack([src, dst], 0)
             .reshape(2, NW * CH, K).transpose(1, 0, 2))

    As1 = jnp.zeros((D, AW), jnp.float32)
    As1 = As1.at[0:64, 0].set(att_src1[0]).at[64:128, 1].set(att_src1[1])
    Ad1 = jnp.zeros((D, AW), jnp.float32)
    Ad1 = Ad1.at[0:64, 0].set(att_dst1[0]).at[64:128, 1].set(att_dst1[1])
    As2 = jnp.zeros((D, AW), jnp.float32).at[:, 0].set(att_src2[0])
    Ad2 = jnp.zeros((D, AW), jnp.float32).at[:, 0].set(att_dst2[0])

    h1, as1, ad1 = _proj(x, W1, As1, Ad1)
    acc1 = _edge(2, N)(edges, as1, ad1, h1)
    h2, as2, ad2 = _mid(acc1, b1.reshape(1, D), W2, As2, Ad2)
    acc2 = _edge(1, NPAD)(edges, as2, ad2, h2)
    return _fin(acc2, b2.reshape(1, D))[:N]

# --- scband reference (transcript-rebuilt; emitter-appended) ---
"""Pipeline reference for scband-two-layer-gat-47691316854882 (READ-ONLY COPY).

The authoritative reference and input builder live on the scoring server;
editing this copy changes nothing except your own understanding.
"""

import jax, jax.numpy as jnp
import numpy as np

N_NODES = 10000
E_EDGES = 320000
IN_CH = 128
HID = 64
HEADS = 2
OUT_CH = 128
OUT_HEADS = 1


def setup_inputs(seed: int = 0) -> dict:
    key = jax.random.key(seed)
    ks = jax.random.split(key, 12)
    x = jax.random.normal(ks[0], (N_NODES, IN_CH), dtype=jnp.float32)
    edge_index = jax.random.randint(ks[1], (2, E_EDGES), 0, N_NODES, dtype=jnp.int32)
    # conv1 params: Linear(IN_CH -> HEADS*HID), attention vectors per head, bias
    W1 = jax.random.normal(ks[2], (IN_CH, HEADS * HID), dtype=jnp.float32) / jnp.sqrt(IN_CH)
    att_src1 = jax.random.normal(ks[3], (HEADS, HID), dtype=jnp.float32) / jnp.sqrt(HID)
    att_dst1 = jax.random.normal(ks[4], (HEADS, HID), dtype=jnp.float32) / jnp.sqrt(HID)
    b1 = jnp.zeros((HEADS * HID,), dtype=jnp.float32)
    # conv2 params: Linear(HEADS*HID -> OUT_HEADS*OUT_CH)
    W2 = jax.random.normal(ks[5], (HEADS * HID, OUT_HEADS * OUT_CH), dtype=jnp.float32) / jnp.sqrt(HEADS * HID)
    att_src2 = jax.random.normal(ks[6], (OUT_HEADS, OUT_CH), dtype=jnp.float32) / jnp.sqrt(OUT_CH)
    att_dst2 = jax.random.normal(ks[7], (OUT_HEADS, OUT_CH), dtype=jnp.float32) / jnp.sqrt(OUT_CH)
    b2 = jnp.zeros((OUT_HEADS * OUT_CH,), dtype=jnp.float32)
    return {
        "x": x,
        "edge_index": edge_index,
        "drpt": 0,
        "W1": W1, "att_src1": att_src1, "att_dst1": att_dst1, "b1": b1,
        "W2": W2, "att_src2": att_src2, "att_dst2": att_dst2, "b2": b2,
    }


def _gat_conv(x, W, att_src, att_dst, bias, src, dst, heads, out_ch):
    N = x.shape[0]
    h = (x @ W).reshape(N, heads, out_ch)
    a_src = jnp.sum(h * att_src[None, :, :], axis=-1)  # [N, H]
    a_dst = jnp.sum(h * att_dst[None, :, :], axis=-1)  # [N, H]
    e = a_src[src] + a_dst[dst]                        # [E, H]
    e = jax.nn.leaky_relu(e, negative_slope=0.2)
    # softmax over incoming edges of each dst node
    m = jax.ops.segment_max(e, dst, num_segments=N)
    m = jnp.where(jnp.isfinite(m), m, 0.0)
    ex = jnp.exp(e - m[dst])
    s = jax.ops.segment_sum(ex, dst, num_segments=N)
    alpha = ex / (s[dst] + 1e-16)                      # [E, H]
    msg = h[src] * alpha[:, :, None]                   # [E, H, C]
    out = jax.ops.segment_sum(msg, dst, num_segments=N)  # [N, H, C]
    return out.reshape(N, heads * out_ch) + bias


def reference(x, edge_index, drpt, W1, att_src1, att_dst1, b1, W2, att_src2, att_dst2, b2):
    N = x.shape[0]
    # PyG GATConv default add_self_loops=True
    loop = jnp.arange(N, dtype=edge_index.dtype)
    src = jnp.concatenate([edge_index[0], loop])
    dst = jnp.concatenate([edge_index[1], loop])
    h = _gat_conv(x, W1, att_src1, att_dst1, b1, src, dst, HEADS, HID)
    h = jax.nn.relu(h)
    # F.dropout with p=drpt=0 is a no-op
    out = _gat_conv(h, W2, att_src2, att_dst2, b2, src, dst, OUT_HEADS, OUT_CH)
    return out

if __name__ == "__main__":
    import jax
    _d = setup_inputs()
    print(jax.jit(kernel)(*tuple(_d.values())))

</pallas_src>

<mosaic_0001>
#map = affine_map<(d0, d1) -> (0, 0, 0)>
#map1 = affine_map<(d0, d1) -> (0, 0)>
module attributes {stable_mosaic.version = 14 : i64} {
  func.func @ek(%arg0: i32, %arg1: i32, %arg2: memref<2592x2x128xi32, #tpu.memory_space<hbm>>, %arg3: memref<10000x16xf32, #tpu.memory_space<hbm>>, %arg4: memref<10000x16xf32, #tpu.memory_space<hbm>>, %arg5: memref<10000x128xf32, #tpu.memory_space<hbm>>, %arg6: memref<2x10080x144xf32, #tpu.memory_space<hbm>>, %arg7: memref<2x128xi32, #tpu.memory_space<vmem>>, %arg8: memref<128x16xf32, #tpu.memory_space<vmem>>, %arg9: memref<128x16xf32, #tpu.memory_space<vmem>>, %arg10: memref<128x128xf32, #tpu.memory_space<vmem>>, %arg11: memref<128x144xf32, #tpu.memory_space<vmem>>, %arg12: memref<!tpu.dma_semaphore, #tpu.memory_space<semaphore_mem>>, %arg13: memref<!tpu.dma_semaphore, #tpu.memory_space<semaphore_mem>>, %arg14: memref<!tpu.dma_semaphore, #tpu.memory_space<semaphore_mem>>, %arg15: memref<10080x144xf32, #tpu.memory_space<vmem_shared>>) attributes {dimension_semantics = [#tpu.dimension_semantics<core_parallel>, #tpu.dimension_semantics<subcore_parallel>], iteration_bounds = array<i64: 2, 16>, scalar_prefetch = 0 : i64, scratch_operands = 9 : i64, tpu.core_type = #tpu.core_type<sc_vector_subcore>, window_params = [{transform_indices = #map}, {transform_indices = #map1}, {transform_indices = #map1}, {transform_indices = #map1}, {transform_indices = #map}]} {
    %mul3A = arith.constant 2 : i32
    %mul3A_0 = arith.muli %arg1, %mul3A : i32
    %add3A = arith.addi %mul3A_0, %arg0 : i32
    %broadcast_in_dim3A = arith.constant 0.000000e+00 : f32
    %broadcast_in_dim3A_1 = vector.broadcast %broadcast_in_dim3A : f32 to vector<16xf32>
    %scan3A = arith.constant 0 : i32
    %scan3A_2 = arith.constant 0 : i32
    %scan3A_3 = arith.constant 128 : i32
    %scan3A_4 = arith.addi %scan3A_2, %scan3A_3 : i32
    %scan3A_5 = arith.constant 1 : i32
    scf.for %scan3A_54 = %scan3A_2 to %scan3A_4 step %scan3A_5  : i32 {
      %swap3A = arith.index_cast %scan3A_54 : i32 to index
      %swap3A_55 = arith.constant 0 : index
      %swap3A_56 = tpu.vector_load %arg11[%swap3A, %swap3A_55] {strides = array<i32>} : memref<128x144xf32, #tpu.memory_space<vmem>>, vector<16xf32>,
      tpu.vector_store %arg11[%swap3A, %swap3A_55], %broadcast_in_dim3A_1 {strides = array<i32>} : memref<128x144xf32, #tpu.memory_space<vmem>>, vector<16xf32>,
      %swap3A_57 = arith.index_cast %scan3A_54 : i32 to index
      %swap3A_58 = arith.constant 16 : index
      %swap3A_59 = tpu.vector_load %arg11[%swap3A_57, %swap3A_58] {strides = array<i32>} : memref<128x144xf32, #tpu.memory_space<vmem>>, vector<16xf32>,
      tpu.vector_store %arg11[%swap3A_57, %swap3A_58], %broadcast_in_dim3A_1 {strides = array<i32>} : memref<128x144xf32, #tpu.memory_space<vmem>>, vector<16xf32>,
      %swap3A_60 = arith.index_cast %scan3A_54 : i32 to index
      %swap3A_61 = arith.constant 32 : index
      %swap3A_62 = tpu.vector_load %arg11[%swap3A_60, %swap3A_61] {strides = array<i32>} : memref<128x144xf32, #tpu.memory_space<vmem>>, vector<16xf32>,
      tpu.vector_store %arg11[%swap3A_60, %swap3A_61], %broadcast_in_dim3A_1 {strides = array<i32>} : memref<128x144xf32, #tpu.memory_space<vmem>>, vector<16xf32>,
      %swap3A_63 = arith.index_cast %scan3A_54 : i32 to index
      %swap3A_64 = arith.constant 48 : index
      %swap3A_65 = tpu.vector_load %arg11[%swap3A_63, %swap3A_64] {strides = array<i32>} : memref<128x144xf32, #tpu.memory_space<vmem>>, vector<16xf32>,
      tpu.vector_store %arg11[%swap3A_63, %swap3A_64], %broadcast_in_dim3A_1 {strides = array<i32>} : memref<128x144xf32, #tpu.memory_space<vmem>>, vector<16xf32>,
      %swap3A_66 = arith.index_cast %scan3A_54 : i32 to index
      %swap3A_67 = arith.constant 64 : index
      %swap3A_68 = tpu.vector_load %arg11[%swap3A_66, %swap3A_67] {strides = array<i32>} : memref<128x144xf32, #tpu.memory_space<vmem>>, vector<16xf32>,
      tpu.vector_store %arg11[%swap3A_66, %swap3A_67], %broadcast_in_dim3A_1 {strides = array<i32>} : memref<128x144xf32, #tpu.memory_space<vmem>>, vector<16xf32>,
      %swap3A_69 = arith.index_cast %scan3A_54 : i32 to index
      %swap3A_70 = arith.constant 80 : index
      %swap3A_71 = tpu.vector_load %arg11[%swap3A_69, %swap3A_70] {strides = array<i32>} : memref<128x144xf32, #tpu.memory_space<vmem>>, vector<16xf32>,
      tpu.vector_store %arg11[%swap3A_69, %swap3A_70], %broadcast_in_dim3A_1 {strides = array<i32>} : memref<128x144xf32, #tpu.memory_space<vmem>>, vector<16xf32>,
      %swap3A_72 = arith.index_cast %scan3A_54 : i32 to index
      %swap3A_73 = arith.constant 96 : index
      %swap3A_74 = tpu.vector_load %arg11[%swap3A_72, %swap3A_73] {strides = array<i32>} : memref<128x144xf32, #tpu.memory_space<vmem>>, vector<16xf32>,
      tpu.vector_store %arg11[%swap3A_72, %swap3A_73], %broadcast_in_dim3A_1 {strides = array<i32>} : memref<128x144xf32, #tpu.memory_space<vmem>>, vector<16xf32>,
      %swap3A_75 = arith.index_cast %scan3A_54 : i32 to index
      %swap3A_76 = arith.constant 112 : index
      %swap3A_77 = tpu.vector_load %arg11[%swap3A_75, %swap3A_76] {strides = array<i32>} : memref<128x144xf32, #tpu.memory_space<vmem>>, vector<16xf32>,
      tpu.vector_store %arg11[%swap3A_75, %swap3A_76], %broadcast_in_dim3A_1 {strides = array<i32>} : memref<128x144xf32, #tpu.memory_space<vmem>>, vector<16xf32>,
      %swap3A_78 = arith.index_cast %scan3A_54 : i32 to index
      %swap3A_79 = arith.constant 128 : index
      %swap3A_80 = tpu.vector_load %arg11[%swap3A_78, %swap3A_79] {strides = array<i32>} : memref<128x144xf32, #tpu.memory_space<vmem>>, vector<16xf32>,
      tpu.vector_store %arg11[%swap3A_78, %swap3A_79], %broadcast_in_dim3A_1 {strides = array<i32>} : memref<128x144xf32, #tpu.memory_space<vmem>>, vector<16xf32>,
    }
    %scan3A_6 = arith.constant 128 : i32
    %mul3A_7 = arith.constant 630 : i32
    %mul3A_8 = arith.muli %arg1, %mul3A_7 : i32
    %add3A_9 = arith.constant 0 : i32
    %add3A_10 = arith.addi %mul3A_8, %add3A_9 : i32
    "tpu.region"() ({
      %run_scoped3A = tpu.sem_alloc : memref<!tpu.dma_semaphore, #tpu.memory_space<semaphore_mem>>
      %dma_start3A = arith.constant 0 : i32
      %dma_start3A_54 = arith.constant 0 : i32
      %dma_start3A_55 = tpu.memref_slice %arg11[%dma_start3A, %dma_start3A_54] : memref<128x144xf32, #tpu.memory_space<vmem>> -> memref<126x144xf32, #tpu.memory_space<vmem>>
      %dma_start3A_56 = arith.constant 0 : i32
      %dma_start3A_57 = tpu.memref_slice %arg15[%add3A_10, %dma_start3A_56] : memref<10080x144xf32, #tpu.memory_space<vmem_shared>> -> memref<126x144xf32, #tpu.memory_space<vmem_shared>>
      %dma_start3A_58 = arith.constant 0 : i32
      %dma_start3A_59 = tpu.memref_slice %arg15[%add3A_10, %dma_start3A_58] : memref<10080x144xf32, #tpu.memory_space<vmem_shared>> -> memref<126x144xf32, #tpu.memory_space<vmem_shared>>
      %dma_start3A_60 = arith.constant 0 : i32
      %dma_start3A_61 = arith.constant 0 : i32
      %dma_start3A_62 = tpu.memref_slice %arg11[%dma_start3A_60, %dma_start3A_61] : memref<128x144xf32, #tpu.memory_space<vmem>> -> memref<126x144xf32, #tpu.memory_space<vmem>>
      tpu.enqueue_dma source(%dma_start3A_62 : memref<126x144xf32, #tpu.memory_space<vmem>>) target(%dma_start3A_59 : memref<126x144xf32, #tpu.memory_space<vmem_shared>>) target_semaphore(%run_scoped3A : memref<!tpu.dma_semaphore, #tpu.memory_space<semaphore_mem>>)
      %dma_wait3A = arith.constant 0 : i32
      %dma_wait3A_63 = arith.constant 0 : i32
      %dma_wait3A_64 = tpu.memref_slice %arg11[%dma_wait3A, %dma_wait3A_63] : memref<128x144xf32, #tpu.memory_space<vmem>> -> memref<126x144xf32, #tpu.memory_space<vmem>>
      %dma_wait3A_65 = arith.constant 0 : i32
      %dma_wait3A_66 = tpu.memref_slice %arg15[%add3A_10, %dma_wait3A_65] : memref<10080x144xf32, #tpu.memory_space<vmem_shared>> -> memref<126x144xf32, #tpu.memory_space<vmem_shared>>
      %dma_wait3A_67 = arith.constant 0 : i32
      %dma_wait3A_68 = tpu.memref_slice %arg15[%add3A_10, %dma_wait3A_67] : memref<10080x144xf32, #tpu.memory_space<vmem_shared>> -> memref<126x144xf32, #tpu.memory_space<vmem_shared>>
      %dma_wait3A_69 = arith.constant 0 : i32
      %dma_wait3A_70 = arith.constant 0 : i32
      %dma_wait3A_71 = tpu.memref_slice %arg11[%dma_wait3A_69, %dma_wait3A_70] : memref<128x144xf32, #tpu.memory_space<vmem>> -> memref<126x144xf32, #tpu.memory_space<vmem>>
      tpu.wait_dma2 semaphore(%run_scoped3A : memref<!tpu.dma_semaphore, #tpu.memory_space<semaphore_mem>>) src(%dma_wait3A_71 : memref<126x144xf32, #tpu.memory_space<vmem>>) dst(%dma_wait3A_68 : memref<126x144xf32, #tpu.memory_space<vmem_shared>>)
      tpu.yield
    }) : () -> ()
    %mul3A_11 = arith.constant 630 : i32
    %mul3A_12 = arith.muli %arg1, %mul3A_11 : i32
    %add3A_13 = arith.constant 126 : i32
    %add3A_14 = arith.addi %mul3A_12, %add3A_13 : i32
    "tpu.region"() ({
      %run_scoped3A = tpu.sem_alloc : memref<!tpu.dma_semaphore, #tpu.memory_space<semaphore_mem>>
      %dma_start3A = arith.constant 0 : i32
      %dma_start3A_54 = arith.constant 0 : i32
      %dma_start3A_55 = tpu.memref_slice %arg11[%dma_start3A, %dma_start3A_54] : memref<128x144xf32, #tpu.memory_space<vmem>> -> memref<126x144xf32, #tpu.memory_space<vmem>>
      %dma_start3A_56 = arith.constant 0 : i32
      %dma_start3A_57 = tpu.memref_slice %arg15[%add3A_14, %dma_start3A_56] : memref<10080x144xf32, #tpu.memory_space<vmem_shared>> -> memref<126x144xf32, #tpu.memory_space<vmem_shared>>
      %dma_start3A_58 = arith.constant 0 : i32
      %dma_start3A_59 = tpu.memref_slice %arg15[%add3A_14, %dma_start3A_58] : memref<10080x144xf32, #tpu.memory_space<vmem_shared>> -> memref<126x144xf32, #tpu.memory_space<vmem_shared>>
      %dma_start3A_60 = arith.constant 0 : i32
      %dma_start3A_61 = arith.constant 0 : i32
      %dma_start3A_62 = tpu.memref_slice %arg11[%dma_start3A_60, %dma_start3A_61] : memref<128x144xf32, #tpu.memory_space<vmem>> -> memref<126x144xf32, #tpu.memory_space<vmem>>
      tpu.enqueue_dma source(%dma_start3A_62 : memref<126x144xf32, #tpu.memory_space<vmem>>) target(%dma_start3A_59 : memref<126x144xf32, #tpu.memory_space<vmem_shared>>) target_semaphore(%run_scoped3A : memref<!tpu.dma_semaphore, #tpu.memory_space<semaphore_mem>>)
      %dma_wait3A = arith.constant 0 : i32
      %dma_wait3A_63 = arith.constant 0 : i32
      %dma_wait3A_64 = tpu.memref_slice %arg11[%dma_wait3A, %dma_wait3A_63] : memref<128x144xf32, #tpu.memory_space<vmem>> -> memref<126x144xf32, #tpu.memory_space<vmem>>
      %dma_wait3A_65 = arith.constant 0 : i32
      %dma_wait3A_66 = tpu.memref_slice %arg15[%add3A_14, %dma_wait3A_65] : memref<10080x144xf32, #tpu.memory_space<vmem_shared>> -> memref<126x144xf32, #tpu.memory_space<vmem_shared>>
      %dma_wait3A_67 = arith.constant 0 : i32
      %dma_wait3A_68 = tpu.memref_slice %arg15[%add3A_14, %dma_wait3A_67] : memref<10080x144xf32, #tpu.memory_space<vmem_shared>> -> memref<126x144xf32, #tpu.memory_space<vmem_shared>>
      %dma_wait3A_69 = arith.constant 0 : i32
      %dma_wait3A_70 = arith.constant 0 : i32
      %dma_wait3A_71 = tpu.memref_slice %arg11[%dma_wait3A_69, %dma_wait3A_70] : memref<128x144xf32, #tpu.memory_space<vmem>> -> memref<126x144xf32, #tpu.memory_space<vmem>>
      tpu.wait_dma2 semaphore(%run_scoped3A : memref<!tpu.dma_semaphore, #tpu.memory_space<semaphore_mem>>) src(%dma_wait3A_71 : memref<126x144xf32, #tpu.memory_space<vmem>>) dst(%dma_wait3A_68 : memref<126x144xf32, #tpu.memory_space<vmem_shared>>)
      tpu.yield
    }) : () -> ()
    %mul3A_15 = arith.constant 630 : i32
    %mul3A_16 = arith.muli %arg1, %mul3A_15 : i32
    %add3A_17 = arith.constant 252 : i32
    %add3A_18 = arith.addi %mul3A_16, %add3A_17 : i32
    "tpu.region"() ({
      %run_scoped3A = tpu.sem_alloc : memref<!tpu.dma_semaphore, #tpu.memory_space<semaphore_mem>>
      %dma_start3A = arith.constant 0 : i32
      %dma_start3A_54 = arith.constant 0 : i32
      %dma_start3A_55 = tpu.memref_slice %arg11[%dma_start3A, %dma_start3A_54] : memref<128x144xf32, #tpu.memory_space<vmem>> -> memref<126x144xf32, #tpu.memory_space<vmem>>
      %dma_start3A_56 = arith.constant 0 : i32
      %dma_start3A_57 = tpu.memref_slice %arg15[%add3A_18, %dma_start3A_56] : memref<10080x144xf32, #tpu.memory_space<vmem_shared>> -> memref<126x144xf32, #tpu.memory_space<vmem_shared>>
      %dma_start3A_58 = arith.constant 0 : i32
      %dma_start3A_59 = tpu.memref_slice %arg15[%add3A_18, %dma_start3A_58] : memref<10080x144xf32, #tpu.memory_space<vmem_shared>> -> memref<126x144xf32, #tpu.memory_space<vmem_shared>>
      %dma_start3A_60 = arith.constant 0 : i32
      %dma_start3A_61 = arith.constant 0 : i32
      %dma_start3A_62 = tpu.memref_slice %arg11[%dma_start3A_60, %dma_start3A_61] : memref<128x144xf32, #tpu.memory_space<vmem>> -> memref<126x144xf32, #tpu.memory_space<vmem>>
      tpu.enqueue_dma source(%dma_start3A_62 : memref<126x144xf32, #tpu.memory_space<vmem>>) target(%dma_start3A_59 : memref<126x144xf32, #tpu.memory_space<vmem_shared>>) target_semaphore(%run_scoped3A : memref<!tpu.dma_semaphore, #tpu.memory_space<semaphore_mem>>)
      %dma_wait3A = arith.constant 0 : i32
      %dma_wait3A_63 = arith.constant 0 : i32
      %dma_wait3A_64 = tpu.memref_slice %arg11[%dma_wait3A, %dma_wait3A_63] : memref<128x144xf32, #tpu.memory_space<vmem>> -> memref<126x144xf32, #tpu.memory_space<vmem>>
      %dma_wait3A_65 = arith.constant 0 : i32
      %dma_wait3A_66 = tpu.memref_slice %arg15[%add3A_18, %dma_wait3A_65] : memref<10080x144xf32, #tpu.memory_space<vmem_shared>> -> memref<126x144xf32, #tpu.memory_space<vmem_shared>>
      %dma_wait3A_67 = arith.constant 0 : i32
      %dma_wait3A_68 = tpu.memref_slice %arg15[%add3A_18, %dma_wait3A_67] : memref<10080x144xf32, #tpu.memory_space<vmem_shared>> -> memref<126x144xf32, #tpu.memory_space<vmem_shared>>
      %dma_wait3A_69 = arith.constant 0 : i32
      %dma_wait3A_70 = arith.constant 0 : i32
      %dma_wait3A_71 = tpu.memref_slice %arg11[%dma_wait3A_69, %dma_wait3A_70] : memref<128x144xf32, #tpu.memory_space<vmem>> -> memref<126x144xf32, #tpu.memory_space<vmem>>
      tpu.wait_dma2 semaphore(%run_scoped3A : memref<!tpu.dma_semaphore, #tpu.memory_space<semaphore_mem>>) src(%dma_wait3A_71 : memref<126x144xf32, #tpu.memory_space<vmem>>) dst(%dma_wait3A_68 : memref<126x144xf32, #tpu.memory_space<vmem_shared>>)
      tpu.yield
    }) : () -> ()
    %mul3A_19 = arith.constant 630 : i32
    %mul3A_20 = arith.muli %arg1, %mul3A_19 : i32
    %add3A_21 = arith.constant 378 : i32
    %add3A_22 = arith.addi %mul3A_20, %add3A_21 : i32
    "tpu.region"() ({
      %run_scoped3A = tpu.sem_alloc : memref<!tpu.dma_semaphore, #tpu.memory_space<semaphore_mem>>
      %dma_start3A = arith.constant 0 : i32
      %dma_start3A_54 = arith.constant 0 : i32
      %dma_start3A_55 = tpu.memref_slice %arg11[%dma_start3A, %dma_start3A_54] : memref<128x144xf32, #tpu.memory_space<vmem>> -> memref<126x144xf32, #tpu.memory_space<vmem>>
      %dma_start3A_56 = arith.constant 0 : i32
      %dma_start3A_57 = tpu.memref_slice %arg15[%add3A_22, %dma_start3A_56] : memref<10080x144xf32, #tpu.memory_space<vmem_shared>> -> memref<126x144xf32, #tpu.memory_space<vmem_shared>>
      %dma_start3A_58 = arith.constant 0 : i32
      %dma_start3A_59 = tpu.memref_slice %arg15[%add3A_22, %dma_start3A_58] : memref<10080x144xf32, #tpu.memory_space<vmem_shared>> -> memref<126x144xf32, #tpu.memory_space<vmem_shared>>
      %dma_start3A_60 = arith.constant 0 : i32
      %dma_start3A_61 = arith.constant 0 : i32
      %dma_start3A_62 = tpu.memref_slice %arg11[%dma_start3A_60, %dma_start3A_61] : memref<128x144xf32, #tpu.memory_space<vmem>> -> memref<126x144xf32, #tpu.memory_space<vmem>>
      tpu.enqueue_dma source(%dma_start3A_62 : memref<126x144xf32, #tpu.memory_space<vmem>>) target(%dma_start3A_59 : memref<126x144xf32, #tpu.memory_space<vmem_shared>>) target_semaphore(%run_scoped3A : memref<!tpu.dma_semaphore, #tpu.memory_space<semaphore_mem>>)
      %dma_wait3A = arith.constant 0 : i32
      %dma_wait3A_63 = arith.constant 0 : i32
      %dma_wait3A_64 = tpu.memref_slice %arg11[%dma_wait3A, %dma_wait3A_63] : memref<128x144xf32, #tpu.memory_space<vmem>> -> memref<126x144xf32, #tpu.memory_space<vmem>>
      %dma_wait3A_65 = arith.constant 0 : i32
      %dma_wait3A_66 = tpu.memref_slice %arg15[%add3A_22, %dma_wait3A_65] : memref<10080x144xf32, #tpu.memory_space<vmem_shared>> -> memref<126x144xf32, #tpu.memory_space<vmem_shared>>
      %dma_wait3A_67 = arith.constant 0 : i32
      %dma_wait3A_68 = tpu.memref_slice %arg15[%add3A_22, %dma_wait3A_67] : memref<10080x144xf32, #tpu.memory_space<vmem_shared>> -> memref<126x144xf32, #tpu.memory_space<vmem_shared>>
      %dma_wait3A_69 = arith.constant 0 : i32
      %dma_wait3A_70 = arith.constant 0 : i32
      %dma_wait3A_71 = tpu.memref_slice %arg11[%dma_wait3A_69, %dma_wait3A_70] : memref<128x144xf32, #tpu.memory_space<vmem>> -> memref<126x144xf32, #tpu.memory_space<vmem>>
      tpu.wait_dma2 semaphore(%run_scoped3A : memref<!tpu.dma_semaphore, #tpu.memory_space<semaphore_mem>>) src(%dma_wait3A_71 : memref<126x144xf32, #tpu.memory_space<vmem>>) dst(%dma_wait3A_68 : memref<126x144xf32, #tpu.memory_space<vmem_shared>>)
      tpu.yield
    }) : () -> ()
    %mul3A_23 = arith.constant 630 : i32
    %mul3A_24 = arith.muli %arg1, %mul3A_23 : i32
    %add3A_25 = arith.constant 504 : i32
    %add3A_26 = arith.addi %mul3A_24, %add3A_25 : i32
    "tpu.region"() ({
      %run_scoped3A = tpu.sem_alloc : memref<!tpu.dma_semaphore, #tpu.memory_space<semaphore_mem>>
      %dma_start3A = arith.constant 0 : i32
      %dma_start3A_54 = arith.constant 0 : i32
      %dma_start3A_55 = tpu.memref_slice %arg11[%dma_start3A, %dma_start3A_54] : memref<128x144xf32, #tpu.memory_space<vmem>> -> memref<126x144xf32, #tpu.memory_space<vmem>>
      %dma_start3A_56 = arith.constant 0 : i32
      %dma_start3A_57 = tpu.memref_slice %arg15[%add3A_26, %dma_start3A_56] : memref<10080x144xf32, #tpu.memory_space<vmem_shared>> -> memref<126x144xf32, #tpu.memory_space<vmem_shared>>
      %dma_start3A_58 = arith.constant 0 : i32
      %dma_start3A_59 = tpu.memref_slice %arg15[%add3A_26, %dma_start3A_58] : memref<10080x144xf32, #tpu.memory_space<vmem_shared>> -> memref<126x144xf32, #tpu.memory_space<vmem_shared>>
      %dma_start3A_60 = arith.constant 0 : i32
      %dma_start3A_61 = arith.constant 0 : i32
      %dma_start3A_62 = tpu.memref_slice %arg11[%dma_start3A_60, %dma_start3A_61] : memref<128x144xf32, #tpu.memory_space<vmem>> -> memref<126x144xf32, #tpu.memory_space<vmem>>
      tpu.enqueue_dma source(%dma_start3A_62 : memref<126x144xf32, #tpu.memory_space<vmem>>) target(%dma_start3A_59 : memref<126x144xf32, #tpu.memory_space<vmem_shared>>) target_semaphore(%run_scoped3A : memref<!tpu.dma_semaphore, #tpu.memory_space<semaphore_mem>>)
      %dma_wait3A = arith.constant 0 : i32
      %dma_wait3A_63 = arith.constant 0 : i32
      %dma_wait3A_64 = tpu.memref_slice %arg11[%dma_wait3A, %dma_wait3A_63] : memref<128x144xf32, #tpu.memory_space<vmem>> -> memref<126x144xf32, #tpu.memory_space<vmem>>
      %dma_wait3A_65 = arith.constant 0 : i32
      %dma_wait3A_66 = tpu.memref_slice %arg15[%add3A_26, %dma_wait3A_65] : memref<10080x144xf32, #tpu.memory_space<vmem_shared>> -> memref<126x144xf32, #tpu.memory_space<vmem_shared>>
      %dma_wait3A_67 = arith.constant 0 : i32
      %dma_wait3A_68 = tpu.memref_slice %arg15[%add3A_26, %dma_wait3A_67] : memref<10080x144xf32, #tpu.memory_space<vmem_shared>> -> memref<126x144xf32, #tpu.memory_space<vmem_shared>>
      %dma_wait3A_69 = arith.constant 0 : i32
      %dma_wait3A_70 = arith.constant 0 : i32
      %dma_wait3A_71 = tpu.memref_slice %arg11[%dma_wait3A_69, %dma_wait3A_70] : memref<128x144xf32, #tpu.memory_space<vmem>> -> memref<126x144xf32, #tpu.memory_space<vmem>>
      tpu.wait_dma2 semaphore(%run_scoped3A : memref<!tpu.dma_semaphore, #tpu.memory_space<semaphore_mem>>) src(%dma_wait3A_71 : memref<126x144xf32, #tpu.memory_space<vmem>>) dst(%dma_wait3A_68 : memref<126x144xf32, #tpu.memory_space<vmem_shared>>)
      tpu.yield
    }) : () -> ()
    %barrier3A = arith.constant 0 : index
    tpu.barrier barrier_id(%barrier3A)
    %scan3A_27 = arith.constant 0 : i32
    %scan3A_28 = arith.constant 0 : i32
    %scan3A_29 = arith.constant 81 : i32
    %scan3A_30 = arith.addi %scan3A_28, %scan3A_29 : i32
    %scan3A_31 = arith.constant 1 : i32
    scf.for %scan3A_54 = %scan3A_28 to %scan3A_30 step %scan3A_31  : i32 {
      %mul3A_55 = arith.constant 81 : i32
      %mul3A_56 = arith.muli %add3A, %mul3A_55 : i32
      %add3A_57 = arith.addi %mul3A_56, %scan3A_54 : i32
      %mul3A_58 = arith.constant 128 : i32
      %mul3A_59 = arith.muli %add3A_57, %mul3A_58 : i32
      "tpu.region"() ({
        %run_scoped3A_102 = tpu.sem_alloc : memref<!tpu.dma_semaphore, #tpu.memory_space<semaphore_mem>>
        %dma_start3A_103 = arith.constant 0 : i32
        %dma_start3A_104 = arith.constant 0 : i32
        %dma_start3A_105 = tpu.memref_slice %arg2[%add3A_57, %dma_start3A_103, %dma_start3A_104] : memref<2592x2x128xi32, #tpu.memory_space<hbm>> -> memref<1x2x128xi32, #tpu.memory_space<hbm>>
        %dma_start3A_106 = tpu.memref_squeeze %dma_start3A_105 : memref<1x2x128xi32, #tpu.memory_space<hbm>> -> memref<2x128xi32, #tpu.memory_space<hbm>>
        %dma_start3A_107 = arith.constant 0 : i32
        %dma_start3A_108 = arith.constant 0 : i32
        %dma_start3A_109 = tpu.memref_slice %arg2[%add3A_57, %dma_start3A_107, %dma_start3A_108] : memref<2592x2x128xi32, #tpu.memory_space<hbm>> -> memref<1x2x128xi32, #tpu.memory_space<hbm>>
        %dma_start3A_110 = tpu.memref_squeeze %dma_start3A_109 : memref<1x2x128xi32, #tpu.memory_space<hbm>> -> memref<2x128xi32, #tpu.memory_space<hbm>>
        tpu.enqueue_dma source(%dma_start3A_110 : memref<2x128xi32, #tpu.memory_space<hbm>>) target(%arg7 : memref<2x128xi32, #tpu.memory_space<vmem>>) target_semaphore(%run_scoped3A_102 : memref<!tpu.dma_semaphore, #tpu.memory_space<semaphore_mem>>)
        %dma_wait3A_111 = arith.constant 0 : i32
        %dma_wait3A_112 = arith.constant 0 : i32
        %dma_wait3A_113 = tpu.memref_slice %arg2[%add3A_57, %dma_wait3A_111, %dma_wait3A_112] : memref<2592x2x128xi32, #tpu.memory_space<hbm>> -> memref<1x2x128xi32, #tpu.memory_space<hbm>>
        %dma_wait3A_114 = tpu.memref_squeeze %dma_wait3A_113 : memref<1x2x128xi32, #tpu.memory_space<hbm>> -> memref<2x128xi32, #tpu.memory_space<hbm>>
        %dma_wait3A_115 = arith.constant 0 : i32
        %dma_wait3A_116 = arith.constant 0 : i32
        %dma_wait3A_117 = tpu.memref_slice %arg2[%add3A_57, %dma_wait3A_115, %dma_wait3A_116] : memref<2592x2x128xi32, #tpu.memory_space<hbm>> -> memref<1x2x128xi32, #tpu.memory_space<hbm>>
        %dma_wait3A_118 = tpu.memref_squeeze %dma_wait3A_117 : memref<1x2x128xi32, #tpu.memory_space<hbm>> -> memref<2x128xi32, #tpu.memory_space<hbm>>
        tpu.wait_dma2 semaphore(%run_scoped3A_102 : memref<!tpu.dma_semaphore, #tpu.memory_space<semaphore_mem>>) src(%dma_wait3A_118 : memref<2x128xi32, #tpu.memory_space<hbm>>) dst(%arg7 : memref<2x128xi32, #tpu.memory_space<vmem>>)
        tpu.yield
      }) : () -> ()
      %dma_start3A = arith.constant 0 : i32
      %dma_start3A_60 = arith.constant 0 : i32
      %dma_start3A_61 = tpu.memref_slice %arg7[%dma_start3A, %dma_start3A_60] : memref<2x128xi32, #tpu.memory_space<vmem>> -> memref<1x128xi32, #tpu.memory_space<vmem>>
      %dma_start3A_62 = tpu.memref_squeeze %dma_start3A_61 : memref<1x128xi32, #tpu.memory_space<vmem>> -> memref<128xi32, #tpu.memory_space<vmem>>
      %dma_start3A_63 = arith.constant 0 : i32
      %dma_start3A_64 = arith.constant 0 : i32
      %dma_start3A_65 = tpu.memref_slice %arg5[%dma_start3A_63, %dma_start3A_64] : memref<10000x128xf32, #tpu.memory_space<hbm>> -> memref<10000x128xf32, #tpu.memory_space<hbm>>
      tpu.enqueue_indirect_dma source(%dma_start3A_65 : memref<10000x128xf32, #tpu.memory_space<hbm>>) target(%arg10 : memref<128x128xf32, #tpu.memory_space<vmem>>) offsets(%dma_start3A_62 : memref<128xi32, #tpu.memory_space<vmem>>) semaphore(%arg12 : memref<!tpu.dma_semaphore, #tpu.memory_space<semaphore_mem>>)
      %dma_start3A_66 = arith.constant 0 : i32
      %dma_start3A_67 = arith.constant 0 : i32
      %dma_start3A_68 = tpu.memref_slice %arg7[%dma_start3A_66, %dma_start3A_67] : memref<2x128xi32, #tpu.memory_space<vmem>> -> memref<1x128xi32, #tpu.memory_space<vmem>>
      %dma_start3A_69 = tpu.memref_squeeze %dma_start3A_68 : memref<1x128xi32, #tpu.memory_space<vmem>> -> memref<128xi32, #tpu.memory_space<vmem>>
      %dma_start3A_70 = arith.constant 0 : i32
      %dma_start3A_71 = arith.constant 0 : i32
      %dma_start3A_72 = tpu.memref_slice %arg3[%dma_start3A_70, %dma_start3A_71] : memref<10000x16xf32, #tpu.memory_space<hbm>> -> memref<10000x16xf32, #tpu.memory_space<hbm>>
      tpu.enqueue_indirect_dma source(%dma_start3A_72 : memref<10000x16xf32, #tpu.memory_space<hbm>>) target(%arg8 : memref<128x16xf32, #tpu.memory_space<vmem>>) offsets(%dma_start3A_69 : memref<128xi32, #tpu.memory_space<vmem>>) semaphore(%arg13 : memref<!tpu.dma_semaphore, #tpu.memory_space<semaphore_mem>>)
      %dma_start3A_73 = arith.constant 1 : i32
      %dma_start3A_74 = arith.constant 0 : i32
      %dma_start3A_75 = tpu.memref_slice %arg7[%dma_start3A_73, %dma_start3A_74] : memref<2x128xi32, #tpu.memory_space<vmem>> -> memref<1x128xi32, #tpu.memory_space<vmem>>
      %dma_start3A_76 = tpu.memref_squeeze %dma_start3A_75 : memref<1x128xi32, #tpu.memory_space<vmem>> -> memref<128xi32, #tpu.memory_space<vmem>>
      %dma_start3A_77 = arith.constant 0 : i32
      %dma_start3A_78 = arith.constant 0 : i32
      %dma_start3A_79 = tpu.memref_slice %arg4[%dma_start3A_77, %dma_start3A_78] : memref<10000x16xf32, #tpu.memory_space<hbm>> -> memref<10000x16xf32, #tpu.memory_space<hbm>>
      tpu.enqueue_indirect_dma source(%dma_start3A_79 : memref<10000x16xf32, #tpu.memory_space<hbm>>) target(%arg9 : memref<128x16xf32, #tpu.memory_space<vmem>>) offsets(%dma_start3A_76 : memref<128xi32, #tpu.memory_space<vmem>>) semaphore(%arg14 : memref<!tpu.dma_semaphore, #tpu.memory_space<semaphore_mem>>)
      %dma_wait3A = arith.constant 0 : i32
      %dma_wait3A_80 = arith.constant 0 : i32
      %dma_wait3A_81 = tpu.memref_slice %arg7[%dma_wait3A, %dma_wait3A_80] : memref<2x128xi32, #tpu.memory_space<vmem>> -> memref<1x128xi32, #tpu.memory_space<vmem>>
      %dma_wait3A_82 = tpu.memref_squeeze %dma_wait3A_81 : memref<1x128xi32, #tpu.memory_space<vmem>> -> memref<128xi32, #tpu.memory_space<vmem>>
      %dma_wait3A_83 = arith.constant 0 : i32
      %dma_wait3A_84 = arith.constant 0 : i32
      %dma_wait3A_85 = tpu.memref_slice %arg3[%dma_wait3A_83, %dma_wait3A_84] : memref<10000x16xf32, #tpu.memory_space<hbm>> -> memref<10000x16xf32, #tpu.memory_space<hbm>>
      tpu.wait_indirect_dma semaphore(%arg13 : memref<!tpu.dma_semaphore, #tpu.memory_space<semaphore_mem>>) src(%dma_wait3A_85 : memref<10000x16xf32, #tpu.memory_space<hbm>>) dst(%arg8 : memref<128x16xf32, #tpu.memory_space<vmem>>)
      %dma_wait3A_86 = arith.constant 1 : i32
      %dma_wait3A_87 = arith.constant 0 : i32
      %dma_wait3A_88 = tpu.memref_slice %arg7[%dma_wait3A_86, %dma_wait3A_87] : memref<2x128xi32, #tpu.memory_space<vmem>> -> memref<1x128xi32, #tpu.memory_space<vmem>>
      %dma_wait3A_89 = tpu.memref_squeeze %dma_wait3A_88 : memref<1x128xi32, #tpu.memory_space<vmem>> -> memref<128xi32, #tpu.memory_space<vmem>>
      %dma_wait3A_90 = arith.constant 0 : i32
      %dma_wait3A_91 = arith.constant 0 : i32
      %dma_wait3A_92 = tpu.memref_slice %arg4[%dma_wait3A_90, %dma_wait3A_91] : memref<10000x16xf32, #tpu.memory_space<hbm>> -> memref<10000x16xf32, #tpu.memory_space<hbm>>
      tpu.wait_indirect_dma semaphore(%arg14 : memref<!tpu.dma_semaphore, #tpu.memory_space<semaphore_mem>>) src(%dma_wait3A_92 : memref<10000x16xf32, #tpu.memory_space<hbm>>) dst(%arg9 : memref<128x16xf32, #tpu.memory_space<vmem>>)
      %dma_wait3A_93 = arith.constant 0 : i32
      %dma_wait3A_94 = arith.constant 0 : i32
      %dma_wait3A_95 = tpu.memref_slice %arg7[%dma_wait3A_93, %dma_wait3A_94] : memref<2x128xi32, #tpu.memory_space<vmem>> -> memref<1x128xi32, #tpu.memory_space<vmem>>
      %dma_wait3A_96 = tpu.memref_squeeze %dma_wait3A_95 : memref<1x128xi32, #tpu.memory_space<vmem>> -> memref<128xi32, #tpu.memory_space<vmem>>
      %dma_wait3A_97 = arith.constant 0 : i32
      %dma_wait3A_98 = arith.constant 0 : i32
      %dma_wait3A_99 = tpu.memref_slice %arg5[%dma_wait3A_97, %dma_wait3A_98] : memref<10000x128xf32, #tpu.memory_space<hbm>> -> memref<10000x128xf32, #tpu.memory_space<hbm>>
      tpu.wait_indirect_dma semaphore(%arg12 : memref<!tpu.dma_semaphore, #tpu.memory_space<semaphore_mem>>) src(%dma_wait3A_99 : memref<10000x128xf32, #tpu.memory_space<hbm>>) dst(%arg10 : memref<128x128xf32, #tpu.memory_space<vmem>>)
      %parallel_loop3A = arith.constant 0 : i32
      %parallel_loop3A_100 = arith.constant 128 : i32
      %parallel_loop3A_101 = arith.constant 1 : i32
      scf.for %parallel_loop3A_102 = %parallel_loop3A to %parallel_loop3A_100 step %parallel_loop3A_101  : i32 {
        %parallel_loop3A_103 = arith.index_cast %parallel_loop3A_102 : i32 to index
        %parallel_loop3A_104 = arith.constant 0 : index
        %parallel_loop3A_105 = tpu.vector_load %arg8[%parallel_loop3A_103, %parallel_loop3A_104] {strides = array<i32>} : memref<128x16xf32, #tpu.memory_space<vmem>>, vector<16xf32>,
        %parallel_loop3A_106 = arith.index_cast %parallel_loop3A_102 : i32 to index
        %parallel_loop3A_107 = arith.constant 0 : index
        %parallel_loop3A_108 = tpu.vector_load %arg9[%parallel_loop3A_106, %parallel_loop3A_107] {strides = array<i32>} : memref<128x16xf32, #tpu.memory_space<vmem>>, vector<16xf32>,
        %parallel_loop3A_109 = arith.addf %parallel_loop3A_105, %parallel_loop3A_108 : vector<16xf32>
        %parallel_loop3A_110 = arith.constant 0.000000e+00 : f32
        %parallel_loop3A_111 = vector.broadcast %parallel_loop3A_110 : f32 to vector<16xf32>
        %parallel_loop3A_112 = arith.cmpf oge, %parallel_loop3A_109, %parallel_loop3A_111 : vector<16xf32>
        %parallel_loop3A_113 = arith.constant 2.000000e-01 : f32
        %parallel_loop3A_114 = vector.broadcast %parallel_loop3A_113 : f32 to vector<16xf32>
        %parallel_loop3A_115 = arith.mulf %parallel_loop3A_114, %parallel_loop3A_109 : vector<16xf32>
        %parallel_loop3A_116 = arith.select %parallel_loop3A_112, %parallel_loop3A_109, %parallel_loop3A_115 : vector<16xi1>, vector<16xf32>
        %parallel_loop3A_117 = math.exp %parallel_loop3A_116 : vector<16xf32>
        %parallel_loop3A_118 = arith.addi %mul3A_59, %parallel_loop3A_102 : i32
        %parallel_loop3A_119 = arith.constant 330000 : i32
        %parallel_loop3A_120 = arith.cmpi slt, %parallel_loop3A_118, %parallel_loop3A_119 : i32
        %parallel_loop3A_121 = vector.broadcast %parallel_loop3A_120 : i1 to vector<16xi1>
        %parallel_loop3A_122 = arith.constant 0.000000e+00 : f32
        %parallel_loop3A_123 = vector.broadcast %parallel_loop3A_122 : f32 to vector<16xf32>
        %parallel_loop3A_124 = arith.select %parallel_loop3A_121, %parallel_loop3A_117, %parallel_loop3A_123 : vector<16xi1>, vector<16xf32>
        %parallel_loop3A_125 = arith.index_cast %parallel_loop3A_102 : i32 to index
        %parallel_loop3A_126 = arith.constant 128 : index
        %parallel_loop3A_127 = tpu.vector_load %arg11[%parallel_loop3A_125, %parallel_loop3A_126] {strides = array<i32>} : memref<128x144xf32, #tpu.memory_space<vmem>>, vector<16xf32>,
        tpu.vector_store %arg11[%parallel_loop3A_125, %parallel_loop3A_126], %parallel_loop3A_124 {strides = array<i32>} : memref<128x144xf32, #tpu.memory_space<vmem>>, vector<16xf32>,
        %parallel_loop3A_128 = vector.extract_strided_slice %parallel_loop3A_124 {offsets = [0], sizes = [1], strides = [1]} : vector<16xf32> to vector<1xf32>
        %parallel_loop3A_129 = vector.extract %parallel_loop3A_128[0] : f32 from vector<1xf32>
        %parallel_loop3A_130 = vector.broadcast %parallel_loop3A_129 : f32 to vector<16xf32>
        %parallel_loop3A_131 = vector.extract_strided_slice %parallel_loop3A_124 {offsets = [1], sizes = [1], strides = [1]} : vector<16xf32> to vector<1xf32>
        %parallel_loop3A_132 = vector.extract %parallel_loop3A_131[0] : f32 from vector<1xf32>
        %parallel_loop3A_133 = vector.broadcast %parallel_loop3A_132 : f32 to vector<16xf32>
        %parallel_loop3A_134 = arith.index_cast %parallel_loop3A_102 : i32 to index
        %parallel_loop3A_135 = arith.constant 0 : index
        %parallel_loop3A_136 = tpu.vector_load %arg10[%parallel_loop3A_134, %parallel_loop3A_135] {strides = array<i32>} : memref<128x128xf32, #tpu.memory_space<vmem>>, vector<16xf32>,
        %parallel_loop3A_137 = arith.mulf %parallel_loop3A_136, %parallel_loop3A_130 : vector<16xf32>
        %parallel_loop3A_138 = arith.index_cast %parallel_loop3A_102 : i32 to index
        %parallel_loop3A_139 = arith.constant 0 : index
        %parallel_loop3A_140 = tpu.vector_load %arg11[%parallel_loop3A_138, %parallel_loop3A_139] {strides = array<i32>} : memref<128x144xf32, #tpu.memory_space<vmem>>, vector<16xf32>,
        tpu.vector_store %arg11[%parallel_loop3A_138, %parallel_loop3A_139], %parallel_loop3A_137 {strides = array<i32>} : memref<128x144xf32, #tpu.memory_space<vmem>>, vector<16xf32>,
        %parallel_loop3A_141 = arith.index_cast %parallel_loop3A_102 : i32 to index
        %parallel_loop3A_142 = arith.constant 16 : index
        %parallel_loop3A_143 = tpu.vector_load %arg10[%parallel_loop3A_141, %parallel_loop3A_142] {strides = array<i32>} : memref<128x128xf32, #tpu.memory_space<vmem>>, vector<16xf32>,
        %parallel_loop3A_144 = arith.mulf %parallel_loop3A_143, %parallel_loop3A_130 : vector<16xf32>
        %parallel_loop3A_145 = arith.index_cast %parallel_loop3A_102 : i32 to index
        %parallel_loop3A_146 = arith.constant 16 : index
        %parallel_loop3A_147 = tpu.vector_load %arg11[%parallel_loop3A_145, %parallel_loop3A_146] {strides = array<i32>} : memref<128x144xf32, #tpu.memory_space<vmem>>, vector<16xf32>,
        tpu.vector_store %arg11[%parallel_loop3A_145, %parallel_loop3A_146], %parallel_loop3A_144 {strides = array<i32>} : memref<128x144xf32, #tpu.memory_space<vmem>>, vector<16xf32>,
        %parallel_loop3A_148 = arith.index_cast %parallel_loop3A_102 : i32 to index
        %parallel_loop3A_149 = arith.constant 32 : index
        %parallel_loop3A_150 = tpu.vector_load %arg10[%parallel_loop3A_148, %parallel_loop3A_149] {strides = array<i32>} : memref<128x128xf32, #tpu.memory_space<vmem>>, vector<16xf32>,
        %parallel_loop3A_151 = arith.mulf %parallel_loop3A_150, %parallel_loop3A_130 : vector<16xf32>
        %parallel_loop3A_152 = arith.index_cast %parallel_loop3A_102 : i32 to index
        %parallel_loop3A_153 = arith.constant 32 : index
        %parallel_loop3A_154 = tpu.vector_load %arg11[%parallel_loop3A_152, %parallel_loop3A_153] {strides = array<i32>} : memref<128x144xf32, #tpu.memory_space<vmem>>, vector<16xf32>,
        tpu.vector_store %arg11[%parallel_loop3A_152, %parallel_loop3A_153], %parallel_loop3A_151 {strides = array<i32>} : memref<128x144xf32, #tpu.memory_space<vmem>>, vector<16xf32>,
        %parallel_loop3A_155 = arith.index_cast %parallel_loop3A_102 : i32 to index
        %parallel_loop3A_156 = arith.constant 48 : index
        %parallel_loop3A_157 = tpu.vector_load %arg10[%parallel_loop3A_155, %parallel_loop3A_156] {strides = array<i32>} : memref<128x128xf32, #tpu.memory_space<vmem>>, vector<16xf32>,
        %parallel_loop3A_158 = arith.mulf %parallel_loop3A_157, %parallel_loop3A_130 : vector<16xf32>
        %parallel_loop3A_159 = arith.index_cast %parallel_loop3A_102 : i32 to index
        %parallel_loop3A_160 = arith.constant 48 : index
        %parallel_loop3A_161 = tpu.vector_load %arg11[%parallel_loop3A_159, %parallel_loop3A_160] {strides = array<i32>} : memref<128x144xf32, #tpu.memory_space<vmem>>, vector<16xf32>,
        tpu.vector_store %arg11[%parallel_loop3A_159, %parallel_loop3A_160], %parallel_loop3A_158 {strides = array<i32>} : memref<128x144xf32, #tpu.memory_space<vmem>>, vector<16xf32>,
        %parallel_loop3A_162 = arith.index_cast %parallel_loop3A_102 : i32 to index
        %parallel_loop3A_163 = arith.constant 64 : index
        %parallel_loop3A_164 = tpu.vector_load %arg10[%parallel_loop3A_162, %parallel_loop3A_163] {strides = array<i32>} : memref<128x128xf32, #tpu.memory_space<vmem>>, vector<16xf32>,
        %parallel_loop3A_165 = arith.mulf %parallel_loop3A_164, %parallel_loop3A_133 : vector<16xf32>
        %parallel_loop3A_166 = arith.index_cast %parallel_loop3A_102 : i32 to index
        %parallel_loop3A_167 = arith.constant 64 : index
        %parallel_loop3A_168 = tpu.vector_load %arg11[%parallel_loop3A_166, %parallel_loop3A_167] {strides = array<i32>} : memref<128x144xf32, #tpu.memory_space<vmem>>, vector<16xf32>,
        tpu.vector_store %arg11[%parallel_loop3A_166, %parallel_loop3A_167], %parallel_loop3A_165 {strides = array<i32>} : memref<128x144xf32, #tpu.memory_space<vmem>>, vector<16xf32>,
        %parallel_loop3A_169 = arith.index_cast %parallel_loop3A_102 : i32 to index
        %parallel_loop3A_170 = arith.constant 80 : index
        %parallel_loop3A_171 = tpu.vector_load %arg10[%parallel_loop3A_169, %parallel_loop3A_170] {strides = array<i32>} : memref<128x128xf32, #tpu.memory_space<vmem>>, vector<16xf32>,
        %parallel_loop3A_172 = arith.mulf %parallel_loop3A_171, %parallel_loop3A_133 : vector<16xf32>
        %parallel_loop3A_173 = arith.index_cast %parallel_loop3A_102 : i32 to index
        %parallel_loop3A_174 = arith.constant 80 : index
        %parallel_loop3A_175 = tpu.vector_load %arg11[%parallel_loop3A_173, %parallel_loop3A_174] {strides = array<i32>} : memref<128x144xf32, #tpu.memory_space<vmem>>, vector<16xf32>,
        tpu.vector_store %arg11[%parallel_loop3A_173, %parallel_loop3A_174], %parallel_loop3A_172 {strides = array<i32>} : memref<128x144xf32, #tpu.memory_space<vmem>>, vector<16xf32>,
        %parallel_loop3A_176 = arith.index_cast %parallel_loop3A_102 : i32 to index
        %parallel_loop3A_177 = arith.constant 96 : index
        %parallel_loop3A_178 = tpu.vector_load %arg10[%parallel_loop3A_176, %parallel_loop3A_177] {strides = array<i32>} : memref<128x128xf32, #tpu.memory_space<vmem>>, vector<16xf32>,
        %parallel_loop3A_179 = arith.mulf %parallel_loop3A_178, %parallel_loop3A_133 : vector<16xf32>
        %parallel_loop3A_180 = arith.index_cast %parallel_loop3A_102 : i32 to index
        %parallel_loop3A_181 = arith.constant 96 : index
        %parallel_loop3A_182 = tpu.vector_load %arg11[%parallel_loop3A_180, %parallel_loop3A_181] {strides = array<i32>} : memref<128x144xf32, #tpu.memory_space<vmem>>, vector<16xf32>,
        tpu.vector_store %arg11[%parallel_loop3A_180, %parallel_loop3A_181], %parallel_loop3A_179 {strides = array<i32>} : memref<128x144xf32, #tpu.memory_space<vmem>>, vector<16xf32>,
        %parallel_loop3A_183 = arith.index_cast %parallel_loop3A_102 : i32 to index
        %parallel_loop3A_184 = arith.constant 112 : index
        %parallel_loop3A_185 = tpu.vector_load %arg10[%parallel_loop3A_183, %parallel_loop3A_184] {strides = array<i32>} : memref<128x128xf32, #tpu.memory_space<vmem>>, vector<16xf32>,
        %parallel_loop3A_186 = arith.mulf %parallel_loop3A_185, %parallel_loop3A_133 : vector<16xf32>
        %parallel_loop3A_187 = arith.index_cast %parallel_loop3A_102 : i32 to index
        %parallel_loop3A_188 = arith.constant 112 : index
        %parallel_loop3A_189 = tpu.vector_load %arg11[%parallel_loop3A_187, %parallel_loop3A_188] {strides = array<i32>} : memref<128x144xf32, #tpu.memory_space<vmem>>, vector<16xf32>,
        tpu.vector_store %arg11[%parallel_loop3A_187, %parallel_loop3A_188], %parallel_loop3A_186 {strides = array<i32>} : memref<128x144xf32, #tpu.memory_space<vmem>>, vector<16xf32>,
      } {sc.loop_unroll_factor = 8 : i64, sc.parallel_access}
      %run_scoped3A = arith.constant 1 : i32
      "tpu.region"() ({
        %run_scoped3A_102 = tpu.sem_alloc : memref<!tpu.dma_semaphore, #tpu.memory_space<semaphore_mem>>
        %dma_start3A_103 = arith.constant 0 : i32
        %dma_start3A_104 = tpu.memref_slice %arg7[%run_scoped3A, %dma_start3A_103] : memref<2x128xi32, #tpu.memory_space<vmem>> -> memref<1x128xi32, #tpu.memory_space<vmem>>
        %dma_start3A_105 = tpu.memref_squeeze %dma_start3A_104 : memref<1x128xi32, #tpu.memory_space<vmem>> -> memref<128xi32, #tpu.memory_space<vmem>>
        %dma_start3A_106 = arith.constant 0 : i32
        %dma_start3A_107 = arith.constant 0 : i32
        %dma_start3A_108 = tpu.memref_slice %arg15[%dma_start3A_106, %dma_start3A_107] : memref<10080x144xf32, #tpu.memory_space<vmem_shared>> -> memref<10080x144xf32, #tpu.memory_space<vmem_shared>>
        tpu.enqueue_indirect_dma source(%arg11 : memref<128x144xf32, #tpu.memory_space<vmem>>) target(%dma_start3A_108 : memref<10080x144xf32, #tpu.memory_space<vmem_shared>>) offsets(%dma_start3A_105 : memref<128xi32, #tpu.memory_space<vmem>>) semaphore(%run_scoped3A_102 : memref<!tpu.dma_semaphore, #tpu.memory_space<semaphore_mem>>) {add = true}
        %dma_wait3A_109 = arith.constant 0 : i32
        %dma_wait3A_110 = tpu.memref_slice %arg7[%run_scoped3A, %dma_wait3A_109] : memref<2x128xi32, #tpu.memory_space<vmem>> -> memref<1x128xi32, #tpu.memory_space<vmem>>
        %dma_wait3A_111 = tpu.memref_squeeze %dma_wait3A_110 : memref<1x128xi32, #tpu.memory_space<vmem>> -> memref<128xi32, #tpu.memory_space<vmem>>
        %dma_wait3A_112 = arith.constant 0 : i32
        %dma_wait3A_113 = arith.constant 0 : i32
        %dma_wait3A_114 = tpu.memref_slice %arg15[%dma_wait3A_112, %dma_wait3A_113] : memref<10080x144xf32, #tpu.memory_space<vmem_shared>> -> memref<10080x144xf32, #tpu.memory_space<vmem_shared>>
        tpu.wait_indirect_dma semaphore(%run_scoped3A_102 : memref<!tpu.dma_semaphore, #tpu.memory_space<semaphore_mem>>) src(%arg11 : memref<128x144xf32, #tpu.memory_space<vmem>>) dst(%dma_wait3A_114 : memref<10080x144xf32, #tpu.memory_space<vmem_shared>>)
        tpu.yield
      }) : () -> ()
    }
    %scan3A_32 = arith.constant 81 : i32
    %barrier3A_33 = arith.constant 0 : index
    tpu.barrier barrier_id(%barrier3A_33)
    %mul3A_34 = arith.constant 630 : i32
    %mul3A_35 = arith.muli %arg1, %mul3A_34 : i32
    %add3A_36 = arith.constant 0 : i32
    %add3A_37 = arith.addi %mul3A_35, %add3A_36 : i32
    "tpu.region"() ({
      %run_scoped3A = tpu.sem_alloc : memref<!tpu.dma_semaphore, #tpu.memory_space<semaphore_mem>>
      %dma_start3A = arith.constant 0 : i32
      %dma_start3A_54 = tpu.memref_slice %arg6[%arg0, %add3A_37, %dma_start3A] : memref<2x10080x144xf32, #tpu.memory_space<hbm>> -> memref<1x126x144xf32, #tpu.memory_space<hbm>>
      %dma_start3A_55 = tpu.memref_squeeze %dma_start3A_54 : memref<1x126x144xf32, #tpu.memory_space<hbm>> -> memref<126x144xf32, #tpu.memory_space<hbm>>
      %dma_start3A_56 = arith.constant 0 : i32
      %dma_start3A_57 = tpu.memref_slice %arg15[%add3A_37, %dma_start3A_56] : memref<10080x144xf32, #tpu.memory_space<vmem_shared>> -> memref<126x144xf32, #tpu.memory_space<vmem_shared>>
      tpu.enqueue_dma source(%dma_start3A_57 : memref<126x144xf32, #tpu.memory_space<vmem_shared>>) target(%dma_start3A_55 : memref<126x144xf32, #tpu.memory_space<hbm>>) target_semaphore(%run_scoped3A : memref<!tpu.dma_semaphore, #tpu.memory_space<semaphore_mem>>)
      %dma_wait3A = arith.constant 0 : i32
      %dma_wait3A_58 = tpu.memref_slice %arg6[%arg0, %add3A_37, %dma_wait3A] : memref<2x10080x144xf32, #tpu.memory_space<hbm>> -> memref<1x126x144xf32, #tpu.memory_space<hbm>>
      %dma_wait3A_59 = tpu.memref_squeeze %dma_wait3A_58 : memref<1x126x144xf32, #tpu.memory_space<hbm>> -> memref<126x144xf32, #tpu.memory_space<hbm>>
      %dma_wait3A_60 = arith.constant 0 : i32
      %dma_wait3A_61 = tpu.memref_slice %arg15[%add3A_37, %dma_wait3A_60] : memref<10080x144xf32, #tpu.memory_space<vmem_shared>> -> memref<126x144xf32, #tpu.memory_space<vmem_shared>>
      tpu.wait_dma2 semaphore(%run_scoped3A : memref<!tpu.dma_semaphore, #tpu.memory_space<semaphore_mem>>) src(%dma_wait3A_61 : memref<126x144xf32, #tpu.memory_space<vmem_shared>>) dst(%dma_wait3A_59 : memref<126x144xf32, #tpu.memory_space<hbm>>)
      tpu.yield
    }) : () -> ()
    %mul3A_38 = arith.constant 630 : i32
    %mul3A_39 = arith.muli %arg1, %mul3A_38 : i32
    %add3A_40 = arith.constant 126 : i32
    %add3A_41 = arith.addi %mul3A_39, %add3A_40 : i32
    "tpu.region"() ({
      %run_scoped3A = tpu.sem_alloc : memref<!tpu.dma_semaphore, #tpu.memory_space<semaphore_mem>>
      %dma_start3A = arith.constant 0 : i32
      %dma_start3A_54 = tpu.memref_slice %arg6[%arg0, %add3A_41, %dma_start3A] : memref<2x10080x144xf32, #tpu.memory_space<hbm>> -> memref<1x126x144xf32, #tpu.memory_space<hbm>>
      %dma_start3A_55 = tpu.memref_squeeze %dma_start3A_54 : memref<1x126x144xf32, #tpu.memory_space<hbm>> -> memref<126x144xf32, #tpu.memory_space<hbm>>
      %dma_start3A_56 = arith.constant 0 : i32
      %dma_start3A_57 = tpu.memref_slice %arg15[%add3A_41, %dma_start3A_56] : memref<10080x144xf32, #tpu.memory_space<vmem_shared>> -> memref<126x144xf32, #tpu.memory_space<vmem_shared>>
      tpu.enqueue_dma source(%dma_start3A_57 : memref<126x144xf32, #tpu.memory_space<vmem_shared>>) target(%dma_start3A_55 : memref<126x144xf32, #tpu.memory_space<hbm>>) target_semaphore(%run_scoped3A : memref<!tpu.dma_semaphore, #tpu.memory_space<semaphore_mem>>)
      %dma_wait3A = arith.constant 0 : i32
      %dma_wait3A_58 = tpu.memref_slice %arg6[%arg0, %add3A_41, %dma_wait3A] : memref<2x10080x144xf32, #tpu.memory_space<hbm>> -> memref<1x126x144xf32, #tpu.memory_space<hbm>>
      %dma_wait3A_59 = tpu.memref_squeeze %dma_wait3A_58 : memref<1x126x144xf32, #tpu.memory_space<hbm>> -> memref<126x144xf32, #tpu.memory_space<hbm>>
      %dma_wait3A_60 = arith.constant 0 : i32
      %dma_wait3A_61 = tpu.memref_slice %arg15[%add3A_41, %dma_wait3A_60] : memref<10080x144xf32, #tpu.memory_space<vmem_shared>> -> memref<126x144xf32, #tpu.memory_space<vmem_shared>>
      tpu.wait_dma2 semaphore(%run_scoped3A : memref<!tpu.dma_semaphore, #tpu.memory_space<semaphore_mem>>) src(%dma_wait3A_61 : memref<126x144xf32, #tpu.memory_space<vmem_shared>>) dst(%dma_wait3A_59 : memref<126x144xf32, #tpu.memory_space<hbm>>)
      tpu.yield
    }) : () -> ()
    %mul3A_42 = arith.constant 630 : i32
    %mul3A_43 = arith.muli %arg1, %mul3A_42 : i32
    %add3A_44 = arith.constant 252 : i32
    %add3A_45 = arith.addi %mul3A_43, %add3A_44 : i32
    "tpu.region"() ({
      %run_scoped3A = tpu.sem_alloc : memref<!tpu.dma_semaphore, #tpu.memory_space<semaphore_mem>>
      %dma_start3A = arith.constant 0 : i32
      %dma_start3A_54 = tpu.memref_slice %arg6[%arg0, %add3A_45, %dma_start3A] : memref<2x10080x144xf32, #tpu.memory_space<hbm>> -> memref<1x126x144xf32, #tpu.memory_space<hbm>>
      %dma_start3A_55 = tpu.memref_squeeze %dma_start3A_54 : memref<1x126x144xf32, #tpu.memory_space<hbm>> -> memref<126x144xf32, #tpu.memory_space<hbm>>
      %dma_start3A_56 = arith.constant 0 : i32
      %dma_start3A_57 = tpu.memref_slice %arg15[%add3A_45, %dma_start3A_56] : memref<10080x144xf32, #tpu.memory_space<vmem_shared>> -> memref<126x144xf32, #tpu.memory_space<vmem_shared>>
      tpu.enqueue_dma source(%dma_start3A_57 : memref<126x144xf32, #tpu.memory_space<vmem_shared>>) target(%dma_start3A_55 : memref<126x144xf32, #tpu.memory_space<hbm>>) target_semaphore(%run_scoped3A : memref<!tpu.dma_semaphore, #tpu.memory_space<semaphore_mem>>)
      %dma_wait3A = arith.constant 0 : i32
      %dma_wait3A_58 = tpu.memref_slice %arg6[%arg0, %add3A_45, %dma_wait3A] : memref<2x10080x144xf32, #tpu.memory_space<hbm>> -> memref<1x126x144xf32, #tpu.memory_space<hbm>>
      %dma_wait3A_59 = tpu.memref_squeeze %dma_wait3A_58 : memref<1x126x144xf32, #tpu.memory_space<hbm>> -> memref<126x144xf32, #tpu.memory_space<hbm>>
      %dma_wait3A_60 = arith.constant 0 : i32
      %dma_wait3A_61 = tpu.memref_slice %arg15[%add3A_45, %dma_wait3A_60] : memref<10080x144xf32, #tpu.memory_space<vmem_shared>> -> memref<126x144xf32, #tpu.memory_space<vmem_shared>>
      tpu.wait_dma2 semaphore(%run_scoped3A : memref<!tpu.dma_semaphore, #tpu.memory_space<semaphore_mem>>) src(%dma_wait3A_61 : memref<126x144xf32, #tpu.memory_space<vmem_shared>>) dst(%dma_wait3A_59 : memref<126x144xf32, #tpu.memory_space<hbm>>)
      tpu.yield
    }) : () -> ()
    %mul3A_46 = arith.constant 630 : i32
    %mul3A_47 = arith.muli %arg1, %mul3A_46 : i32
    %add3A_48 = arith.constant 378 : i32
    %add3A_49 = arith.addi %mul3A_47, %add3A_48 : i32
    "tpu.region"() ({
      %run_scoped3A = tpu.sem_alloc : memref<!tpu.dma_semaphore, #tpu.memory_space<semaphore_mem>>
      %dma_start3A = arith.constant 0 : i32
      %dma_start3A_54 = tpu.memref_slice %arg6[%arg0, %add3A_49, %dma_start3A] : memref<2x10080x144xf32, #tpu.memory_space<hbm>> -> memref<1x126x144xf32, #tpu.memory_space<hbm>>
      %dma_start3A_55 = tpu.memref_squeeze %dma_start3A_54 : memref<1x126x144xf32, #tpu.memory_space<hbm>> -> memref<126x144xf32, #tpu.memory_space<hbm>>
      %dma_start3A_56 = arith.constant 0 : i32
      %dma_start3A_57 = tpu.memref_slice %arg15[%add3A_49, %dma_start3A_56] : memref<10080x144xf32, #tpu.memory_space<vmem_shared>> -> memref<126x144xf32, #tpu.memory_space<vmem_shared>>
      tpu.enqueue_dma source(%dma_start3A_57 : memref<126x144xf32, #tpu.memory_space<vmem_shared>>) target(%dma_start3A_55 : memref<126x144xf32, #tpu.memory_space<hbm>>) target_semaphore(%run_scoped3A : memref<!tpu.dma_semaphore, #tpu.memory_space<semaphore_mem>>)
      %dma_wait3A = arith.constant 0 : i32
      %dma_wait3A_58 = tpu.memref_slice %arg6[%arg0, %add3A_49, %dma_wait3A] : memref<2x10080x144xf32, #tpu.memory_space<hbm>> -> memref<1x126x144xf32, #tpu.memory_space<hbm>>
      %dma_wait3A_59 = tpu.memref_squeeze %dma_wait3A_58 : memref<1x126x144xf32, #tpu.memory_space<hbm>> -> memref<126x144xf32, #tpu.memory_space<hbm>>
      %dma_wait3A_60 = arith.constant 0 : i32
      %dma_wait3A_61 = tpu.memref_slice %arg15[%add3A_49, %dma_wait3A_60] : memref<10080x144xf32, #tpu.memory_space<vmem_shared>> -> memref<126x144xf32, #tpu.memory_space<vmem_shared>>
      tpu.wait_dma2 semaphore(%run_scoped3A : memref<!tpu.dma_semaphore, #tpu.memory_space<semaphore_mem>>) src(%dma_wait3A_61 : memref<126x144xf32, #tpu.memory_space<vmem_shared>>) dst(%dma_wait3A_59 : memref<126x144xf32, #tpu.memory_space<hbm>>)
      tpu.yield
    }) : () -> ()
    %mul3A_50 = arith.constant 630 : i32
    %mul3A_51 = arith.muli %arg1, %mul3A_50 : i32
    %add3A_52 = arith.constant 504 : i32
    %add3A_53 = arith.addi %mul3A_51, %add3A_52 : i32
    "tpu.region"() ({
      %run_scoped3A = tpu.sem_alloc : memref<!tpu.dma_semaphore, #tpu.memory_space<semaphore_mem>>
      %dma_start3A = arith.constant 0 : i32
      %dma_start3A_54 = tpu.memref_slice %arg6[%arg0, %add3A_53, %dma_start3A] : memref<2x10080x144xf32, #tpu.memory_space<hbm>> -> memref<1x126x144xf32, #tpu.memory_space<hbm>>
      %dma_start3A_55 = tpu.memref_squeeze %dma_start3A_54 : memref<1x126x144xf32, #tpu.memory_space<hbm>> -> memref<126x144xf32, #tpu.memory_space<hbm>>
      %dma_start3A_56 = arith.constant 0 : i32
      %dma_start3A_57 = tpu.memref_slice %arg15[%add3A_53, %dma_start3A_56] : memref<10080x144xf32, #tpu.memory_space<vmem_shared>> -> memref<126x144xf32, #tpu.memory_space<vmem_shared>>
      tpu.enqueue_dma source(%dma_start3A_57 : memref<126x144xf32, #tpu.memory_space<vmem_shared>>) target(%dma_start3A_55 : memref<126x144xf32, #tpu.memory_space<hbm>>) target_semaphore(%run_scoped3A : memref<!tpu.dma_semaphore, #tpu.memory_space<semaphore_mem>>)
      %dma_wait3A = arith.constant 0 : i32
      %dma_wait3A_58 = tpu.memref_slice %arg6[%arg0, %add3A_53, %dma_wait3A] : memref<2x10080x144xf32, #tpu.memory_space<hbm>> -> memref<1x126x144xf32, #tpu.memory_space<hbm>>
      %dma_wait3A_59 = tpu.memref_squeeze %dma_wait3A_58 : memref<1x126x144xf32, #tpu.memory_space<hbm>> -> memref<126x144xf32, #tpu.memory_space<hbm>>
      %dma_wait3A_60 = arith.constant 0 : i32
      %dma_wait3A_61 = tpu.memref_slice %arg15[%add3A_53, %dma_wait3A_60] : memref<10080x144xf32, #tpu.memory_space<vmem_shared>> -> memref<126x144xf32, #tpu.memory_space<vmem_shared>>
      tpu.wait_dma2 semaphore(%run_scoped3A : memref<!tpu.dma_semaphore, #tpu.memory_space<semaphore_mem>>) src(%dma_wait3A_61 : memref<126x144xf32, #tpu.memory_space<vmem_shared>>) dst(%dma_wait3A_59 : memref<126x144xf32, #tpu.memory_space<hbm>>)
      tpu.yield
    }) : () -> ()
    return
  }
}

#map = affine_map<(d0, d1) -> (0, 0, 0)>
#map1 = affine_map<(d0, d1) -> (0, 0)>
module attributes {stable_mosaic.version = 14 : i64} {
  func.func @ek(%arg0: i32, %arg1: i32, %arg2: memref<2592x2x128xi32, #tpu.memory_space<hbm>>, %arg3: memref<10080x16xf32, #tpu.memory_space<hbm>>, %arg4: memref<10080x16xf32, #tpu.memory_space<hbm>>, %arg5: memref<10080x128xf32, #tpu.memory_space<hbm>>, %arg6: memref<2x10080x144xf32, #tpu.memory_space<hbm>>, %arg7: memref<2x128xi32, #tpu.memory_space<vmem>>, %arg8: memref<128x16xf32, #tpu.memory_space<vmem>>, %arg9: memref<128x16xf32, #tpu.memory_space<vmem>>, %arg10: memref<128x128xf32, #tpu.memory_space<vmem>>, %arg11: memref<128x144xf32, #tpu.memory_space<vmem>>, %arg12: memref<!tpu.dma_semaphore, #tpu.memory_space<semaphore_mem>>, %arg13: memref<!tpu.dma_semaphore, #tpu.memory_space<semaphore_mem>>, %arg14: memref<!tpu.dma_semaphore, #tpu.memory_space<semaphore_mem>>, %arg15: memref<10080x144xf32, #tpu.memory_space<vmem_shared>>) attributes {dimension_semantics = [#tpu.dimension_semantics<core_parallel>, #tpu.dimension_semantics<subcore_parallel>], iteration_bounds = array<i64: 2, 16>, scalar_prefetch = 0 : i64, scratch_operands = 9 : i64, tpu.core_type = #tpu.core_type<sc_vector_subcore>, window_params = [{transform_indices = #map}, {transform_indices = #map1}, {transform_indices = #map1}, {transform_indices = #map1}, {transform_indices = #map}]} {
    %mul3A = arith.constant 2 : i32
    %mul3A_0 = arith.muli %arg1, %mul3A : i32
    %add3A = arith.addi %mul3A_0, %arg0 : i32
    %broadcast_in_dim3A = arith.constant 0.000000e+00 : f32
    %broadcast_in_dim3A_1 = vector.broadcast %broadcast_in_dim3A : f32 to vector<16xf32>
    %scan3A = arith.constant 0 : i32
    %scan3A_2 = arith.constant 0 : i32
    %scan3A_3 = arith.constant 128 : i32
    %scan3A_4 = arith.addi %scan3A_2, %scan3A_3 : i32
    %scan3A_5 = arith.constant 1 : i32
    scf.for %scan3A_54 = %scan3A_2 to %scan3A_4 step %scan3A_5  : i32 {
      %swap3A = arith.index_cast %scan3A_54 : i32 to index
      %swap3A_55 = arith.constant 0 : index
      %swap3A_56 = tpu.vector_load %arg11[%swap3A, %swap3A_55] {strides = array<i32>} : memref<128x144xf32, #tpu.memory_space<vmem>>, vector<16xf32>,
      tpu.vector_store %arg11[%swap3A, %swap3A_55], %broadcast_in_dim3A_1 {strides = array<i32>} : memref<128x144xf32, #tpu.memory_space<vmem>>, vector<16xf32>,
      %swap3A_57 = arith.index_cast %scan3A_54 : i32 to index
      %swap3A_58 = arith.constant 16 : index
      %swap3A_59 = tpu.vector_load %arg11[%swap3A_57, %swap3A_58] {strides = array<i32>} : memref<128x144xf32, #tpu.memory_space<vmem>>, vector<16xf32>,
      tpu.vector_store %arg11[%swap3A_57, %swap3A_58], %broadcast_in_dim3A_1 {strides = array<i32>} : memref<128x144xf32, #tpu.memory_space<vmem>>, vector<16xf32>,
      %swap3A_60 = arith.index_cast %scan3A_54 : i32 to index
      %swap3A_61 = arith.constant 32 : index
      %swap3A_62 = tpu.vector_load %arg11[%swap3A_60, %swap3A_61] {strides = array<i32>} : memref<128x144xf32, #tpu.memory_space<vmem>>, vector<16xf32>,
      tpu.vector_store %arg11[%swap3A_60, %swap3A_61], %broadcast_in_dim3A_1 {strides = array<i32>} : memref<128x144xf32, #tpu.memory_space<vmem>>, vector<16xf32>,
      %swap3A_63 = arith.index_cast %scan3A_54 : i32 to index
      %swap3A_64 = arith.constant 48 : index
      %swap3A_65 = tpu.vector_load %arg11[%swap3A_63, %swap3A_64] {strides = array<i32>} : memref<128x144xf32, #tpu.memory_space<vmem>>, vector<16xf32>,
      tpu.vector_store %arg11[%swap3A_63, %swap3A_64], %broadcast_in_dim3A_1 {strides = array<i32>} : memref<128x144xf32, #tpu.memory_space<vmem>>, vector<16xf32>,
      %swap3A_66 = arith.index_cast %scan3A_54 : i32 to index
      %swap3A_67 = arith.constant 64 : index
      %swap3A_68 = tpu.vector_load %arg11[%swap3A_66, %swap3A_67] {strides = array<i32>} : memref<128x144xf32, #tpu.memory_space<vmem>>, vector<16xf32>,
      tpu.vector_store %arg11[%swap3A_66, %swap3A_67], %broadcast_in_dim3A_1 {strides = array<i32>} : memref<128x144xf32, #tpu.memory_space<vmem>>, vector<16xf32>,
      %swap3A_69 = arith.index_cast %scan3A_54 : i32 to index
      %swap3A_70 = arith.constant 80 : index
      %swap3A_71 = tpu.vector_load %arg11[%swap3A_69, %swap3A_70] {strides = array<i32>} : memref<128x144xf32, #tpu.memory_space<vmem>>, vector<16xf32>,
      tpu.vector_store %arg11[%swap3A_69, %swap3A_70], %broadcast_in_dim3A_1 {strides = array<i32>} : memref<128x144xf32, #tpu.memory_space<vmem>>, vector<16xf32>,
      %swap3A_72 = arith.index_cast %scan3A_54 : i32 to index
      %swap3A_73 = arith.constant 96 : index
      %swap3A_74 = tpu.vector_load %arg11[%swap3A_72, %swap3A_73] {strides = array<i32>} : memref<128x144xf32, #tpu.memory_space<vmem>>, vector<16xf32>,
      tpu.vector_store %arg11[%swap3A_72, %swap3A_73], %broadcast_in_dim3A_1 {strides = array<i32>} : memref<128x144xf32, #tpu.memory_space<vmem>>, vector<16xf32>,
      %swap3A_75 = arith.index_cast %scan3A_54 : i32 to index
      %swap3A_76 = arith.constant 112 : index
      %swap3A_77 = tpu.vector_load %arg11[%swap3A_75, %swap3A_76] {strides = array<i32>} : memref<128x144xf32, #tpu.memory_space<vmem>>, vector<16xf32>,
      tpu.vector_store %arg11[%swap3A_75, %swap3A_76], %broadcast_in_dim3A_1 {strides = array<i32>} : memref<128x144xf32, #tpu.memory_space<vmem>>, vector<16xf32>,
      %swap3A_78 = arith.index_cast %scan3A_54 : i32 to index
      %swap3A_79 = arith.constant 128 : index
      %swap3A_80 = tpu.vector_load %arg11[%swap3A_78, %swap3A_79] {strides = array<i32>} : memref<128x144xf32, #tpu.memory_space<vmem>>, vector<16xf32>,
      tpu.vector_store %arg11[%swap3A_78, %swap3A_79], %broadcast_in_dim3A_1 {strides = array<i32>} : memref<128x144xf32, #tpu.memory_space<vmem>>, vector<16xf32>,
    }
    %scan3A_6 = arith.constant 128 : i32
    %mul3A_7 = arith.constant 630 : i32
    %mul3A_8 = arith.muli %arg1, %mul3A_7 : i32
    %add3A_9 = arith.constant 0 : i32
    %add3A_10 = arith.addi %mul3A_8, %add3A_9 : i32
    "tpu.region"() ({
      %run_scoped3A = tpu.sem_alloc : memref<!tpu.dma_semaphore, #tpu.memory_space<semaphore_mem>>
      %dma_start3A = arith.constant 0 : i32
      %dma_start3A_54 = arith.constant 0 : i32
      %dma_start3A_55 = tpu.memref_slice %arg11[%dma_start3A, %dma_start3A_54] : memref<128x144xf32, #tpu.memory_space<vmem>> -> memref<126x144xf32, #tpu.memory_space<vmem>>
      %dma_start3A_56 = arith.constant 0 : i32
      %dma_start3A_57 = tpu.memref_slice %arg15[%add3A_10, %dma_start3A_56] : memref<10080x144xf32, #tpu.memory_space<vmem_shared>> -> memref<126x144xf32, #tpu.memory_space<vmem_shared>>
      %dma_start3A_58 = arith.constant 0 : i32
      %dma_start3A_59 = tpu.memref_slice %arg15[%add3A_10, %dma_start3A_58] : memref<10080x144xf32, #tpu.memory_space<vmem_shared>> -> memref<126x144xf32, #tpu.memory_space<vmem_shared>>
      %dma_start3A_60 = arith.constant 0 : i32
      %dma_start3A_61 = arith.constant 0 : i32
      %dma_start3A_62 = tpu.memref_slice %arg11[%dma_start3A_60, %dma_start3A_61] : memref<128x144xf32, #tpu.memory_space<vmem>> -> memref<126x144xf32, #tpu.memory_space<vmem>>
      tpu.enqueue_dma source(%dma_start3A_62 : memref<126x144xf32, #tpu.memory_space<vmem>>) target(%dma_start3A_59 : memref<126x144xf32, #tpu.memory_space<vmem_shared>>) target_semaphore(%run_scoped3A : memref<!tpu.dma_semaphore, #tpu.memory_space<semaphore_mem>>)
      %dma_wait3A = arith.constant 0 : i32
      %dma_wait3A_63 = arith.constant 0 : i32
      %dma_wait3A_64 = tpu.memref_slice %arg11[%dma_wait3A, %dma_wait3A_63] : memref<128x144xf32, #tpu.memory_space<vmem>> -> memref<126x144xf32, #tpu.memory_space<vmem>>
      %dma_wait3A_65 = arith.constant 0 : i32
      %dma_wait3A_66 = tpu.memref_slice %arg15[%add3A_10, %dma_wait3A_65] : memref<10080x144xf32, #tpu.memory_space<vmem_shared>> -> memref<126x144xf32, #tpu.memory_space<vmem_shared>>
      %dma_wait3A_67 = arith.constant 0 : i32
      %dma_wait3A_68 = tpu.memref_slice %arg15[%add3A_10, %dma_wait3A_67] : memref<10080x144xf32, #tpu.memory_space<vmem_shared>> -> memref<126x144xf32, #tpu.memory_space<vmem_shared>>
      %dma_wait3A_69 = arith.constant 0 : i32
      %dma_wait3A_70 = arith.constant 0 : i32
      %dma_wait3A_71 = tpu.memref_slice %arg11[%dma_wait3A_69, %dma_wait3A_70] : memref<128x144xf32, #tpu.memory_space<vmem>> -> memref<126x144xf32, #tpu.memory_space<vmem>>
      tpu.wait_dma2 semaphore(%run_scoped3A : memref<!tpu.dma_semaphore, #tpu.memory_space<semaphore_mem>>) src(%dma_wait3A_71 : memref<126x144xf32, #tpu.memory_space<vmem>>) dst(%dma_wait3A_68 : memref<126x144xf32, #tpu.memory_space<vmem_shared>>)
      tpu.yield
    }) : () -> ()
    %mul3A_11 = arith.constant 630 : i32
    %mul3A_12 = arith.muli %arg1, %mul3A_11 : i32
    %add3A_13 = arith.constant 126 : i32
    %add3A_14 = arith.addi %mul3A_12, %add3A_13 : i32
    "tpu.region"() ({
      %run_scoped3A = tpu.sem_alloc : memref<!tpu.dma_semaphore, #tpu.memory_space<semaphore_mem>>
      %dma_start3A = arith.constant 0 : i32
      %dma_start3A_54 = arith.constant 0 : i32
      %dma_start3A_55 = tpu.memref_slice %arg11[%dma_start3A, %dma_start3A_54] : memref<128x144xf32, #tpu.memory_space<vmem>> -> memref<126x144xf32, #tpu.memory_space<vmem>>
      %dma_start3A_56 = arith.constant 0 : i32
      %dma_start3A_57 = tpu.memref_slice %arg15[%add3A_14, %dma_start3A_56] : memref<10080x144xf32, #tpu.memory_space<vmem_shared>> -> memref<126x144xf32, #tpu.memory_space<vmem_shared>>
      %dma_start3A_58 = arith.constant 0 : i32
      %dma_start3A_59 = tpu.memref_slice %arg15[%add3A_14, %dma_start3A_58] : memref<10080x144xf32, #tpu.memory_space<vmem_shared>> -> memref<126x144xf32, #tpu.memory_space<vmem_shared>>
      %dma_start3A_60 = arith.constant 0 : i32
      %dma_start3A_61 = arith.constant 0 : i32
      %dma_start3A_62 = tpu.memref_slice %arg11[%dma_start3A_60, %dma_start3A_61] : memref<128x144xf32, #tpu.memory_space<vmem>> -> memref<126x144xf32, #tpu.memory_space<vmem>>
      tpu.enqueue_dma source(%dma_start3A_62 : memref<126x144xf32, #tpu.memory_space<vmem>>) target(%dma_start3A_59 : memref<126x144xf32, #tpu.memory_space<vmem_shared>>) target_semaphore(%run_scoped3A : memref<!tpu.dma_semaphore, #tpu.memory_space<semaphore_mem>>)
      %dma_wait3A = arith.constant 0 : i32
      %dma_wait3A_63 = arith.constant 0 : i32
      %dma_wait3A_64 = tpu.memref_slice %arg11[%dma_wait3A, %dma_wait3A_63] : memref<128x144xf32, #tpu.memory_space<vmem>> -> memref<126x144xf32, #tpu.memory_space<vmem>>
      %dma_wait3A_65 = arith.constant 0 : i32
      %dma_wait3A_66 = tpu.memref_slice %arg15[%add3A_14, %dma_wait3A_65] : memref<10080x144xf32, #tpu.memory_space<vmem_shared>> -> memref<126x144xf32, #tpu.memory_space<vmem_shared>>
      %dma_wait3A_67 = arith.constant 0 : i32
      %dma_wait3A_68 = tpu.memref_slice %arg15[%add3A_14, %dma_wait3A_67] : memref<10080x144xf32, #tpu.memory_space<vmem_shared>> -> memref<126x144xf32, #tpu.memory_space<vmem_shared>>
      %dma_wait3A_69 = arith.constant 0 : i32
      %dma_wait3A_70 = arith.constant 0 : i32
      %dma_wait3A_71 = tpu.memref_slice %arg11[%dma_wait3A_69, %dma_wait3A_70] : memref<128x144xf32, #tpu.memory_space<vmem>> -> memref<126x144xf32, #tpu.memory_space<vmem>>
      tpu.wait_dma2 semaphore(%run_scoped3A : memref<!tpu.dma_semaphore, #tpu.memory_space<semaphore_mem>>) src(%dma_wait3A_71 : memref<126x144xf32, #tpu.memory_space<vmem>>) dst(%dma_wait3A_68 : memref<126x144xf32, #tpu.memory_space<vmem_shared>>)
      tpu.yield
    }) : () -> ()
    %mul3A_15 = arith.constant 630 : i32
    %mul3A_16 = arith.muli %arg1, %mul3A_15 : i32
    %add3A_17 = arith.constant 252 : i32
    %add3A_18 = arith.addi %mul3A_16, %add3A_17 : i32
    "tpu.region"() ({
      %run_scoped3A = tpu.sem_alloc : memref<!tpu.dma_semaphore, #tpu.memory_space<semaphore_mem>>
      %dma_start3A = arith.constant 0 : i32
      %dma_start3A_54 = arith.constant 0 : i32
      %dma_start3A_55 = tpu.memref_slice %arg11[%dma_start3A, %dma_start3A_54] : memref<128x144xf32, #tpu.memory_space<vmem>> -> memref<126x144xf32, #tpu.memory_space<vmem>>
      %dma_start3A_56 = arith.constant 0 : i32
      %dma_start3A_57 = tpu.memref_slice %arg15[%add3A_18, %dma_start3A_56] : memref<10080x144xf32, #tpu.memory_space<vmem_shared>> -> memref<126x144xf32, #tpu.memory_space<vmem_shared>>
      %dma_start3A_58 = arith.constant 0 : i32
      %dma_start3A_59 = tpu.memref_slice %arg15[%add3A_18, %dma_start3A_58] : memref<10080x144xf32, #tpu.memory_space<vmem_shared>> -> memref<126x144xf32, #tpu.memory_space<vmem_shared>>
      %dma_start3A_60 = arith.constant 0 : i32
      %dma_start3A_61 = arith.constant 0 : i32
      %dma_start3A_62 = tpu.memref_slice %arg11[%dma_start3A_60, %dma_start3A_61] : memref<128x144xf32, #tpu.memory_space<vmem>> -> memref<126x144xf32, #tpu.memory_space<vmem>>
      tpu.enqueue_dma source(%dma_start3A_62 : memref<126x144xf32, #tpu.memory_space<vmem>>) target(%dma_start3A_59 : memref<126x144xf32, #tpu.memory_space<vmem_shared>>) target_semaphore(%run_scoped3A : memref<!tpu.dma_semaphore, #tpu.memory_space<semaphore_mem>>)
      %dma_wait3A = arith.constant 0 : i32
      %dma_wait3A_63 = arith.constant 0 : i32
      %dma_wait3A_64 = tpu.memref_slice %arg11[%dma_wait3A, %dma_wait3A_63] : memref<128x144xf32, #tpu.memory_space<vmem>> -> memref<126x144xf32, #tpu.memory_space<vmem>>
      %dma_wait3A_65 = arith.constant 0 : i32
      %dma_wait3A_66 = tpu.memref_slice %arg15[%add3A_18, %dma_wait3A_65] : memref<10080x144xf32, #tpu.memory_space<vmem_shared>> -> memref<126x144xf32, #tpu.memory_space<vmem_shared>>
      %dma_wait3A_67 = arith.constant 0 : i32
      %dma_wait3A_68 = tpu.memref_slice %arg15[%add3A_18, %dma_wait3A_67] : memref<10080x144xf32, #tpu.memory_space<vmem_shared>> -> memref<126x144xf32, #tpu.memory_space<vmem_shared>>
      %dma_wait3A_69 = arith.constant 0 : i32
      %dma_wait3A_70 = arith.constant 0 : i32
      %dma_wait3A_71 = tpu.memref_slice %arg11[%dma_wait3A_69, %dma_wait3A_70] : memref<128x144xf32, #tpu.memory_space<vmem>> -> memref<126x144xf32, #tpu.memory_space<vmem>>
      tpu.wait_dma2 semaphore(%run_scoped3A : memref<!tpu.dma_semaphore, #tpu.memory_space<semaphore_mem>>) src(%dma_wait3A_71 : memref<126x144xf32, #tpu.memory_space<vmem>>) dst(%dma_wait3A_68 : memref<126x144xf32, #tpu.memory_space<vmem_shared>>)
      tpu.yield
    }) : () -> ()
    %mul3A_19 = arith.constant 630 : i32
    %mul3A_20 = arith.muli %arg1, %mul3A_19 : i32
    %add3A_21 = arith.constant 378 : i32
    %add3A_22 = arith.addi %mul3A_20, %add3A_21 : i32
    "tpu.region"() ({
      %run_scoped3A = tpu.sem_alloc : memref<!tpu.dma_semaphore, #tpu.memory_space<semaphore_mem>>
      %dma_start3A = arith.constant 0 : i32
      %dma_start3A_54 = arith.constant 0 : i32
      %dma_start3A_55 = tpu.memref_slice %arg11[%dma_start3A, %dma_start3A_54] : memref<128x144xf32, #tpu.memory_space<vmem>> -> memref<126x144xf32, #tpu.memory_space<vmem>>
      %dma_start3A_56 = arith.constant 0 : i32
      %dma_start3A_57 = tpu.memref_slice %arg15[%add3A_22, %dma_start3A_56] : memref<10080x144xf32, #tpu.memory_space<vmem_shared>> -> memref<126x144xf32, #tpu.memory_space<vmem_shared>>
      %dma_start3A_58 = arith.constant 0 : i32
      %dma_start3A_59 = tpu.memref_slice %arg15[%add3A_22, %dma_start3A_58] : memref<10080x144xf32, #tpu.memory_space<vmem_shared>> -> memref<126x144xf32, #tpu.memory_space<vmem_shared>>
      %dma_start3A_60 = arith.constant 0 : i32
      %dma_start3A_61 = arith.constant 0 : i32
      %dma_start3A_62 = tpu.memref_slice %arg11[%dma_start3A_60, %dma_start3A_61] : memref<128x144xf32, #tpu.memory_space<vmem>> -> memref<126x144xf32, #tpu.memory_space<vmem>>
      tpu.enqueue_dma source(%dma_start3A_62 : memref<126x144xf32, #tpu.memory_space<vmem>>) target(%dma_start3A_59 : memref<126x144xf32, #tpu.memory_space<vmem_shared>>) target_semaphore(%run_scoped3A : memref<!tpu.dma_semaphore, #tpu.memory_space<semaphore_mem>>)
      %dma_wait3A = arith.constant 0 : i32
      %dma_wait3A_63 = arith.constant 0 : i32
      %dma_wait3A_64 = tpu.memref_slice %arg11[%dma_wait3A, %dma_wait3A_63] : memref<128x144xf32, #tpu.memory_space<vmem>> -> memref<126x144xf32, #tpu.memory_space<vmem>>
      %dma_wait3A_65 = arith.constant 0 : i32
      %dma_wait3A_66 = tpu.memref_slice %arg15[%add3A_22, %dma_wait3A_65] : memref<10080x144xf32, #tpu.memory_space<vmem_shared>> -> memref<126x144xf32, #tpu.memory_space<vmem_shared>>
      %dma_wait3A_67 = arith.constant 0 : i32
      %dma_wait3A_68 = tpu.memref_slice %arg15[%add3A_22, %dma_wait3A_67] : memref<10080x144xf32, #tpu.memory_space<vmem_shared>> -> memref<126x144xf32, #tpu.memory_space<vmem_shared>>
      %dma_wait3A_69 = arith.constant 0 : i32
      %dma_wait3A_70 = arith.constant 0 : i32
      %dma_wait3A_71 = tpu.memref_slice %arg11[%dma_wait3A_69, %dma_wait3A_70] : memref<128x144xf32, #tpu.memory_space<vmem>> -> memref<126x144xf32, #tpu.memory_space<vmem>>
      tpu.wait_dma2 semaphore(%run_scoped3A : memref<!tpu.dma_semaphore, #tpu.memory_space<semaphore_mem>>) src(%dma_wait3A_71 : memref<126x144xf32, #tpu.memory_space<vmem>>) dst(%dma_wait3A_68 : memref<126x144xf32, #tpu.memory_space<vmem_shared>>)
      tpu.yield
    }) : () -> ()
    %mul3A_23 = arith.constant 630 : i32
    %mul3A_24 = arith.muli %arg1, %mul3A_23 : i32
    %add3A_25 = arith.constant 504 : i32
    %add3A_26 = arith.addi %mul3A_24, %add3A_25 : i32
    "tpu.region"() ({
      %run_scoped3A = tpu.sem_alloc : memref<!tpu.dma_semaphore, #tpu.memory_space<semaphore_mem>>
      %dma_start3A = arith.constant 0 : i32
      %dma_start3A_54 = arith.constant 0 : i32
      %dma_start3A_55 = tpu.memref_slice %arg11[%dma_start3A, %dma_start3A_54] : memref<128x144xf32, #tpu.memory_space<vmem>> -> memref<126x144xf32, #tpu.memory_space<vmem>>
      %dma_start3A_56 = arith.constant 0 : i32
      %dma_start3A_57 = tpu.memref_slice %arg15[%add3A_26, %dma_start3A_56] : memref<10080x144xf32, #tpu.memory_space<vmem_shared>> -> memref<126x144xf32, #tpu.memory_space<vmem_shared>>
      %dma_start3A_58 = arith.constant 0 : i32
      %dma_start3A_59 = tpu.memref_slice %arg15[%add3A_26, %dma_start3A_58] : memref<10080x144xf32, #tpu.memory_space<vmem_shared>> -> memref<126x144xf32, #tpu.memory_space<vmem_shared>>
      %dma_start3A_60 = arith.constant 0 : i32
      %dma_start3A_61 = arith.constant 0 : i32
      %dma_start3A_62 = tpu.memref_slice %arg11[%dma_start3A_60, %dma_start3A_61] : memref<128x144xf32, #tpu.memory_space<vmem>> -> memref<126x144xf32, #tpu.memory_space<vmem>>
      tpu.enqueue_dma source(%dma_start3A_62 : memref<126x144xf32, #tpu.memory_space<vmem>>) target(%dma_start3A_59 : memref<126x144xf32, #tpu.memory_space<vmem_shared>>) target_semaphore(%run_scoped3A : memref<!tpu.dma_semaphore, #tpu.memory_space<semaphore_mem>>)
      %dma_wait3A = arith.constant 0 : i32
      %dma_wait3A_63 = arith.constant 0 : i32
      %dma_wait3A_64 = tpu.memref_slice %arg11[%dma_wait3A, %dma_wait3A_63] : memref<128x144xf32, #tpu.memory_space<vmem>> -> memref<126x144xf32, #tpu.memory_space<vmem>>
      %dma_wait3A_65 = arith.constant 0 : i32
      %dma_wait3A_66 = tpu.memref_slice %arg15[%add3A_26, %dma_wait3A_65] : memref<10080x144xf32, #tpu.memory_space<vmem_shared>> -> memref<126x144xf32, #tpu.memory_space<vmem_shared>>
      %dma_wait3A_67 = arith.constant 0 : i32
      %dma_wait3A_68 = tpu.memref_slice %arg15[%add3A_26, %dma_wait3A_67] : memref<10080x144xf32, #tpu.memory_space<vmem_shared>> -> memref<126x144xf32, #tpu.memory_space<vmem_shared>>
      %dma_wait3A_69 = arith.constant 0 : i32
      %dma_wait3A_70 = arith.constant 0 : i32
      %dma_wait3A_71 = tpu.memref_slice %arg11[%dma_wait3A_69, %dma_wait3A_70] : memref<128x144xf32, #tpu.memory_space<vmem>> -> memref<126x144xf32, #tpu.memory_space<vmem>>
      tpu.wait_dma2 semaphore(%run_scoped3A : memref<!tpu.dma_semaphore, #tpu.memory_space<semaphore_mem>>) src(%dma_wait3A_71 : memref<126x144xf32, #tpu.memory_space<vmem>>) dst(%dma_wait3A_68 : memref<126x144xf32, #tpu.memory_space<vmem_shared>>)
      tpu.yield
    }) : () -> ()
    %barrier3A = arith.constant 0 : index
    tpu.barrier barrier_id(%barrier3A)
    %scan3A_27 = arith.constant 0 : i32
    %scan3A_28 = arith.constant 0 : i32
    %scan3A_29 = arith.constant 81 : i32
    %scan3A_30 = arith.addi %scan3A_28, %scan3A_29 : i32
    %scan3A_31 = arith.constant 1 : i32
    scf.for %scan3A_54 = %scan3A_28 to %scan3A_30 step %scan3A_31  : i32 {
      %mul3A_55 = arith.constant 81 : i32
      %mul3A_56 = arith.muli %add3A, %mul3A_55 : i32
      %add3A_57 = arith.addi %mul3A_56, %scan3A_54 : i32
      %mul3A_58 = arith.constant 128 : i32
      %mul3A_59 = arith.muli %add3A_57, %mul3A_58 : i32
      "tpu.region"() ({
        %run_scoped3A_102 = tpu.sem_alloc : memref<!tpu.dma_semaphore, #tpu.memory_space<semaphore_mem>>
        %dma_start3A_103 = arith.constant 0 : i32
        %dma_start3A_104 = arith.constant 0 : i32
        %dma_start3A_105 = tpu.memref_slice %arg2[%add3A_57, %dma_start3A_103, %dma_start3A_104] : memref<2592x2x128xi32, #tpu.memory_space<hbm>> -> memref<1x2x128xi32, #tpu.memory_space<hbm>>
        %dma_start3A_106 = tpu.memref_squeeze %dma_start3A_105 : memref<1x2x128xi32, #tpu.memory_space<hbm>> -> memref<2x128xi32, #tpu.memory_space<hbm>>
        %dma_start3A_107 = arith.constant 0 : i32
        %dma_start3A_108 = arith.constant 0 : i32
        %dma_start3A_109 = tpu.memref_slice %arg2[%add3A_57, %dma_start3A_107, %dma_start3A_108] : memref<2592x2x128xi32, #tpu.memory_space<hbm>> -> memref<1x2x128xi32, #tpu.memory_space<hbm>>
        %dma_start3A_110 = tpu.memref_squeeze %dma_start3A_109 : memref<1x2x128xi32, #tpu.memory_space<hbm>> -> memref<2x128xi32, #tpu.memory_space<hbm>>
        tpu.enqueue_dma source(%dma_start3A_110 : memref<2x128xi32, #tpu.memory_space<hbm>>) target(%arg7 : memref<2x128xi32, #tpu.memory_space<vmem>>) target_semaphore(%run_scoped3A_102 : memref<!tpu.dma_semaphore, #tpu.memory_space<semaphore_mem>>)
        %dma_wait3A_111 = arith.constant 0 : i32
        %dma_wait3A_112 = arith.constant 0 : i32
        %dma_wait3A_113 = tpu.memref_slice %arg2[%add3A_57, %dma_wait3A_111, %dma_wait3A_112] : memref<2592x2x128xi32, #tpu.memory_space<hbm>> -> memref<1x2x128xi32, #tpu.memory_space<hbm>>
        %dma_wait3A_114 = tpu.memref_squeeze %dma_wait3A_113 : memref<1x2x128xi32, #tpu.memory_space<hbm>> -> memref<2x128xi32, #tpu.memory_space<hbm>>
        %dma_wait3A_115 = arith.constant 0 : i32
        %dma_wait3A_116 = arith.constant 0 : i32
        %dma_wait3A_117 = tpu.memref_slice %arg2[%add3A_57, %dma_wait3A_115, %dma_wait3A_116] : memref<2592x2x128xi32, #tpu.memory_space<hbm>> -> memref<1x2x128xi32, #tpu.memory_space<hbm>>
        %dma_wait3A_118 = tpu.memref_squeeze %dma_wait3A_117 : memref<1x2x128xi32, #tpu.memory_space<hbm>> -> memref<2x128xi32, #tpu.memory_space<hbm>>
        tpu.wait_dma2 semaphore(%run_scoped3A_102 : memref<!tpu.dma_semaphore, #tpu.memory_space<semaphore_mem>>) src(%dma_wait3A_118 : memref<2x128xi32, #tpu.memory_space<hbm>>) dst(%arg7 : memref<2x128xi32, #tpu.memory_space<vmem>>)
        tpu.yield
      }) : () -> ()
      %dma_start3A = arith.constant 0 : i32
      %dma_start3A_60 = arith.constant 0 : i32
      %dma_start3A_61 = tpu.memref_slice %arg7[%dma_start3A, %dma_start3A_60] : memref<2x128xi32, #tpu.memory_space<vmem>> -> memref<1x128xi32, #tpu.memory_space<vmem>>
      %dma_start3A_62 = tpu.memref_squeeze %dma_start3A_61 : memref<1x128xi32, #tpu.memory_space<vmem>> -> memref<128xi32, #tpu.memory_space<vmem>>
      %dma_start3A_63 = arith.constant 0 : i32
      %dma_start3A_64 = arith.constant 0 : i32
      %dma_start3A_65 = tpu.memref_slice %arg5[%dma_start3A_63, %dma_start3A_64] : memref<10080x128xf32, #tpu.memory_space<hbm>> -> memref<10080x128xf32, #tpu.memory_space<hbm>>
      tpu.enqueue_indirect_dma source(%dma_start3A_65 : memref<10080x128xf32, #tpu.memory_space<hbm>>) target(%arg10 : memref<128x128xf32, #tpu.memory_space<vmem>>) offsets(%dma_start3A_62 : memref<128xi32, #tpu.memory_space<vmem>>) semaphore(%arg12 : memref<!tpu.dma_semaphore, #tpu.memory_space<semaphore_mem>>)
      %dma_start3A_66 = arith.constant 0 : i32
      %dma_start3A_67 = arith.constant 0 : i32
      %dma_start3A_68 = tpu.memref_slice %arg7[%dma_start3A_66, %dma_start3A_67] : memref<2x128xi32, #tpu.memory_space<vmem>> -> memref<1x128xi32, #tpu.memory_space<vmem>>
      %dma_start3A_69 = tpu.memref_squeeze %dma_start3A_68 : memref<1x128xi32, #tpu.memory_space<vmem>> -> memref<128xi32, #tpu.memory_space<vmem>>
      %dma_start3A_70 = arith.constant 0 : i32
      %dma_start3A_71 = arith.constant 0 : i32
      %dma_start3A_72 = tpu.memref_slice %arg3[%dma_start3A_70, %dma_start3A_71] : memref<10080x16xf32, #tpu.memory_space<hbm>> -> memref<10080x16xf32, #tpu.memory_space<hbm>>
      tpu.enqueue_indirect_dma source(%dma_start3A_72 : memref<10080x16xf32, #tpu.memory_space<hbm>>) target(%arg8 : memref<128x16xf32, #tpu.memory_space<vmem>>) offsets(%dma_start3A_69 : memref<128xi32, #tpu.memory_space<vmem>>) semaphore(%arg13 : memref<!tpu.dma_semaphore, #tpu.memory_space<semaphore_mem>>)
      %dma_start3A_73 = arith.constant 1 : i32
      %dma_start3A_74 = arith.constant 0 : i32
      %dma_start3A_75 = tpu.memref_slice %arg7[%dma_start3A_73, %dma_start3A_74] : memref<2x128xi32, #tpu.memory_space<vmem>> -> memref<1x128xi32, #tpu.memory_space<vmem>>
      %dma_start3A_76 = tpu.memref_squeeze %dma_start3A_75 : memref<1x128xi32, #tpu.memory_space<vmem>> -> memref<128xi32, #tpu.memory_space<vmem>>
      %dma_start3A_77 = arith.constant 0 : i32
      %dma_start3A_78 = arith.constant 0 : i32
      %dma_start3A_79 = tpu.memref_slice %arg4[%dma_start3A_77, %dma_start3A_78] : memref<10080x16xf32, #tpu.memory_space<hbm>> -> memref<10080x16xf32, #tpu.memory_space<hbm>>
      tpu.enqueue_indirect_dma source(%dma_start3A_79 : memref<10080x16xf32, #tpu.memory_space<hbm>>) target(%arg9 : memref<128x16xf32, #tpu.memory_space<vmem>>) offsets(%dma_start3A_76 : memref<128xi32, #tpu.memory_space<vmem>>) semaphore(%arg14 : memref<!tpu.dma_semaphore, #tpu.memory_space<semaphore_mem>>)
      %dma_wait3A = arith.constant 0 : i32
      %dma_wait3A_80 = arith.constant 0 : i32
      %dma_wait3A_81 = tpu.memref_slice %arg7[%dma_wait3A, %dma_wait3A_80] : memref<2x128xi32, #tpu.memory_space<vmem>> -> memref<1x128xi32, #tpu.memory_space<vmem>>
      %dma_wait3A_82 = tpu.memref_squeeze %dma_wait3A_81 : memref<1x128xi32, #tpu.memory_space<vmem>> -> memref<128xi32, #tpu.memory_space<vmem>>
      %dma_wait3A_83 = arith.constant 0 : i32
      %dma_wait3A_84 = arith.constant 0 : i32
      %dma_wait3A_85 = tpu.memref_slice %arg3[%dma_wait3A_83, %dma_wait3A_84] : memref<10080x16xf32, #tpu.memory_space<hbm>> -> memref<10080x16xf32, #tpu.memory_space<hbm>>
      tpu.wait_indirect_dma semaphore(%arg13 : memref<!tpu.dma_semaphore, #tpu.memory_space<semaphore_mem>>) src(%dma_wait3A_85 : memref<10080x16xf32, #tpu.memory_space<hbm>>) dst(%arg8 : memref<128x16xf32, #tpu.memory_space<vmem>>)
      %dma_wait3A_86 = arith.constant 1 : i32
      %dma_wait3A_87 = arith.constant 0 : i32
      %dma_wait3A_88 = tpu.memref_slice %arg7[%dma_wait3A_86, %dma_wait3A_87] : memref<2x128xi32, #tpu.memory_space<vmem>> -> memref<1x128xi32, #tpu.memory_space<vmem>>
      %dma_wait3A_89 = tpu.memref_squeeze %dma_wait3A_88 : memref<1x128xi32, #tpu.memory_space<vmem>> -> memref<128xi32, #tpu.memory_space<vmem>>
      %dma_wait3A_90 = arith.constant 0 : i32
      %dma_wait3A_91 = arith.constant 0 : i32
      %dma_wait3A_92 = tpu.memref_slice %arg4[%dma_wait3A_90, %dma_wait3A_91] : memref<10080x16xf32, #tpu.memory_space<hbm>> -> memref<10080x16xf32, #tpu.memory_space<hbm>>
      tpu.wait_indirect_dma semaphore(%arg14 : memref<!tpu.dma_semaphore, #tpu.memory_space<semaphore_mem>>) src(%dma_wait3A_92 : memref<10080x16xf32, #tpu.memory_space<hbm>>) dst(%arg9 : memref<128x16xf32, #tpu.memory_space<vmem>>)
      %dma_wait3A_93 = arith.constant 0 : i32
      %dma_wait3A_94 = arith.constant 0 : i32
      %dma_wait3A_95 = tpu.memref_slice %arg7[%dma_wait3A_93, %dma_wait3A_94] : memref<2x128xi32, #tpu.memory_space<vmem>> -> memref<1x128xi32, #tpu.memory_space<vmem>>
      %dma_wait3A_96 = tpu.memref_squeeze %dma_wait3A_95 : memref<1x128xi32, #tpu.memory_space<vmem>> -> memref<128xi32, #tpu.memory_space<vmem>>
      %dma_wait3A_97 = arith.constant 0 : i32
      %dma_wait3A_98 = arith.constant 0 : i32
      %dma_wait3A_99 = tpu.memref_slice %arg5[%dma_wait3A_97, %dma_wait3A_98] : memref<10080x128xf32, #tpu.memory_space<hbm>> -> memref<10080x128xf32, #tpu.memory_space<hbm>>
      tpu.wait_indirect_dma semaphore(%arg12 : memref<!tpu.dma_semaphore, #tpu.memory_space<semaphore_mem>>) src(%dma_wait3A_99 : memref<10080x128xf32, #tpu.memory_space<hbm>>) dst(%arg10 : memref<128x128xf32, #tpu.memory_space<vmem>>)
      %parallel_loop3A = arith.constant 0 : i32
      %parallel_loop3A_100 = arith.constant 128 : i32
      %parallel_loop3A_101 = arith.constant 1 : i32
      scf.for %parallel_loop3A_102 = %parallel_loop3A to %parallel_loop3A_100 step %parallel_loop3A_101  : i32 {
        %parallel_loop3A_103 = arith.index_cast %parallel_loop3A_102 : i32 to index
        %parallel_loop3A_104 = arith.constant 0 : index
        %parallel_loop3A_105 = tpu.vector_load %arg8[%parallel_loop3A_103, %parallel_loop3A_104] {strides = array<i32>} : memref<128x16xf32, #tpu.memory_space<vmem>>, vector<16xf32>,
        %parallel_loop3A_106 = arith.index_cast %parallel_loop3A_102 : i32 to index
        %parallel_loop3A_107 = arith.constant 0 : index
        %parallel_loop3A_108 = tpu.vector_load %arg9[%parallel_loop3A_106, %parallel_loop3A_107] {strides = array<i32>} : memref<128x16xf32, #tpu.memory_space<vmem>>, vector<16xf32>,
        %parallel_loop3A_109 = arith.addf %parallel_loop3A_105, %parallel_loop3A_108 : vector<16xf32>
        %parallel_loop3A_110 = arith.constant 0.000000e+00 : f32
        %parallel_loop3A_111 = vector.broadcast %parallel_loop3A_110 : f32 to vector<16xf32>
        %parallel_loop3A_112 = arith.cmpf oge, %parallel_loop3A_109, %parallel_loop3A_111 : vector<16xf32>
        %parallel_loop3A_113 = arith.constant 2.000000e-01 : f32
        %parallel_loop3A_114 = vector.broadcast %parallel_loop3A_113 : f32 to vector<16xf32>
        %parallel_loop3A_115 = arith.mulf %parallel_loop3A_114, %parallel_loop3A_109 : vector<16xf32>
        %parallel_loop3A_116 = arith.select %parallel_loop3A_112, %parallel_loop3A_109, %parallel_loop3A_115 : vector<16xi1>, vector<16xf32>
        %parallel_loop3A_117 = math.exp %parallel_loop3A_116 : vector<16xf32>
        %parallel_loop3A_118 = arith.addi %mul3A_59, %parallel_loop3A_102 : i32
        %parallel_loop3A_119 = arith.constant 330000 : i32
        %parallel_loop3A_120 = arith.cmpi slt, %parallel_loop3A_118, %parallel_loop3A_119 : i32
        %parallel_loop3A_121 = vector.broadcast %parallel_loop3A_120 : i1 to vector<16xi1>
        %parallel_loop3A_122 = arith.constant 0.000000e+00 : f32
        %parallel_loop3A_123 = vector.broadcast %parallel_loop3A_122 : f32 to vector<16xf32>
        %parallel_loop3A_124 = arith.select %parallel_loop3A_121, %parallel_loop3A_117, %parallel_loop3A_123 : vector<16xi1>, vector<16xf32>
        %parallel_loop3A_125 = arith.index_cast %parallel_loop3A_102 : i32 to index
        %parallel_loop3A_126 = arith.constant 128 : index
        %parallel_loop3A_127 = tpu.vector_load %arg11[%parallel_loop3A_125, %parallel_loop3A_126] {strides = array<i32>} : memref<128x144xf32, #tpu.memory_space<vmem>>, vector<16xf32>,
        tpu.vector_store %arg11[%parallel_loop3A_125, %parallel_loop3A_126], %parallel_loop3A_124 {strides = array<i32>} : memref<128x144xf32, #tpu.memory_space<vmem>>, vector<16xf32>,
        %parallel_loop3A_128 = vector.extract_strided_slice %parallel_loop3A_124 {offsets = [0], sizes = [1], strides = [1]} : vector<16xf32> to vector<1xf32>
        %parallel_loop3A_129 = vector.extract %parallel_loop3A_128[0] : f32 from vector<1xf32>
        %parallel_loop3A_130 = vector.broadcast %parallel_loop3A_129 : f32 to vector<16xf32>
        %parallel_loop3A_131 = arith.index_cast %parallel_loop3A_102 : i32 to index
        %parallel_loop3A_132 = arith.constant 0 : index
        %parallel_loop3A_133 = tpu.vector_load %arg10[%parallel_loop3A_131, %parallel_loop3A_132] {strides = array<i32>} : memref<128x128xf32, #tpu.memory_space<vmem>>, vector<16xf32>,
        %parallel_loop3A_134 = arith.mulf %parallel_loop3A_133, %parallel_loop3A_130 : vector<16xf32>
        %parallel_loop3A_135 = arith.index_cast %parallel_loop3A_102 : i32 to index
        %parallel_loop3A_136 = arith.constant 0 : index
        %parallel_loop3A_137 = tpu.vector_load %arg11[%parallel_loop3A_135, %parallel_loop3A_136] {strides = array<i32>} : memref<128x144xf32, #tpu.memory_space<vmem>>, vector<16xf32>,
        tpu.vector_store %arg11[%parallel_loop3A_135, %parallel_loop3A_136], %parallel_loop3A_134 {strides = array<i32>} : memref<128x144xf32, #tpu.memory_space<vmem>>, vector<16xf32>,
        %parallel_loop3A_138 = arith.index_cast %parallel_loop3A_102 : i32 to index
        %parallel_loop3A_139 = arith.constant 16 : index
        %parallel_loop3A_140 = tpu.vector_load %arg10[%parallel_loop3A_138, %parallel_loop3A_139] {strides = array<i32>} : memref<128x128xf32, #tpu.memory_space<vmem>>, vector<16xf32>,
        %parallel_loop3A_141 = arith.mulf %parallel_loop3A_140, %parallel_loop3A_130 : vector<16xf32>
        %parallel_loop3A_142 = arith.index_cast %parallel_loop3A_102 : i32 to index
        %parallel_loop3A_143 = arith.constant 16 : index
        %parallel_loop3A_144 = tpu.vector_load %arg11[%parallel_loop3A_142, %parallel_loop3A_143] {strides = array<i32>} : memref<128x144xf32, #tpu.memory_space<vmem>>, vector<16xf32>,
        tpu.vector_store %arg11[%parallel_loop3A_142, %parallel_loop3A_143], %parallel_loop3A_141 {strides = array<i32>} : memref<128x144xf32, #tpu.memory_space<vmem>>, vector<16xf32>,
        %parallel_loop3A_145 = arith.index_cast %parallel_loop3A_102 : i32 to index
        %parallel_loop3A_146 = arith.constant 32 : index
        %parallel_loop3A_147 = tpu.vector_load %arg10[%parallel_loop3A_145, %parallel_loop3A_146] {strides = array<i32>} : memref<128x128xf32, #tpu.memory_space<vmem>>, vector<16xf32>,
        %parallel_loop3A_148 = arith.mulf %parallel_loop3A_147, %parallel_loop3A_130 : vector<16xf32>
        %parallel_loop3A_149 = arith.index_cast %parallel_loop3A_102 : i32 to index
        %parallel_loop3A_150 = arith.constant 32 : index
        %parallel_loop3A_151 = tpu.vector_load %arg11[%parallel_loop3A_149, %parallel_loop3A_150] {strides = array<i32>} : memref<128x144xf32, #tpu.memory_space<vmem>>, vector<16xf32>,
        tpu.vector_store %arg11[%parallel_loop3A_149, %parallel_loop3A_150], %parallel_loop3A_148 {strides = array<i32>} : memref<128x144xf32, #tpu.memory_space<vmem>>, vector<16xf32>,
        %parallel_loop3A_152 = arith.index_cast %parallel_loop3A_102 : i32 to index
        %parallel_loop3A_153 = arith.constant 48 : index
        %parallel_loop3A_154 = tpu.vector_load %arg10[%parallel_loop3A_152, %parallel_loop3A_153] {strides = array<i32>} : memref<128x128xf32, #tpu.memory_space<vmem>>, vector<16xf32>,
        %parallel_loop3A_155 = arith.mulf %parallel_loop3A_154, %parallel_loop3A_130 : vector<16xf32>
        %parallel_loop3A_156 = arith.index_cast %parallel_loop3A_102 : i32 to index
        %parallel_loop3A_157 = arith.constant 48 : index
        %parallel_loop3A_158 = tpu.vector_load %arg11[%parallel_loop3A_156, %parallel_loop3A_157] {strides = array<i32>} : memref<128x144xf32, #tpu.memory_space<vmem>>, vector<16xf32>,
        tpu.vector_store %arg11[%parallel_loop3A_156, %parallel_loop3A_157], %parallel_loop3A_155 {strides = array<i32>} : memref<128x144xf32, #tpu.memory_space<vmem>>, vector<16xf32>,
        %parallel_loop3A_159 = arith.index_cast %parallel_loop3A_102 : i32 to index
        %parallel_loop3A_160 = arith.constant 64 : index
        %parallel_loop3A_161 = tpu.vector_load %arg10[%parallel_loop3A_159, %parallel_loop3A_160] {strides = array<i32>} : memref<128x128xf32, #tpu.memory_space<vmem>>, vector<16xf32>,
        %parallel_loop3A_162 = arith.mulf %parallel_loop3A_161, %parallel_loop3A_130 : vector<16xf32>
        %parallel_loop3A_163 = arith.index_cast %parallel_loop3A_102 : i32 to index
        %parallel_loop3A_164 = arith.constant 64 : index
        %parallel_loop3A_165 = tpu.vector_load %arg11[%parallel_loop3A_163, %parallel_loop3A_164] {strides = array<i32>} : memref<128x144xf32, #tpu.memory_space<vmem>>, vector<16xf32>,
        tpu.vector_store %arg11[%parallel_loop3A_163, %parallel_loop3A_164], %parallel_loop3A_162 {strides = array<i32>} : memref<128x144xf32, #tpu.memory_space<vmem>>, vector<16xf32>,
        %parallel_loop3A_166 = arith.index_cast %parallel_loop3A_102 : i32 to index
        %parallel_loop3A_167 = arith.constant 80 : index
        %parallel_loop3A_168 = tpu.vector_load %arg10[%parallel_loop3A_166, %parallel_loop3A_167] {strides = array<i32>} : memref<128x128xf32, #tpu.memory_space<vmem>>, vector<16xf32>,
        %parallel_loop3A_169 = arith.mulf %parallel_loop3A_168, %parallel_loop3A_130 : vector<16xf32>
        %parallel_loop3A_170 = arith.index_cast %parallel_loop3A_102 : i32 to index
        %parallel_loop3A_171 = arith.constant 80 : index
        %parallel_loop3A_172 = tpu.vector_load %arg11[%parallel_loop3A_170, %parallel_loop3A_171] {strides = array<i32>} : memref<128x144xf32, #tpu.memory_space<vmem>>, vector<16xf32>,
        tpu.vector_store %arg11[%parallel_loop3A_170, %parallel_loop3A_171], %parallel_loop3A_169 {strides = array<i32>} : memref<128x144xf32, #tpu.memory_space<vmem>>, vector<16xf32>,
        %parallel_loop3A_173 = arith.index_cast %parallel_loop3A_102 : i32 to index
        %parallel_loop3A_174 = arith.constant 96 : index
        %parallel_loop3A_175 = tpu.vector_load %arg10[%parallel_loop3A_173, %parallel_loop3A_174] {strides = array<i32>} : memref<128x128xf32, #tpu.memory_space<vmem>>, vector<16xf32>,
        %parallel_loop3A_176 = arith.mulf %parallel_loop3A_175, %parallel_loop3A_130 : vector<16xf32>
        %parallel_loop3A_177 = arith.index_cast %parallel_loop3A_102 : i32 to index
        %parallel_loop3A_178 = arith.constant 96 : index
        %parallel_loop3A_179 = tpu.vector_load %arg11[%parallel_loop3A_177, %parallel_loop3A_178] {strides = array<i32>} : memref<128x144xf32, #tpu.memory_space<vmem>>, vector<16xf32>,
        tpu.vector_store %arg11[%parallel_loop3A_177, %parallel_loop3A_178], %parallel_loop3A_176 {strides = array<i32>} : memref<128x144xf32, #tpu.memory_space<vmem>>, vector<16xf32>,
        %parallel_loop3A_180 = arith.index_cast %parallel_loop3A_102 : i32 to index
        %parallel_loop3A_181 = arith.constant 112 : index
        %parallel_loop3A_182 = tpu.vector_load %arg10[%parallel_loop3A_180, %parallel_loop3A_181] {strides = array<i32>} : memref<128x128xf32, #tpu.memory_space<vmem>>, vector<16xf32>,
        %parallel_loop3A_183 = arith.mulf %parallel_loop3A_182, %parallel_loop3A_130 : vector<16xf32>
        %parallel_loop3A_184 = arith.index_cast %parallel_loop3A_102 : i32 to index
        %parallel_loop3A_185 = arith.constant 112 : index
        %parallel_loop3A_186 = tpu.vector_load %arg11[%parallel_loop3A_184, %parallel_loop3A_185] {strides = array<i32>} : memref<128x144xf32, #tpu.memory_space<vmem>>, vector<16xf32>,
        tpu.vector_store %arg11[%parallel_loop3A_184, %parallel_loop3A_185], %parallel_loop3A_183 {strides = array<i32>} : memref<128x144xf32, #tpu.memory_space<vmem>>, vector<16xf32>,
      } {sc.loop_unroll_factor = 8 : i64, sc.parallel_access}
      %run_scoped3A = arith.constant 1 : i32
      "tpu.region"() ({
        %run_scoped3A_102 = tpu.sem_alloc : memref<!tpu.dma_semaphore, #tpu.memory_space<semaphore_mem>>
        %dma_start3A_103 = arith.constant 0 : i32
        %dma_start3A_104 = tpu.memref_slice %arg7[%run_scoped3A, %dma_start3A_103] : memref<2x128xi32, #tpu.memory_space<vmem>> -> memref<1x128xi32, #tpu.memory_space<vmem>>
        %dma_start3A_105 = tpu.memref_squeeze %dma_start3A_104 : memref<1x128xi32, #tpu.memory_space<vmem>> -> memref<128xi32, #tpu.memory_space<vmem>>
        %dma_start3A_106 = arith.constant 0 : i32
        %dma_start3A_107 = arith.constant 0 : i32
        %dma_start3A_108 = tpu.memref_slice %arg15[%dma_start3A_106, %dma_start3A_107] : memref<10080x144xf32, #tpu.memory_space<vmem_shared>> -> memref<10080x144xf32, #tpu.memory_space<vmem_shared>>
        tpu.enqueue_indirect_dma source(%arg11 : memref<128x144xf32, #tpu.memory_space<vmem>>) target(%dma_start3A_108 : memref<10080x144xf32, #tpu.memory_space<vmem_shared>>) offsets(%dma_start3A_105 : memref<128xi32, #tpu.memory_space<vmem>>) semaphore(%run_scoped3A_102 : memref<!tpu.dma_semaphore, #tpu.memory_space<semaphore_mem>>) {add = true}
        %dma_wait3A_109 = arith.constant 0 : i32
        %dma_wait3A_110 = tpu.memref_slice %arg7[%run_scoped3A, %dma_wait3A_109] : memref<2x128xi32, #tpu.memory_space<vmem>> -> memref<1x128xi32, #tpu.memory_space<vmem>>
        %dma_wait3A_111 = tpu.memref_squeeze %dma_wait3A_110 : memref<1x128xi32, #tpu.memory_space<vmem>> -> memref<128xi32, #tpu.memory_space<vmem>>
        %dma_wait3A_112 = arith.constant 0 : i32
        %dma_wait3A_113 = arith.constant 0 : i32
        %dma_wait3A_114 = tpu.memref_slice %arg15[%dma_wait3A_112, %dma_wait3A_113] : memref<10080x144xf32, #tpu.memory_space<vmem_shared>> -> memref<10080x144xf32, #tpu.memory_space<vmem_shared>>
        tpu.wait_indirect_dma semaphore(%run_scoped3A_102 : memref<!tpu.dma_semaphore, #tpu.memory_space<semaphore_mem>>) src(%arg11 : memref<128x144xf32, #tpu.memory_space<vmem>>) dst(%dma_wait3A_114 : memref<10080x144xf32, #tpu.memory_space<vmem_shared>>)
        tpu.yield
      }) : () -> ()
    }
    %scan3A_32 = arith.constant 81 : i32
    %barrier3A_33 = arith.constant 0 : index
    tpu.barrier barrier_id(%barrier3A_33)
    %mul3A_34 = arith.constant 630 : i32
    %mul3A_35 = arith.muli %arg1, %mul3A_34 : i32
    %add3A_36 = arith.constant 0 : i32
    %add3A_37 = arith.addi %mul3A_35, %add3A_36 : i32
    "tpu.region"() ({
      %run_scoped3A = tpu.sem_alloc : memref<!tpu.dma_semaphore, #tpu.memory_space<semaphore_mem>>
      %dma_start3A = arith.constant 0 : i32
      %dma_start3A_54 = tpu.memref_slice %arg6[%arg0, %add3A_37, %dma_start3A] : memref<2x10080x144xf32, #tpu.memory_space<hbm>> -> memref<1x126x144xf32, #tpu.memory_space<hbm>>
      %dma_start3A_55 = tpu.memref_squeeze %dma_start3A_54 : memref<1x126x144xf32, #tpu.memory_space<hbm>> -> memref<126x144xf32, #tpu.memory_space<hbm>>
      %dma_start3A_56 = arith.constant 0 : i32
      %dma_start3A_57 = tpu.memref_slice %arg15[%add3A_37, %dma_start3A_56] : memref<10080x144xf32, #tpu.memory_space<vmem_shared>> -> memref<126x144xf32, #tpu.memory_space<vmem_shared>>
      tpu.enqueue_dma source(%dma_start3A_57 : memref<126x144xf32, #tpu.memory_space<vmem_shared>>) target(%dma_start3A_55 : memref<126x144xf32, #tpu.memory_space<hbm>>) target_semaphore(%run_scoped3A : memref<!tpu.dma_semaphore, #tpu.memory_space<semaphore_mem>>)
      %dma_wait3A = arith.constant 0 : i32
      %dma_wait3A_58 = tpu.memref_slice %arg6[%arg0, %add3A_37, %dma_wait3A] : memref<2x10080x144xf32, #tpu.memory_space<hbm>> -> memref<1x126x144xf32, #tpu.memory_space<hbm>>
      %dma_wait3A_59 = tpu.memref_squeeze %dma_wait3A_58 : memref<1x126x144xf32, #tpu.memory_space<hbm>> -> memref<126x144xf32, #tpu.memory_space<hbm>>
      %dma_wait3A_60 = arith.constant 0 : i32
      %dma_wait3A_61 = tpu.memref_slice %arg15[%add3A_37, %dma_wait3A_60] : memref<10080x144xf32, #tpu.memory_space<vmem_shared>> -> memref<126x144xf32, #tpu.memory_space<vmem_shared>>
      tpu.wait_dma2 semaphore(%run_scoped3A : memref<!tpu.dma_semaphore, #tpu.memory_space<semaphore_mem>>) src(%dma_wait3A_61 : memref<126x144xf32, #tpu.memory_space<vmem_shared>>) dst(%dma_wait3A_59 : memref<126x144xf32, #tpu.memory_space<hbm>>)
      tpu.yield
    }) : () -> ()
    %mul3A_38 = arith.constant 630 : i32
    %mul3A_39 = arith.muli %arg1, %mul3A_38 : i32
    %add3A_40 = arith.constant 126 : i32
    %add3A_41 = arith.addi %mul3A_39, %add3A_40 : i32
    "tpu.region"() ({
      %run_scoped3A = tpu.sem_alloc : memref<!tpu.dma_semaphore, #tpu.memory_space<semaphore_mem>>
      %dma_start3A = arith.constant 0 : i32
      %dma_start3A_54 = tpu.memref_slice %arg6[%arg0, %add3A_41, %dma_start3A] : memref<2x10080x144xf32, #tpu.memory_space<hbm>> -> memref<1x126x144xf32, #tpu.memory_space<hbm>>
      %dma_start3A_55 = tpu.memref_squeeze %dma_start3A_54 : memref<1x126x144xf32, #tpu.memory_space<hbm>> -> memref<126x144xf32, #tpu.memory_space<hbm>>
      %dma_start3A_56 = arith.constant 0 : i32
      %dma_start3A_57 = tpu.memref_slice %arg15[%add3A_41, %dma_start3A_56] : memref<10080x144xf32, #tpu.memory_space<vmem_shared>> -> memref<126x144xf32, #tpu.memory_space<vmem_shared>>
      tpu.enqueue_dma source(%dma_start3A_57 : memref<126x144xf32, #tpu.memory_space<vmem_shared>>) target(%dma_start3A_55 : memref<126x144xf32, #tpu.memory_space<hbm>>) target_semaphore(%run_scoped3A : memref<!tpu.dma_semaphore, #tpu.memory_space<semaphore_mem>>)
      %dma_wait3A = arith.constant 0 : i32
      %dma_wait3A_58 = tpu.memref_slice %arg6[%arg0, %add3A_41, %dma_wait3A] : memref<2x10080x144xf32, #tpu.memory_space<hbm>> -> memref<1x126x144xf32, #tpu.memory_space<hbm>>
      %dma_wait3A_59 = tpu.memref_squeeze %dma_wait3A_58 : memref<1x126x144xf32, #tpu.memory_space<hbm>> -> memref<126x144xf32, #tpu.memory_space<hbm>>
      %dma_wait3A_60 = arith.constant 0 : i32
      %dma_wait3A_61 = tpu.memref_slice %arg15[%add3A_41, %dma_wait3A_60] : memref<10080x144xf32, #tpu.memory_space<vmem_shared>> -> memref<126x144xf32, #tpu.memory_space<vmem_shared>>
      tpu.wait_dma2 semaphore(%run_scoped3A : memref<!tpu.dma_semaphore, #tpu.memory_space<semaphore_mem>>) src(%dma_wait3A_61 : memref<126x144xf32, #tpu.memory_space<vmem_shared>>) dst(%dma_wait3A_59 : memref<126x144xf32, #tpu.memory_space<hbm>>)
      tpu.yield
    }) : () -> ()
    %mul3A_42 = arith.constant 630 : i32
    %mul3A_43 = arith.muli %arg1, %mul3A_42 : i32
    %add3A_44 = arith.constant 252 : i32
    %add3A_45 = arith.addi %mul3A_43, %add3A_44 : i32
    "tpu.region"() ({
      %run_scoped3A = tpu.sem_alloc : memref<!tpu.dma_semaphore, #tpu.memory_space<semaphore_mem>>
      %dma_start3A = arith.constant 0 : i32
      %dma_start3A_54 = tpu.memref_slice %arg6[%arg0, %add3A_45, %dma_start3A] : memref<2x10080x144xf32, #tpu.memory_space<hbm>> -> memref<1x126x144xf32, #tpu.memory_space<hbm>>
      %dma_start3A_55 = tpu.memref_squeeze %dma_start3A_54 : memref<1x126x144xf32, #tpu.memory_space<hbm>> -> memref<126x144xf32, #tpu.memory_space<hbm>>
      %dma_start3A_56 = arith.constant 0 : i32
      %dma_start3A_57 = tpu.memref_slice %arg15[%add3A_45, %dma_start3A_56] : memref<10080x144xf32, #tpu.memory_space<vmem_shared>> -> memref<126x144xf32, #tpu.memory_space<vmem_shared>>
      tpu.enqueue_dma source(%dma_start3A_57 : memref<126x144xf32, #tpu.memory_space<vmem_shared>>) target(%dma_start3A_55 : memref<126x144xf32, #tpu.memory_space<hbm>>) target_semaphore(%run_scoped3A : memref<!tpu.dma_semaphore, #tpu.memory_space<semaphore_mem>>)
      %dma_wait3A = arith.constant 0 : i32
      %dma_wait3A_58 = tpu.memref_slice %arg6[%arg0, %add3A_45, %dma_wait3A] : memref<2x10080x144xf32, #tpu.memory_space<hbm>> -> memref<1x126x144xf32, #tpu.memory_space<hbm>>
      %dma_wait3A_59 = tpu.memref_squeeze %dma_wait3A_58 : memref<1x126x144xf32, #tpu.memory_space<hbm>> -> memref<126x144xf32, #tpu.memory_space<hbm>>
      %dma_wait3A_60 = arith.constant 0 : i32
      %dma_wait3A_61 = tpu.memref_slice %arg15[%add3A_45, %dma_wait3A_60] : memref<10080x144xf32, #tpu.memory_space<vmem_shared>> -> memref<126x144xf32, #tpu.memory_space<vmem_shared>>
      tpu.wait_dma2 semaphore(%run_scoped3A : memref<!tpu.dma_semaphore, #tpu.memory_space<semaphore_mem>>) src(%dma_wait3A_61 : memref<126x144xf32, #tpu.memory_space<vmem_shared>>) dst(%dma_wait3A_59 : memref<126x144xf32, #tpu.memory_space<hbm>>)
      tpu.yield
    }) : () -> ()
    %mul3A_46 = arith.constant 630 : i32
    %mul3A_47 = arith.muli %arg1, %mul3A_46 : i32
    %add3A_48 = arith.constant 378 : i32
    %add3A_49 = arith.addi %mul3A_47, %add3A_48 : i32
    "tpu.region"() ({
      %run_scoped3A = tpu.sem_alloc : memref<!tpu.dma_semaphore, #tpu.memory_space<semaphore_mem>>
      %dma_start3A = arith.constant 0 : i32
      %dma_start3A_54 = tpu.memref_slice %arg6[%arg0, %add3A_49, %dma_start3A] : memref<2x10080x144xf32, #tpu.memory_space<hbm>> -> memref<1x126x144xf32, #tpu.memory_space<hbm>>
      %dma_start3A_55 = tpu.memref_squeeze %dma_start3A_54 : memref<1x126x144xf32, #tpu.memory_space<hbm>> -> memref<126x144xf32, #tpu.memory_space<hbm>>
      %dma_start3A_56 = arith.constant 0 : i32
      %dma_start3A_57 = tpu.memref_slice %arg15[%add3A_49, %dma_start3A_56] : memref<10080x144xf32, #tpu.memory_space<vmem_shared>> -> memref<126x144xf32, #tpu.memory_space<vmem_shared>>
      tpu.enqueue_dma source(%dma_start3A_57 : memref<126x144xf32, #tpu.memory_space<vmem_shared>>) target(%dma_start3A_55 : memref<126x144xf32, #tpu.memory_space<hbm>>) target_semaphore(%run_scoped3A : memref<!tpu.dma_semaphore, #tpu.memory_space<semaphore_mem>>)
      %dma_wait3A = arith.constant 0 : i32
      %dma_wait3A_58 = tpu.memref_slice %arg6[%arg0, %add3A_49, %dma_wait3A] : memref<2x10080x144xf32, #tpu.memory_space<hbm>> -> memref<1x126x144xf32, #tpu.memory_space<hbm>>
      %dma_wait3A_59 = tpu.memref_squeeze %dma_wait3A_58 : memref<1x126x144xf32, #tpu.memory_space<hbm>> -> memref<126x144xf32, #tpu.memory_space<hbm>>
      %dma_wait3A_60 = arith.constant 0 : i32
      %dma_wait3A_61 = tpu.memref_slice %arg15[%add3A_49, %dma_wait3A_60] : memref<10080x144xf32, #tpu.memory_space<vmem_shared>> -> memref<126x144xf32, #tpu.memory_space<vmem_shared>>
      tpu.wait_dma2 semaphore(%run_scoped3A : memref<!tpu.dma_semaphore, #tpu.memory_space<semaphore_mem>>) src(%dma_wait3A_61 : memref<126x144xf32, #tpu.memory_space<vmem_shared>>) dst(%dma_wait3A_59 : memref<126x144xf32, #tpu.memory_space<hbm>>)
      tpu.yield
    }) : () -> ()
    %mul3A_50 = arith.constant 630 : i32
    %mul3A_51 = arith.muli %arg1, %mul3A_50 : i32
    %add3A_52 = arith.constant 504 : i32
    %add3A_53 = arith.addi %mul3A_51, %add3A_52 : i32
    "tpu.region"() ({
      %run_scoped3A = tpu.sem_alloc : memref<!tpu.dma_semaphore, #tpu.memory_space<semaphore_mem>>
      %dma_start3A = arith.constant 0 : i32
      %dma_start3A_54 = tpu.memref_slice %arg6[%arg0, %add3A_53, %dma_start3A] : memref<2x10080x144xf32, #tpu.memory_space<hbm>> -> memref<1x126x144xf32, #tpu.memory_space<hbm>>
      %dma_start3A_55 = tpu.memref_squeeze %dma_start3A_54 : memref<1x126x144xf32, #tpu.memory_space<hbm>> -> memref<126x144xf32, #tpu.memory_space<hbm>>
      %dma_start3A_56 = arith.constant 0 : i32
      %dma_start3A_57 = tpu.memref_slice %arg15[%add3A_53, %dma_start3A_56] : memref<10080x144xf32, #tpu.memory_space<vmem_shared>> -> memref<126x144xf32, #tpu.memory_space<vmem_shared>>
      tpu.enqueue_dma source(%dma_start3A_57 : memref<126x144xf32, #tpu.memory_space<vmem_shared>>) target(%dma_start3A_55 : memref<126x144xf32, #tpu.memory_space<hbm>>) target_semaphore(%run_scoped3A : memref<!tpu.dma_semaphore, #tpu.memory_space<semaphore_mem>>)
      %dma_wait3A = arith.constant 0 : i32
      %dma_wait3A_58 = tpu.memref_slice %arg6[%arg0, %add3A_53, %dma_wait3A] : memref<2x10080x144xf32, #tpu.memory_space<hbm>> -> memref<1x126x144xf32, #tpu.memory_space<hbm>>
      %dma_wait3A_59 = tpu.memref_squeeze %dma_wait3A_58 : memref<1x126x144xf32, #tpu.memory_space<hbm>> -> memref<126x144xf32, #tpu.memory_space<hbm>>
      %dma_wait3A_60 = arith.constant 0 : i32
      %dma_wait3A_61 = tpu.memref_slice %arg15[%add3A_53, %dma_wait3A_60] : memref<10080x144xf32, #tpu.memory_space<vmem_shared>> -> memref<126x144xf32, #tpu.memory_space<vmem_shared>>
      tpu.wait_dma2 semaphore(%run_scoped3A : memref<!tpu.dma_semaphore, #tpu.memory_space<semaphore_mem>>) src(%dma_wait3A_61 : memref<126x144xf32, #tpu.memory_space<vmem_shared>>) dst(%dma_wait3A_59 : memref<126x144xf32, #tpu.memory_space<hbm>>)
      tpu.yield
    }) : () -> ()
    return
  }
}

module attributes {stable_mosaic.version = 14 : i64} {
  func.func @_proj_body(%arg0: i32, %arg1: memref<2000x128xf32, #tpu.memory_space<vmem>>, %arg2: memref<128x128xf32, #tpu.memory_space<vmem>>, %arg3: memref<128x16xf32, #tpu.memory_space<vmem>>, %arg4: memref<128x16xf32, #tpu.memory_space<vmem>>, %arg5: memref<2000x128xf32, #tpu.memory_space<vmem>>, %arg6: memref<2000x16xf32, #tpu.memory_space<vmem>>, %arg7: memref<2000x16xf32, #tpu.memory_space<vmem>>) attributes {dimension_semantics = [#tpu.dimension_semantics<arbitrary>], iteration_bounds = array<i64: 5>, scalar_prefetch = 0 : i64, scratch_operands = 0 : i64, tpu.core_type = #tpu.core_type<tc>, window_params = [{transform_indices = @transform_0, window_bounds = array<i64: 2000, 128>}, {pipeline_mode = #tpu.pipeline_mode<synchronous>, transform_indices = @transform_1, window_bounds = array<i64: 128, 128>}, {pipeline_mode = #tpu.pipeline_mode<synchronous>, transform_indices = @transform_2, window_bounds = array<i64: 128, 16>}, {pipeline_mode = #tpu.pipeline_mode<synchronous>, transform_indices = @transform_3, window_bounds = array<i64: 128, 16>}, {transform_indices = @transform_4, window_bounds = array<i64: 2000, 128>}, {transform_indices = @transform_5, window_bounds = array<i64: 2000, 16>}, {transform_indices = @transform_6, window_bounds = array<i64: 2000, 16>}]} {
    %get3A = arith.constant 0 : index
    %get3A_0 = arith.constant 0 : index
    %get3A_1 = vector.load %arg1[%get3A, %get3A_0] : memref<2000x128xf32, #tpu.memory_space<vmem>>, vector<2000x128xf32>
    %get3A_2 = arith.constant 0 : index
    %get3A_3 = arith.constant 0 : index
    %get3A_4 = vector.load %arg2[%get3A_2, %get3A_3] : memref<128x128xf32, #tpu.memory_space<vmem>>, vector<128x128xf32>
    %dot_general3A = arith.constant dense<0.000000e+00> : vector<2000x128xf32>
    %dot_general3A_5 = tpu.matmul %get3A_1, %get3A_4, %dot_general3A {dimension_numbers = #tpu.dot_dimension_numbers<[1], [0], [0], [1], [0, 0, 1, 1], [], []>, transpose_lhs_hint = false} : vector<2000x128xf32>, vector<128x128xf32>, vector<2000x128xf32> -> vector<2000x128xf32>
    %swap3A = arith.constant 0 : index
    %swap3A_6 = arith.constant 0 : index
    %swap3A_7 = vector.load %arg5[%swap3A, %swap3A_6] : memref<2000x128xf32, #tpu.memory_space<vmem>>, vector<2000x128xf32>
    tpu.vector_store %arg5[%swap3A, %swap3A_6], %dot_general3A_5 {strides = array<i32>} : memref<2000x128xf32, #tpu.memory_space<vmem>>, vector<2000x128xf32>,
    %get3A_8 = arith.constant 0 : index
    %get3A_9 = arith.constant 0 : index
    %get3A_10 = vector.load %arg3[%get3A_8, %get3A_9] : memref<128x16xf32, #tpu.memory_space<vmem>>, vector<128x16xf32>
    %dot_general3A_11 = arith.constant dense<0.000000e+00> : vector<2000x16xf32>
    %dot_general3A_12 = tpu.matmul %dot_general3A_5, %get3A_10, %dot_general3A_11 {dimension_numbers = #tpu.dot_dimension_numbers<[1], [0], [0], [1], [0, 0, 1, 1], [], []>, transpose_lhs_hint = false} : vector<2000x128xf32>, vector<128x16xf32>, vector<2000x16xf32> -> vector<2000x16xf32>
    %swap3A_13 = arith.constant 0 : index
    %swap3A_14 = arith.constant 0 : index
    %swap3A_15 = vector.load %arg6[%swap3A_13, %swap3A_14] : memref<2000x16xf32, #tpu.memory_space<vmem>>, vector<2000x16xf32>
    tpu.vector_store %arg6[%swap3A_13, %swap3A_14], %dot_general3A_12 {strides = array<i32>} : memref<2000x16xf32, #tpu.memory_space<vmem>>, vector<2000x16xf32>,
    %get3A_16 = arith.constant 0 : index
    %get3A_17 = arith.constant 0 : index
    %get3A_18 = vector.load %arg4[%get3A_16, %get3A_17] : memref<128x16xf32, #tpu.memory_space<vmem>>, vector<128x16xf32>
    %dot_general3A_19 = arith.constant dense<0.000000e+00> : vector<2000x16xf32>
    %dot_general3A_20 = tpu.matmul %dot_general3A_5, %get3A_18, %dot_general3A_19 {dimension_numbers = #tpu.dot_dimension_numbers<[1], [0], [0], [1], [0, 0, 1, 1], [], []>, transpose_lhs_hint = false} : vector<2000x128xf32>, vector<128x16xf32>, vector<2000x16xf32> -> vector<2000x16xf32>
    %swap3A_21 = arith.constant 0 : index
    %swap3A_22 = arith.constant 0 : index
    %swap3A_23 = vector.load %arg7[%swap3A_21, %swap3A_22] : memref<2000x16xf32, #tpu.memory_space<vmem>>, vector<2000x16xf32>
    tpu.vector_store %arg7[%swap3A_21, %swap3A_22], %dot_general3A_20 {strides = array<i32>} : memref<2000x16xf32, #tpu.memory_space<vmem>>, vector<2000x16xf32>,
    return
  }
  func.func @transform_0(%arg0: i32) -> (i32, i32) {
    %c0_i32 = arith.constant 0 : i32
    %c0_i32_0 = arith.constant 0 : i32
    return %arg0, %c0_i32 : i32, i32
  }
  func.func @transform_1(%arg0: i32) -> (i32, i32) {
    %c0_i32 = arith.constant 0 : i32
    %c0_i32_0 = arith.constant 0 : i32
    %c0_i32_1 = arith.constant 0 : i32
    return %c0_i32, %c0_i32_0 : i32, i32
  }
  func.func @transform_2(%arg0: i32) -> (i32, i32) {
    %c0_i32 = arith.constant 0 : i32
    %c0_i32_0 = arith.constant 0 : i32
    %c0_i32_1 = arith.constant 0 : i32
    return %c0_i32, %c0_i32_0 : i32, i32
  }
  func.func @transform_3(%arg0: i32) -> (i32, i32) {
    %c0_i32 = arith.constant 0 : i32
    %c0_i32_0 = arith.constant 0 : i32
    %c0_i32_1 = arith.constant 0 : i32
    return %c0_i32, %c0_i32_0 : i32, i32
  }
  func.func @transform_4(%arg0: i32) -> (i32, i32) {
    %c0_i32 = arith.constant 0 : i32
    %c0_i32_0 = arith.constant 0 : i32
    return %arg0, %c0_i32 : i32, i32
  }
  func.func @transform_5(%arg0: i32) -> (i32, i32) {
    %c0_i32 = arith.constant 0 : i32
    %c0_i32_0 = arith.constant 0 : i32
    return %arg0, %c0_i32 : i32, i32
  }
  func.func @transform_6(%arg0: i32) -> (i32, i32) {
    %c0_i32 = arith.constant 0 : i32
    %c0_i32_0 = arith.constant 0 : i32
    return %arg0, %c0_i32 : i32, i32
  }
}

module attributes {stable_mosaic.version = 14 : i64} {
  func.func @_mid_body(%arg0: i32, %arg1: memref<2x2016x144xf32, #tpu.memory_space<vmem>>, %arg2: memref<1x128xf32, #tpu.memory_space<vmem>>, %arg3: memref<128x128xf32, #tpu.memory_space<vmem>>, %arg4: memref<128x16xf32, #tpu.memory_space<vmem>>, %arg5: memref<128x16xf32, #tpu.memory_space<vmem>>, %arg6: memref<2016x128xf32, #tpu.memory_space<vmem>>, %arg7: memref<2016x16xf32, #tpu.memory_space<vmem>>, %arg8: memref<2016x16xf32, #tpu.memory_space<vmem>>) attributes {dimension_semantics = [#tpu.dimension_semantics<arbitrary>], iteration_bounds = array<i64: 5>, scalar_prefetch = 0 : i64, scratch_operands = 0 : i64, tpu.core_type = #tpu.core_type<tc>, window_params = [{transform_indices = @transform_0, window_bounds = array<i64: 2, 2016, 144>}, {pipeline_mode = #tpu.pipeline_mode<synchronous>, transform_indices = @transform_1, window_bounds = array<i64: 1, 128>}, {pipeline_mode = #tpu.pipeline_mode<synchronous>, transform_indices = @transform_2, window_bounds = array<i64: 128, 128>}, {pipeline_mode = #tpu.pipeline_mode<synchronous>, transform_indices = @transform_3, window_bounds = array<i64: 128, 16>}, {pipeline_mode = #tpu.pipeline_mode<synchronous>, transform_indices = @transform_4, window_bounds = array<i64: 128, 16>}, {transform_indices = @transform_5, window_bounds = array<i64: 2016, 128>}, {transform_indices = @transform_6, window_bounds = array<i64: 2016, 16>}, {transform_indices = @transform_7, window_bounds = array<i64: 2016, 16>}]} {
    %get3A = arith.constant 0 : index
    %get3A_0 = arith.constant 0 : index
    %get3A_1 = arith.constant 0 : index
    %get3A_2 = vector.load %arg1[%get3A, %get3A_0, %get3A_1] : memref<2x2016x144xf32, #tpu.memory_space<vmem>>, vector<1x2016x144xf32>
    %get3A_3 = vector.shape_cast %get3A_2 : vector<1x2016x144xf32> to vector<2016x144xf32>
    %get3A_4 = arith.constant 1 : index
    %get3A_5 = arith.constant 0 : index
    %get3A_6 = arith.constant 0 : index
    %get3A_7 = vector.load %arg1[%get3A_4, %get3A_5, %get3A_6] : memref<2x2016x144xf32, #tpu.memory_space<vmem>>, vector<1x2016x144xf32>
    %get3A_8 = vector.shape_cast %get3A_7 : vector<1x2016x144xf32> to vector<2016x144xf32>
    %add3A = arith.addf %get3A_3, %get3A_8 : vector<2016x144xf32>
    %slice3A = vector.extract_strided_slice %add3A {offsets = [0, 128], sizes = [2016, 1], strides = [1, 1]} : vector<2016x144xf32> to vector<2016x1xf32>
    %slice3A_9 = vector.extract_strided_slice %add3A {offsets = [0, 129], sizes = [2016, 1], strides = [1, 1]} : vector<2016x144xf32> to vector<2016x1xf32>
    %slice3A_10 = vector.extract_strided_slice %add3A {offsets = [0, 0], sizes = [2016, 64], strides = [1, 1]} : vector<2016x144xf32> to vector<2016x64xf32>
    %add3A_11 = arith.constant 1.000000e-16 : f32
    %add3A_12 = vector.broadcast %add3A_11 : f32 to vector<2016x1xf32>
    %add3A_13 = arith.addf %slice3A, %add3A_12 : vector<2016x1xf32>
    %div3A = vector.broadcast %add3A_13 : vector<2016x1xf32> to vector<2016x64xf32>
    %div3A_14 = arith.divf %slice3A_10, %div3A : vector<2016x64xf32>
    %slice3A_15 = vector.extract_strided_slice %add3A {offsets = [0, 64], sizes = [2016, 64], strides = [1, 1]} : vector<2016x144xf32> to vector<2016x64xf32>
    %add3A_16 = arith.constant 1.000000e-16 : f32
    %add3A_17 = vector.broadcast %add3A_16 : f32 to vector<2016x1xf32>
    %add3A_18 = arith.addf %slice3A_9, %add3A_17 : vector<2016x1xf32>
    %div3A_19 = vector.broadcast %add3A_18 : vector<2016x1xf32> to vector<2016x64xf32>
    %div3A_20 = arith.divf %slice3A_15, %div3A_19 : vector<2016x64xf32>
    %concatenate3A = tpu.concatenate %div3A_14, %div3A_20 in 1 : vector<2016x64xf32>, vector<2016x64xf32> -> vector<2016x128xf32>
    %get3A_21 = arith.constant 0 : index
    %get3A_22 = arith.constant 0 : index
    %get3A_23 = vector.load %arg2[%get3A_21, %get3A_22] : memref<1x128xf32, #tpu.memory_space<vmem>>, vector<1x128xf32>
    %add3A_24 = vector.broadcast %get3A_23 : vector<1x128xf32> to vector<2016x128xf32>
    %add3A_25 = arith.addf %concatenate3A, %add3A_24 : vector<2016x128xf32>
    %max3A = arith.constant 0.000000e+00 : f32
    %max3A_26 = vector.broadcast %max3A : f32 to vector<2016x128xf32>
    %max3A_27 = arith.maximumf %add3A_25, %max3A_26 : vector<2016x128xf32>
    %get3A_28 = arith.constant 0 : index
    %get3A_29 = arith.constant 0 : index
    %get3A_30 = vector.load %arg3[%get3A_28, %get3A_29] : memref<128x128xf32, #tpu.memory_space<vmem>>, vector<128x128xf32>
    %dot_general3A = arith.constant dense<0.000000e+00> : vector<2016x128xf32>
    %dot_general3A_31 = tpu.matmul %max3A_27, %get3A_30, %dot_general3A {dimension_numbers = #tpu.dot_dimension_numbers<[1], [0], [0], [1], [0, 0, 1, 1], [], []>, transpose_lhs_hint = false} : vector<2016x128xf32>, vector<128x128xf32>, vector<2016x128xf32> -> vector<2016x128xf32>
    %swap3A = arith.constant 0 : index
    %swap3A_32 = arith.constant 0 : index
    %swap3A_33 = vector.load %arg6[%swap3A, %swap3A_32] : memref<2016x128xf32, #tpu.memory_space<vmem>>, vector<2016x128xf32>
    tpu.vector_store %arg6[%swap3A, %swap3A_32], %dot_general3A_31 {strides = array<i32>} : memref<2016x128xf32, #tpu.memory_space<vmem>>, vector<2016x128xf32>,
    %get3A_34 = arith.constant 0 : index
    %get3A_35 = arith.constant 0 : index
    %get3A_36 = vector.load %arg4[%get3A_34, %get3A_35] : memref<128x16xf32, #tpu.memory_space<vmem>>, vector<128x16xf32>
    %dot_general3A_37 = arith.constant dense<0.000000e+00> : vector<2016x16xf32>
    %dot_general3A_38 = tpu.matmul %dot_general3A_31, %get3A_36, %dot_general3A_37 {dimension_numbers = #tpu.dot_dimension_numbers<[1], [0], [0], [1], [0, 0, 1, 1], [], []>, transpose_lhs_hint = false} : vector<2016x128xf32>, vector<128x16xf32>, vector<2016x16xf32> -> vector<2016x16xf32>
    %swap3A_39 = arith.constant 0 : index
    %swap3A_40 = arith.constant 0 : index
    %swap3A_41 = vector.load %arg7[%swap3A_39, %swap3A_40] : memref<2016x16xf32, #tpu.memory_space<vmem>>, vector<2016x16xf32>
    tpu.vector_store %arg7[%swap3A_39, %swap3A_40], %dot_general3A_38 {strides = array<i32>} : memref<2016x16xf32, #tpu.memory_space<vmem>>, vector<2016x16xf32>,
    %get3A_42 = arith.constant 0 : index
    %get3A_43 = arith.constant 0 : index
    %get3A_44 = vector.load %arg5[%get3A_42, %get3A_43] : memref<128x16xf32, #tpu.memory_space<vmem>>, vector<128x16xf32>
    %dot_general3A_45 = arith.constant dense<0.000000e+00> : vector<2016x16xf32>
    %dot_general3A_46 = tpu.matmul %dot_general3A_31, %get3A_44, %dot_general3A_45 {dimension_numbers = #tpu.dot_dimension_numbers<[1], [0], [0], [1], [0, 0, 1, 1], [], []>, transpose_lhs_hint = false} : vector<2016x128xf32>, vector<128x16xf32>, vector<2016x16xf32> -> vector<2016x16xf32>
    %swap3A_47 = arith.constant 0 : index
    %swap3A_48 = arith.constant 0 : index
    %swap3A_49 = vector.load %arg8[%swap3A_47, %swap3A_48] : memref<2016x16xf32, #tpu.memory_space<vmem>>, vector<2016x16xf32>
    tpu.vector_store %arg8[%swap3A_47, %swap3A_48], %dot_general3A_46 {strides = array<i32>} : memref<2016x16xf32, #tpu.memory_space<vmem>>, vector<2016x16xf32>,
    return
  }
  func.func @transform_0(%arg0: i32) -> (i32, i32, i32) {
    %c0_i32 = arith.constant 0 : i32
    %c0_i32_0 = arith.constant 0 : i32
    %c0_i32_1 = arith.constant 0 : i32
    return %c0_i32, %arg0, %c0_i32_0 : i32, i32, i32
  }
  func.func @transform_1(%arg0: i32) -> (i32, i32) {
    %c0_i32 = arith.constant 0 : i32
    %c0_i32_0 = arith.constant 0 : i32
    %c0_i32_1 = arith.constant 0 : i32
    return %c0_i32, %c0_i32_0 : i32, i32
  }
  func.func @transform_2(%arg0: i32) -> (i32, i32) {
    %c0_i32 = arith.constant 0 : i32
    %c0_i32_0 = arith.constant 0 : i32
    %c0_i32_1 = arith.constant 0 : i32
    return %c0_i32, %c0_i32_0 : i32, i32
  }
  func.func @transform_3(%arg0: i32) -> (i32, i32) {
    %c0_i32 = arith.constant 0 : i32
    %c0_i32_0 = arith.constant 0 : i32
    %c0_i32_1 = arith.constant 0 : i32
    return %c0_i32, %c0_i32_0 : i32, i32
  }
  func.func @transform_4(%arg0: i32) -> (i32, i32) {
    %c0_i32 = arith.constant 0 : i32
    %c0_i32_0 = arith.constant 0 : i32
    %c0_i32_1 = arith.constant 0 : i32
    return %c0_i32, %c0_i32_0 : i32, i32
  }
  func.func @transform_5(%arg0: i32) -> (i32, i32) {
    %c0_i32 = arith.constant 0 : i32
    %c0_i32_0 = arith.constant 0 : i32
    return %arg0, %c0_i32 : i32, i32
  }
  func.func @transform_6(%arg0: i32) -> (i32, i32) {
    %c0_i32 = arith.constant 0 : i32
    %c0_i32_0 = arith.constant 0 : i32
    return %arg0, %c0_i32 : i32, i32
  }
  func.func @transform_7(%arg0: i32) -> (i32, i32) {
    %c0_i32 = arith.constant 0 : i32
    %c0_i32_0 = arith.constant 0 : i32
    return %arg0, %c0_i32 : i32, i32
  }
}

module attributes {stable_mosaic.version = 14 : i64} {
  func.func @_fin_body(%arg0: i32, %arg1: memref<2x2016x144xf32, #tpu.memory_space<vmem>>, %arg2: memref<1x128xf32, #tpu.memory_space<vmem>>, %arg3: memref<2016x128xf32, #tpu.memory_space<vmem>>) attributes {dimension_semantics = [#tpu.dimension_semantics<arbitrary>], iteration_bounds = array<i64: 5>, scalar_prefetch = 0 : i64, scratch_operands = 0 : i64, tpu.core_type = #tpu.core_type<tc>, window_params = [{transform_indices = @transform_0, window_bounds = array<i64: 2, 2016, 144>}, {pipeline_mode = #tpu.pipeline_mode<synchronous>, transform_indices = @transform_1, window_bounds = array<i64: 1, 128>}, {transform_indices = @transform_2, window_bounds = array<i64: 2016, 128>}]} {
    %get3A = arith.constant 0 : index
    %get3A_0 = arith.constant 0 : index
    %get3A_1 = arith.constant 0 : index
    %get3A_2 = vector.load %arg1[%get3A, %get3A_0, %get3A_1] : memref<2x2016x144xf32, #tpu.memory_space<vmem>>, vector<1x2016x144xf32>
    %get3A_3 = vector.shape_cast %get3A_2 : vector<1x2016x144xf32> to vector<2016x144xf32>
    %get3A_4 = arith.constant 1 : index
    %get3A_5 = arith.constant 0 : index
    %get3A_6 = arith.constant 0 : index
    %get3A_7 = vector.load %arg1[%get3A_4, %get3A_5, %get3A_6] : memref<2x2016x144xf32, #tpu.memory_space<vmem>>, vector<1x2016x144xf32>
    %get3A_8 = vector.shape_cast %get3A_7 : vector<1x2016x144xf32> to vector<2016x144xf32>
    %add3A = arith.addf %get3A_3, %get3A_8 : vector<2016x144xf32>
    %slice3A = vector.extract_strided_slice %add3A {offsets = [0, 128], sizes = [2016, 1], strides = [1, 1]} : vector<2016x144xf32> to vector<2016x1xf32>
    %slice3A_9 = vector.extract_strided_slice %add3A {offsets = [0, 0], sizes = [2016, 128], strides = [1, 1]} : vector<2016x144xf32> to vector<2016x128xf32>
    %add3A_10 = arith.constant 1.000000e-16 : f32
    %add3A_11 = vector.broadcast %add3A_10 : f32 to vector<2016x1xf32>
    %add3A_12 = arith.addf %slice3A, %add3A_11 : vector<2016x1xf32>
    %div3A = vector.broadcast %add3A_12 : vector<2016x1xf32> to vector<2016x128xf32>
    %div3A_13 = arith.divf %slice3A_9, %div3A : vector<2016x128xf32>
    %get3A_14 = arith.constant 0 : index
    %get3A_15 = arith.constant 0 : index
    %get3A_16 = vector.load %arg2[%get3A_14, %get3A_15] : memref<1x128xf32, #tpu.memory_space<vmem>>, vector<1x128xf32>
    %add3A_17 = vector.broadcast %get3A_16 : vector<1x128xf32> to vector<2016x128xf32>
    %add3A_18 = arith.addf %div3A_13, %add3A_17 : vector<2016x128xf32>
    %swap3A = arith.constant 0 : index
    %swap3A_19 = arith.constant 0 : index
    %swap3A_20 = vector.load %arg3[%swap3A, %swap3A_19] : memref<2016x128xf32, #tpu.memory_space<vmem>>, vector<2016x128xf32>
    tpu.vector_store %arg3[%swap3A, %swap3A_19], %add3A_18 {strides = array<i32>} : memref<2016x128xf32, #tpu.memory_space<vmem>>, vector<2016x128xf32>,
    return
  }
  func.func @transform_0(%arg0: i32) -> (i32, i32, i32) {
    %c0_i32 = arith.constant 0 : i32
    %c0_i32_0 = arith.constant 0 : i32
    %c0_i32_1 = arith.constant 0 : i32
    return %c0_i32, %arg0, %c0_i32_0 : i32, i32, i32
  }
  func.func @transform_1(%arg0: i32) -> (i32, i32) {
    %c0_i32 = arith.constant 0 : i32
    %c0_i32_0 = arith.constant 0 : i32
    %c0_i32_1 = arith.constant 0 : i32
    return %c0_i32, %c0_i32_0 : i32, i32
  }
  func.func @transform_2(%arg0: i32) -> (i32, i32) {
    %c0_i32 = arith.constant 0 : i32
    %c0_i32_0 = arith.constant 0 : i32
    return %arg0, %c0_i32 : i32, i32
  }
}

</mosaic_0001>

<sc_bundles>
// kernel: kernel.10.cloned.1.call-start
scs
__scs_entry_jumppad:
0x0: {  	(pc) =	sbr.rel $0x88, $3  }
0x1: {  	(tag) =	ssettag $0x0;
	lr =	simm.s32 $0x1  }
0x2: {  	[smem:$0x3F97] =	sst lr;
	_ =	strace $0xD0000000  }
0x3: {  	_ = 	snop  }
0x4: {  	_ = 	snop  }
0x5: {  	_ = 	snop  }
0x6: {  	_ = 	snop  }
0x7: {  	_ = 	snop  }
__scs_overlays_trampoline_lowered:
0x8: {  	[smem:$0x3FA6] =	sst s0  }
0x9: {  	[smem:$0x3FA7] =	sst s1  }
0xa: {  	[smem:$0x3FA8] =	sst s2  }
0xb: {  	[smem:$0x3FA9] =	sst s3  }
0xc: {  	[smem:$0x3FAA] =	sst s4  }
0xd: {  	[smem:$0x3FAB] =	sst s5  }
0xe: {  	[smem:$0x3FAC] =	sst s6  }
0xf: {  	[smem:$0x3FAD] =	sst s7  }
0x10: {  	[smem:$0x3FAE] =	sst s8  }
0x11: {  	[smem:$0x3FAF] =	sst s9;
	s0 =	simm.s32 @!p0 $0x0  }
0x12: {  	s1 =	sld [smem:$0x3F95];
	s0 =	simm.s32 @p0 $0x1  }
0x13: {  	[smem:$0x3FB0] =	sst s0;
	s0 =	simm.s32 @!p1 $0x0  }
0x14: {  	s2 =	sld [smem:$0x3F94];
	s0 =	simm.s32 @p1 $0x1  }
0x15: {  	[smem:$0x3FB1] =	sst s0;
	s0 =	simm.s32 @!p2 $0x0  }
0x16: {  	s3 =	sld [smem:$0x3FDB];
	s0 =	simm.s32 @p2 $0x1  }
0x17: {  	s4 =	simm.s32 $0x1BF5;
	[smem:$0x3FB3] =	sst s0  }
0x18: {  	s0 =	sld [smem:$0x3F96];
	_ =	swait.ge [sflag:s4], $0x0  }
0x19: {  	s7 =	sld [smem:$0x3F97]  }
0x1a: {  	s8 =	sadd.s32 $0xFFFFE003, lr  }
0x1b: {  	s9 =	sadd.s32 $0xFFFFFEF7, lr;
	s5 =	simm.s32 $0xFFFFFFFF;
	p2 =	slt.u32 s8, $0xFFFFF086  }
0x1c: {  	p1 =	slt.u32 s9, $0xF7A;
	s5 =	simm.s32 @!p2 $0x0  }
0x1d: {  	s5 =	simm.s32 @p1 $0x1;
	p0 =	seq.s32 s7, s2  }
0x1e: {  	s7 =	smul.u32 @!p0 $0xF7A, s2;
	p2 =	seq.s32 @!p0 s5, $0x0  }
0x1f: {  	s9 =	smul.u32 $0xF7A, s1;
	s8 =	simm.s32 @!p0 $0x1BF5;
	p2 =	por !p2, p0  }
0x20: {  	[sflag:s8] =	ssyncset.s32 @!p0 $0xFFFFF086;
	s6 =	sadd.s32 @!p0 s3, s7;
	s7 =	simm.s32 @!p0 $0x108  }
0x21: {  	s3 =	sadd.s32 s3, s9;
	s6 =	sadd.s32 @!p0 $0x88, s6;
	s7 =	simm.s32 @p2 $0x1082  }
0x22: {  	[simem:s7], [sflag:s8] =	dma.local @!p0 [hbm:s6], $0xF7A  }
0x23: {  	s9 =	sor.u32 $0xD0000000, s2;
	s6 =	simm.s32 $0x108;
	_ =	swait.ge @!p0 [sflag:s8], $0x0  }
0x24: {  	s3 =	sadd.s32 $0x88, s3;
	s6 =	simm.s32 @!p1 $0x1082;
	[sflag:s4] =	ssyncset.s32 $0xFFFFF086  }
0x25: {  	[simem:s6], [sflag:s4] =	dma.local [hbm:s3], $0xF7A  }
0x26: {  	[smem:$0x3F97] =	sst s1;
	(tag) =	ssettag s2;
	_ =	strace s9  }
0x27: {  	s1 =	sld [smem:$0x3FA7]  }
0x28: {  	s2 =	sld [smem:$0x3FA8]  }
0x29: {  	s4 =	sld [smem:$0x3FAA]  }
0x2a: {  	p0 =	seq.s32 s5, $0x0;
	s5 =	sld [smem:$0x3FAB]  }
0x2b: {  	s6 =	sld [smem:$0x3FAC]  }
0x2c: {  	s7 =	sld [smem:$0x3FAD]  }
0x2d: {  	s3 =	simm.s32 $0x108;
	s8 =	sld [smem:$0x3FAE]  }
0x2e: {  	s3 =	simm.s32 @!p0 $0x1082;
	s9 =	sld [smem:$0x3FAF]  }
0x2f: {  	lr =	sadd.s32 s0, s3;
	s0 =	sld [smem:$0x3FA6]  }
0x30: {  	s3 =	sld [smem:$0x3FA9]  }
0x31: {  	[smem:$0x3FB2] =	sst s10  }
0x32: {  	s10 =	sld [smem:$0x3FB0];
	_ =	sdelay $0x3  }
0x33: {  	p0 =	seq.s32 s10, $0x1;
	s10 =	sld [smem:$0x3FB2];
	_ =	sdelay $0x3  }
0x34: {  	[smem:$0x3FB2] =	sst s10  }
0x35: {  	s10 =	sld [smem:$0x3FB1];
	_ =	sdelay $0x3  }
0x36: {  	p1 =	seq.s32 s10, $0x1;
	s10 =	sld [smem:$0x3FB2];
	_ =	sdelay $0x3  }
0x37: {  	[smem:$0x3FB2] =	sst s10  }
0x38: {  	s10 =	sld [smem:$0x3FB3]  }
0x39: {  	_ = 	snop;
	(pc) =	sbr.ind lr, $3  }
0x3a: {  	_ = 	snop  }
0x3b: {  	_ = 	snop  }
0x3c: {  	p2 =	seq.s32 s10, $0x1;
	s10 =	sld [smem:$0x3FB2]  }
0x3d: {  	_ =	shalt  }
0x3e: {  	_ =	shalt  }
0x3f: {  	_ =	shalt  }
0x40: {  	_ =	shalt  }
0x41: {  	_ =	shalt  }
0x42: {  	_ =	shalt  }
0x43: {  	_ =	shalt  }
0x44: {  	_ =	shalt  }
0x45: {  	_ =	shalt  }
0x46: {  	_ =	shalt  }
0x47: {  	_ =	shalt  }
0x48: {  	_ =	shalt  }
0x49: {  	_ =	shalt  }
0x4a: {  	_ =	shalt  }
0x4b: {  	_ =	shalt  }
0x4c: {  	_ =	shalt  }
0x4d: {  	_ =	shalt  }
0x4e: {  	_ =	shalt  }
0x4f: {  	_ =	shalt  }
0x50: {  	_ =	shalt  }
0x51: {  	_ =	shalt  }
0x52: {  	_ =	shalt  }
0x53: {  	_ =	shalt  }
0x54: {  	_ =	shalt  }
0x55: {  	_ =	shalt  }
0x56: {  	_ =	shalt  }
0x57: {  	_ =	shalt  }
0x58: {  	_ =	shalt  }
0x59: {  	_ =	shalt  }
0x5a: {  	_ =	shalt  }
0x5b: {  	_ =	shalt  }
0x5c: {  	_ =	shalt  }
0x5d: {  	_ =	shalt  }
0x5e: {  	_ =	shalt  }
0x5f: {  	_ =	shalt  }
0x60: {  	_ =	shalt  }
0x61: {  	_ =	shalt  }
0x62: {  	_ =	shalt  }
0x63: {  	_ =	shalt  }
0x64: {  	_ =	shalt  }
0x65: {  	_ =	shalt  }
0x66: {  	_ =	shalt  }
0x67: {  	_ =	shalt  }
0x68: {  	_ =	shalt  }
0x69: {  	_ =	shalt  }
0x6a: {  	_ =	shalt  }
0x6b: {  	_ =	shalt  }
0x6c: {  	_ =	shalt  }
0x6d: {  	_ =	shalt  }
0x6e: {  	_ =	shalt  }
0x6f: {  	_ =	shalt  }
0x70: {  	_ =	shalt  }
0x71: {  	_ =	shalt  }
0x72: {  	_ =	shalt  }
0x73: {  	_ =	shalt  }
0x74: {  	_ =	shalt  }
0x75: {  	_ =	shalt  }
0x76: {  	_ =	shalt  }
0x77: {  	_ =	shalt  }
0x78: {  	_ =	shalt  }
0x79: {  	_ =	shalt  }
0x7a: {  	_ =	shalt  }
0x7b: {  	_ =	shalt  }
0x7c: {  	_ =	shalt  }
0x7d: {  	_ =	shalt  }
0x7e: {  	_ =	shalt  }
0x7f: {  	_ =	shalt  }
0x80: {  	_ =	shalt  }
0x81: {  	_ =	shalt  }
0x82: {  	_ =	shalt  }
0x83: {  	_ =	shalt  }
0x84: {  	_ =	shalt  }
0x85: {  	_ =	shalt  }
0x86: {  	_ =	shalt  }
0x87: {  	_ =	shalt  }
.Lfunc_end0:
.L_simem_size_0:
called_computation.1_lowered:
.L_overlay_start_0:
0x88: {  	s2 =	sld [smem:$0x3FD9]  }
0x89: {  	s3 =	sld [smem:$0x3FFE];
	_ =	sdelay $0x1  }
0x8a: {  	s1 =	srdreg.scid  }
0x8b: {  	s0 =	sand.u32 $0x1, s1  }
0x8c: {  	s17 =	sshll.u32 s0, $0xA;
	s2 =	sadd.s32 s3, s2  }
0x8d: {  	s2 =	sadd.s32 s2, s17  }
0x8e: {  	[smem:$0x3FBE] =	sst s2  }
0x8f: {  	_ = 	snop  }
0x90: {  	s2 =	sld [smem:$0x3FD0];
	(tm) =	ssettm $0x1  }
0x91: {  	s18 =	sld [smem:$0x3FFB];
	_ =	sdelay $0x3  }
0x92: {  	_ =	strace s18  }
0x93: {  	s3 =	sld [smem:$0x3FFC];
	_ =	sdelay $0x3  }
0x94: {  	_ =	strace s3  }
0x95: {  	s3 =	sld [smem:$0x3FFD];
	_ =	sdelay $0x3  }
0x96: {  	_ =	strace s3  }
0x97: {  	_ =	strace $0x8FFFFFFF  }
0x98: {  	s19 =	sld [smem:$0x3FDB];
	_ =	sdelay $0x1  }
0x99: {  	s4 =	simm.s32 $_scs_section_size  }
0x9a: {  	s5 =	simm.s32 $_size__tile_overlayer_lowered;
	s6 =	simm.s32 $_tile_overlayer_lowered  }
0x9b: {  	s22 =	simm.s32 $0x1BFF;
	s21 =	sshll.u32 s6, $0x1;
	s3 =	sadd.s32 s4, s19  }
0x9c: {  	s7 =	simm.s32 $0x0;
	s20 =	sshll.u32 s5, $0x1;
	s5 =	sadd.s32 s21, s3  }
0x9d: {  	[timem:s7], [sflag:s22] =	dma.local [hbm:s5], s20  }
0x9e: {  	_ =	swait.ge [sflag:s22], s20  }
0x9f: {  	s4 =	ssub.s32 $0x0, s20;
	[sflag:s22] =	ssyncset.done $0x0  }
0xa0: {  	[sflag:s22] =	ssyncadd.s32 s4;
	_ =	sdelay $0x1  }
0xa1: {  	s23 =	simm.s32 $0x1B8B  }
0xa2: {  	_ =	swait.ge [sflag:s23], $0x1  }
0xa3: {  	[sflag:s23] =	ssyncset.done $0x0  }
0xa4: {  	s25 =	simm.s32 $0x1B8E;
	s24 =	sld [smem:$0x3FFE];
	[sflag:s23] =	ssyncadd.s32 $0xFFFFFFFF  }
0xa5: {  	s26 =	simm.s32 $execute0_lowered;
	[smem:$0x3FD2] =	sst s25  }
0xa6: {  	s5 =	sshll.u32 s26, $0x1;
	_ =	strace $0x80000049;
	[dreg:$0x1] =	wrdreg $0xFFFFFFFF  }
0xa7: {  	s28 =	simm.s32 $_size_execute0_lowered;
	s3 =	sadd.s32 s3, s5;
	[dreg:$0x0] =	wrdreg $0x0  }
0xa8: {  	s5 =	sshll.u32 s28, $0x1;
	[dreg:$0x2] =	wrdreg s3  }
0xa9: {  	[dreg:$0x3] =	wrdreg s5  }
0xaa: {  	[dreg:$0x4] =	wrdreg $0xC0  }
0xab: {  	_ =	task [dreg:s7], $0x5FFFF  }
0xac: {  	[dreg:$0x1] =	wrdreg $0xFFFFFFFF  }
0xad: {  	[dreg:$0x0] =	wrdreg $0x60  }
0xae: {  	[dreg:$0x2] =	wrdreg s24  }
0xaf: {  	[dreg:$0x3] =	wrdreg s2  }
0xb0: {  	[dreg:$0x4] =	wrdreg $0x99000  }
0xb1: {  	[dreg:$0x5] =	wrdreg $0x9  }
0xb2: {  	_ =	task.clear_ibuf [dreg:s7], $0x6FFFF;
	_ =	strace $0x90000049  }
0xb3: {  	s29 =	simm.s32 $0x9;
	_ =	strace $0x8000004B  }
0xb4: {  	_ =	swait.ge [sflag:s29], $0x1  }
0xb5: {  	[sflag:s29] =	ssyncadd.s32 $0xFFFFFFFF  }
0xb6: {  	_ =	strace $0x9000004B  }
0xb7: {  	_ =	sfence  }
0xb8: {  	s30 =	sld [smem:$0x0];
	_ =	sdelay $0x2  }
0xb9: {  	s31 =	sshll.u32 s1, $0xD;
	s1 =	sshrl.u32 s1, $0x2  }
0xba: {  	s3 =	sand.u32 $0x4000, s31;
	s1 =	sadd.s32 s1, s30  }
0xbb: {  	s0 =	sor.u32 s3, s0;
	s1 =	sshll.u32 s1, $0x11  }
0xbc: {  	s0 =	sor.u32 s1, s0  }
0xbd: {  	s0 =	sadd.s32 $0x8F2B, s0  }
0xbe: {  	[sflag:s0] =	ssyncadd.remote.s32 $0x1  }
0xbf: {  	_ =	sfence.sel $0xFFFF  }
0xc0: {  	[dreg:$0x0] =	wrdreg $0xFFFFFFFF;
	(pc) =	sbr.abs _section_cstart, $3  }
0xc1: {  	[dreg:$0x1] =	wrdreg $0xFFFFFFFF  }
0xc2: {  	_ =	task.clear_ibuf [dreg:s7], $0x2FFFF;
	_ =	strace $0x9FFFFFFF  }
0xc3: {  	(tm) =	ssettm $0x7FFFFFFF  }
tec
execute0_lowered:
.L_overlay_start_1:
0x0: {  	(tag) =	ssettag $0x1  }
0x1: {  	s0 =	rddreg [dreg:$0x0]  }
0x2: {  	s1 =	rddreg [dreg:$0x1]  }
0x3: {  	s2 =	rddreg [dreg:$0x2]  }
0x4: {  	s3 =	simm.s32 $0x0;
	s4 =	srdreg.scid;
	s19 =	stileid.u32  }
0x5: {  	s28 =	simm.s32 $0x2;
	s29 =	simm.s32 $0x3;
	s30 =	simm.s32 $0x1  }
0x6: {  	s31 =	simm.s32 $0x0;
	[smem:$0x7FF] =	sst s3;
	s5 =	sadd.s32 $0xB600, s0  }
0x7: {  	s6 =	sadd.s32 $0x1600, s0;
	s4 =	sand.u32 $0x1, s4;
	s9 =	smul.u32 $0x16260, s19  }
0x8: {  	s7 =	sadd.s32 $0x1FA00, s0;
	s0 =	sadd.s32 $0x47000, s0;
	s23 =	smul.u32 $0x5100, s19  }
0x9: {  	s11 =	sshll.u32 s19, $0x1;
	_ =	strace $0x8000004A;
	s18 =	smul.u32 $0x162600, s4  }
0xa: {  	s8 =	ssub.s32 $0x2, s4;
	s13 =	sor.u32 s4, s11;
	s4 =	smul.u32 $0x2880, s4  }
0xb: {  	s10 =	sshrl.u32 s8, $0x1;
	s14 =	sadd.s32 $0x46E0, s9;
	s15 =	sadd.s32 $0x8DC0, s9  }
0xc: {  	s16 =	sadd.s32 $0xD4A0, s9;
	s17 =	sadd.s32 $0x11B80, s9;
	s13 =	smul.u32 $0x51, s13  }
0xd: {  	s8 =	ssub.s32 s8, s10;
	s10 =	sadd.s32 s9, s2;
	s20 =	sadd.s32 s14, s2  }
0xe: {  	s24 =	sadd.s32 s15, s2;
	s25 =	sadd.s32 s16, s2;
	s26 =	sadd.s32 s17, s2  }
0xf: {  	s9 =	sadd.s32 s9, s18;
	s14 =	sadd.s32 s18, s14;
	[dreg:$0x4] =	wrdreg s24  }
0x10: {  	s15 =	sadd.s32 s18, s15;
	s21 =	sadd.s32 s18, s16;
	[dreg:$0x5] =	wrdreg s25  }
0x11: {  	s22 =	sadd.s32 s18, s17;
	[dreg:$0x6] =	wrdreg s26;
	s9 =	sshrl.u32 s9, $0x3  }
0x12: {  	s14 =	sshrl.u32 s14, $0x3;
	s12 =	sshrl.u32 s15, $0x3;
	s25 =	smax.u32 s8, $0x1  }
0x13: {  	s15 =	sshrl.u32 s22, $0x3;
	s26 =	sadd.s32 s4, s23;
	[dreg:$0xc] =	wrdreg s25  }
0x14: {  	s22 =	simm.s32 $0x4;
	s9 =	sadd.s32 s0, s9;
	[dreg:$0xd] =	wrdreg s26  }
0x15: {  	s23 =	simm.s32 $0x80;
	s11 =	sadd.s32 s0, s14;
	[dreg:$0x7] =	wrdreg s9  }
0x16: {  	s14 =	sshrl.u32 s21, $0x3;
	[dreg:$0x8] =	wrdreg s11;
	s9 =	sadd.s32 s0, s12  }
0x17: {  	s21 =	simm.s32 $0x5100;
	s24 =	sadd.s32 s0, s14;
	[dreg:$0x9] =	wrdreg s9  }
0x18: {  	s25 =	simm.s32 $0x100;
	s0 =	sadd.s32 s0, s15;
	[dreg:$0xa] =	wrdreg s24  }
0x19: {  	v0 =	vimm.f32 $0.0e+00;
	s26 =	simm.s32 $0x900;
	[dreg:$0xb] =	wrdreg s0;
	s24 =	simm.s32 $0x1100  }
.LBB2_1:
0x1a: {  	s0 =	simm.s32 $0x0;
	s4 =	simm.s32 $0x240  }
.LBB2_2:
0x1b: {  	p0 =	sne.s32 s4, $0x11DC0;
	[tilespmem:s0+$0x5180] =	vst v0  }
0x1c: {  	[tilespmem:s0+$0x5100] =	vst v0  }
0x1d: {  	[tilespmem:s0+$0x5110] =	vst v0  }
0x1e: {  	[tilespmem:s0+$0x5120] =	vst v0  }
.Ltmp0:
0x1f: {  	[tilespmem:s0+$0x5130] =	vst v0;
	(pc) =	sbr.rel @p0 .LBB2_2-.Ltmp0, $4  }
0x20: {  	[tilespmem:s0+$0x5140] =	vst v0  }
0x21: {  	[tilespmem:s0+$0x5150] =	vst v0  }
0x22: {  	[tilespmem:s0+$0x5160] =	vst v0  }
0x23: {  	[tilespmem:s0+$0x5170] =	vst v0;
	s0 =	sshra.s32 s4, $0x2;
	s4 =	sadd.s32 $0x240, s4  }
0x24: {  	[tilespmem:s0+$0x5180] =	vst v0  }
0x25: {  	[tilespmem:s0+$0x5100] =	vst v0  }
0x26: {  	[tilespmem:s0+$0x5110] =	vst v0  }
0x27: {  	[tilespmem:s0+$0x5120] =	vst v0  }
0x28: {  	[tilespmem:s0+$0x5130] =	vst v0  }
0x29: {  	[tilespmem:s0+$0x5140] =	vst v0  }
0x2a: {  	[tilespmem:s0+$0x5150] =	vst v0  }
0x2b: {  	[tilespmem:s0+$0x5160] =	vst v0  }
0x2c: {  	[tilespmem:s0+$0x5170] =	vst v0  }
0x2d: {  	[spmem:s10] =	stream.linear.scatter [tilespmem:s21], [sflag:$0x4], $0x46E0, $0x38;
	[tilespmem:$0x1FB60] =	vst v63  }
0x2e: {  	_ =	swait.ge [sflag:s22], $0x46E0  }
0x2f: {  	[sflag:s22] =	ssyncset.done $0x0  }
0x30: {  	[sflag:s22] =	ssyncadd.s32 $0xFFFFB920  }
0x31: {  	[spmem:s20] =	stream.linear.scatter [tilespmem:s21], [sflag:$0x4], $0x46E0, $0x38;
	[tilespmem:$0x1FB60] =	vst v63  }
0x32: {  	_ =	swait.ge [sflag:s22], $0x46E0  }
0x33: {  	[sflag:s22] =	ssyncset.done $0x0  }
0x34: {  	s18 =	rddreg [dreg:$0x4];
	[sflag:s22] =	ssyncadd.s32 $0xFFFFB920  }
0x35: {  	[spmem:s18] =	stream.linear.scatter [tilespmem:s21], [sflag:$0x4], $0x46E0, $0x38;
	[tilespmem:$0x1FB60] =	vst v63  }
0x36: {  	_ =	swait.ge [sflag:s22], $0x46E0  }
0x37: {  	[sflag:s22] =	ssyncset.done $0x0  }
0x38: {  	s19 =	rddreg [dreg:$0x5];
	[sflag:s22] =	ssyncadd.s32 $0xFFFFB920  }
0x39: {  	[spmem:s19] =	stream.linear.scatter [tilespmem:s21], [sflag:$0x4], $0x46E0, $0x38;
	[tilespmem:$0x1FB60] =	vst v63  }
0x3a: {  	_ =	swait.ge [sflag:s22], $0x46E0  }
0x3b: {  	[sflag:s22] =	ssyncset.done $0x0  }
0x3c: {  	s12 =	smov.u32 s20;
	s20 =	rddreg [dreg:$0x6];
	[sflag:s22] =	ssyncadd.s32 $0xFFFFB920  }
0x3d: {  	[spmem:s20] =	stream.linear.scatter [tilespmem:s21], [sflag:$0x4], $0x46E0, $0x38;
	[tilespmem:$0x1FB60] =	vst v63  }
0x3e: {  	_ =	swait.ge [sflag:s22], $0x46E0  }
0x3f: {  	[sflag:s22] =	ssyncset.done $0x0  }
0x40: {  	[sflag:s22] =	ssyncadd.s32 $0xFFFFB920  }
0x41: {  	[bflag:$0x0] =	sbarrier.arrive $0xFFFF  }
0x42: {  	s11 =	smov.u32 s10;
	s0 =	simm.s32 $0x0;
	s20 =	rddreg [dreg:$0xd]  }
.LBB2_4:
0x43: {  	s4 =	sadd.s32 s13, s0  }
0x44: {  	s4 =	sshll.u32 s4, $0x5  }
0x45: {  	s4 =	sadd.s32 s5, s4  }
0x46: {  	[tilespmem:s3], [sflag:$0x4] =	stream.linear.gather [hbm4b:s4+s3], $0x100, $0x38;
	[tilespmem:$0x1FB60] =	vst v63  }
0x47: {  	_ =	swait.ge [sflag:s22], $0x100  }
0x48: {  	[sflag:s22] =	ssyncset.done $0x0  }
0x49: {  	[sflag:s22] =	ssyncadd.s32 $0xFFFFFF00  }
0x4a: {  	[tilespmem:s24], [sflag:$0x1] =	stream.indirect.gather [hbm4b:s7+s23], $0x80, s3, s23, $0xb8;
	[tilespmem:$0x1FB60] =	vst v63  }
0x4b: {  	_ = 	snop  }
0x4c: {  	[tilespmem:s25], [sflag:$0x2] =	stream.indirect.gather [hbm4b:s1+s23], $0x10, s3, s23, $0xb8;
	[tilespmem:$0x1FB60] =	vst v63  }
0x4d: {  	_ = 	snop  }
0x4e: {  	[tilespmem:s26], [sflag:$0x3] =	stream.indirect.gather [hbm4b:s6+s23], $0x10, s23, s23, $0xb8;
	[tilespmem:$0x1FB60] =	vst v63  }
0x4f: {  	_ =	swait.ge [sflag:s28], $0x800  }
0x50: {  	[sflag:s28] =	ssyncset.done $0x0  }
0x51: {  	[sflag:s28] =	ssyncadd.s32 $0xFFFFF800  }
0x52: {  	_ =	swait.ge [sflag:s29], $0x800  }
0x53: {  	[sflag:s29] =	ssyncset.done $0x0  }
0x54: {  	[sflag:s29] =	ssyncadd.s32 $0xFFFFF800  }
0x55: {  	_ =	swait.ge [sflag:s30], $0x4000  }
0x56: {  	[sflag:s30] =	ssyncset.done $0x0  }
0x57: {  	s19 =	simm.s32 $0x140;
	[sflag:s30] =	ssyncadd.s32 $0xFFFFC000  }
0x58: {  	s8 =	simm.s32 $0x940;
	v1 =	vld [tilespmem:s19+$0x30]  }
0x59: {  	v2 =	vld [tilespmem:s8+$0x30]  }
0x5a: {  	v3 =	vld [tilespmem:s8+$0xFFFFFFC0]  }
0x5b: {  	v4 =	vld [tilespmem:s19+$0xFFFFFFD0]  }
0x5c: {  	v5 =	vld [tilespmem:s8+$0xFFFFFFD0]  }
0x5d: {  	v7 =	vld [tilespmem:s19+$0xFFFFFFF0]  }
0x5e: {  	v9 =	vld [tilespmem:s8+$0xFFFFFFF0];
	v1 =	vadd.f32 v2, v1  }
0x5f: {  	v6 =	vld [tilespmem:s19+$0xFFFFFFE0]  }
0x60: {  	v2 =	vld [tilespmem:s8+$0xFFFFFFE0];
	v8 =	vmul.f32 $2.000000030e-01, v1  }
0x61: {  	v10 =	vld [tilespmem:s19+$0x0];
	vm0 =	vge.f32 v1, $0.0e+00  }
0x62: {  	v4 =	vadd.f32 v5, v4;
	v5 =	vld [tilespmem:s19+$0x10];
	v1 =	vsel vm0, v1, v8  }
0x63: {  	v7 =	vadd.f32 v9, v7;
	v9 =	vld [tilespmem:s19+$0xFFFFFFC0];
	v1 =	vmul.f32 $1.442695020e+00, v1  }
0x64: {  	v8 =	vld [tilespmem:s8+$0x0]  }
0x65: {  	v2 =	vadd.f32 v2, v6;
	v6 =	vld [tilespmem:s8+$0x10];
	(erf) = vpow2.f32 v1;
	_ =	sdelay $0x1  }
0x66: {  	vm6 =	vge.f32 v4, $0.0e+00;
	vm1 =	vge.f32 v7, $0.0e+00;
	v1 =	vmul.f32 $2.000000030e-01, v4  }
0x67: {  	s9 =	sadd.s32 $0x0, s20;
	v11 =	vld [tilespmem:s19+$0x20];
	v3 =	vadd.f32 v3, v9;
	v12 =	vmul.f32 $2.000000030e-01, v2;
	vm7 =	vge.f32 v2, $0.0e+00  }
0x68: {  	p0 =	slt.u32 s9, $0x50910;
	s9 =	simm.s32 $0x9C0;
	v1 =	vsel vm6, v4, v1;
	v4 =	vld [tilespmem:s8+$0x20];
	v8 =	vadd.f32 v8, v10;
	v10 =	vmul.f32 $2.000000030e-01, v7  }
0x69: {  	v18 =	vld [tilespmem:s9+$0x30];
	v2 =	vsel vm7, v2, v12;
	v1 =	vmul.f32 $1.442695020e+00, v1;
	v5 =	vadd.f32 v6, v5  }
0x6a: {  	s16 =	simm.s32 $0x1C0;
	v19 =	vld [tilespmem:s9+$0xFFFFFFC0];
	vm10 =	vge.f32 v3, $0.0e+00;
	v2 =	vmul.f32 $1.442695020e+00, v2;
	v6 =	vmul.f32 $2.000000030e-01, v8  }
0x6b: {  	v20 =	vld [tilespmem:s16+$0xFFFFFFD0];
	vm8 =	vge.f32 v8, $0.0e+00;
	(erf) = vpow2.f32 v1;
	v1 =	vmul.f32 $2.000000030e-01, v5  }
0x6c: {  	v21 =	vld [tilespmem:s9+$0xFFFFFFD0];
	v7 =	vsel vm1, v7, v10;
	vm9 =	vge.f32 v5, $0.0e+00;
	v6 =	vsel vm8, v8, v6  }
0x6d: {  	v22 =	vld [tilespmem:s16+$0xFFFFFFE0];
	v4 =	vadd.f32 v4, v11;
	v1 =	vsel vm9, v5, v1;
	v5 =	vmul.f32 $2.000000030e-01, v3;
	v8 =	vpop (erf)  }
0x6e: {  	s14 =	simm.s32 $0x5340;
	v23 =	vld [tilespmem:s9+$0xFFFFFFE0];
	v7 =	vmul.f32 $1.442695020e+00, v7;
	v6 =	vmul.f32 $1.442695020e+00, v6;
	v8 =	vpsel !p0, $0x0, v8  }
0x6f: {  	s10 =	simm.s32 $0x1300;
	v24 =	vld [tilespmem:s9+$0xFFFFFFF0];
	v9 =	vmul.f32 $2.000000030e-01, v4;
	v3 =	vsel vm10, v3, v5;
	(erf) = vpow2.f32 v2;
	[tilespmem:s14+$0x230] =	vst v8  }
0x70: {  	v2 =	vmul.f32 $1.442695020e+00, v3;
	(erf) = vpow2.f32 v7;
	v3 =	vld [tilespmem:s10+$0x180]  }
0x71: {  	v26 =	vld [tilespmem:s16+$0x0];
	v1 =	vmul.f32 $1.442695020e+00, v1;
	vm11 =	vge.f32 v4, $0.0e+00;
	(erf) = vpow2.f32 v6  }
0x72: {  	s17 =	sadd.s32 $0x8, s20;
	s18 =	simm.s32 $0x240;
	v27 =	vld [tilespmem:s9+$0x0];
	v4 =	vsel vm11, v4, v9;
	v14 =	vbroadcast v8, $0x0;
	(erf) = vpow2.f32 v2  }
0x73: {  	p5 =	slt.u32 s17, $0x50910;
	s17 =	simm.s32 $0xA40;
	v46 =	vld [tilespmem:s18+$0x30];
	v4 =	vmul.f32 $1.442695020e+00, v4;
	(erf) = vpow2.f32 v1  }
0x74: {  	v34 =	vld [tilespmem:s17+$0x30]  }
0x75: {  	v36 =	vld [tilespmem:s18+$0xFFFFFFD0];
	(erf) = vpow2.f32 v4;
	v1 =	vmul.f32 v14, v3  }
0x76: {  	v37 =	vld [tilespmem:s17+$0xFFFFFFD0]  }
0x77: {  	v38 =	vld [tilespmem:s17+$0xFFFFFFE0];
	v2 =	vpop (erf);
	[tilespmem:s14+$0x1B0] =	vst v1  }
0x78: {  	v3 =	vpop (erf);
	v1 =	vpsel !p0, $0x0, v2;
	v2 =	vld [tilespmem:s10+$0x190]  }
0x79: {  	v22 =	vadd.f32 v23, v22;
	v23 =	vld [tilespmem:s16+$0x20];
	v3 =	vpsel !p0, $0x0, v3;
	v4 =	vpop (erf);
	[tilespmem:s14+$0xFFFFFED0] =	vst v1  }
0x7a: {  	[tilespmem:s14+$0xFFFFFF60] =	vst v3;
	v4 =	vpsel !p0, $0x0, v4;
	v6 =	vpop (erf);
	v5 =	vld [tilespmem:s10+$0xFFFFFE80]  }
0x7b: {  	v7 =	vld [tilespmem:s10+$0xFFFFFF00];
	[tilespmem:s14+$0xFFFFFFF0] =	vst v4;
	v6 =	vpsel !p0, $0x0, v6;
	v8 =	vpop (erf)  }
0x7c: {  	v9 =	vpsel !p0, $0x0, v8;
	v15 =	vld [tilespmem:s10+$0xFFFFFF80];
	[tilespmem:s14+$0x80] =	vst v6;
	v8 =	vpop (erf)  }
0x7d: {  	v12 =	vbroadcast v1, $0x0;
	[tilespmem:s14+$0xFFFFFE40] =	vst v9;
	v1 =	vld [tilespmem:s10+$0x0];
	v16 =	vpsel !p0, $0x0, v8;
	v2 =	vmul.f32 v14, v2  }
0x7e: {  	v10 =	vbroadcast v3, $0x0;
	v3 =	vpop (erf);
	v17 =	vld [tilespmem:s10+$0xFFFFFE00];
	[tilespmem:s14+$0x110] =	vst v16  }
0x7f: {  	v11 =	vbroadcast v4, $0x0;
	v3 =	vpsel !p0, $0x0, v3;
	v4 =	vld [tilespmem:s10+$0x80];
	v5 =	vmul.f32 v12, v5;
	[tilespmem:s14+$0x1C0] =	vst v2  }
0x80: {  	v8 =	vbroadcast v6, $0x0;
	[tilespmem:s14+$0x1A0] =	vst v3;
	v2 =	vmul.f32 v10, v7;
	v6 =	vld [tilespmem:s10+$0x1A0]  }
0x81: {  	v13 =	vbroadcast v9, $0x0;
	[tilespmem:s14+$0xFFFFFE50] =	vst v5;
	v5 =	vmul.f32 v11, v15;
	v15 =	vld [tilespmem:s10+$0x100]  }
0x82: {  	v7 =	vbroadcast v16, $0x0;
	v1 =	vmul.f32 v8, v1;
	v16 =	vld [tilespmem:s10+$0xFFFFFE90];
	[tilespmem:s14+$0xFFFFFEE0] =	vst v2  }
0x83: {  	v2 =	vmul.f32 v13, v17;
	v17 =	vld [tilespmem:s10+$0xFFFFFF10];
	[tilespmem:s14+$0xFFFFFF70] =	vst v5  }
0x84: {  	v9 =	vbroadcast v3, $0x0;
	[tilespmem:s14+$0x0] =	vst v1;
	v1 =	vmul.f32 v7, v4;
	v3 =	vld [tilespmem:s10+$0xFFFFFF90]  }
0x85: {  	[tilespmem:s14+$0xFFFFFDC0] =	vst v2;
	v2 =	vld [tilespmem:s10+$0x10]  }
0x86: {  	v5 =	vld [tilespmem:s10+$0xFFFFFE10];
	[tilespmem:s14+$0x90] =	vst v1;
	v4 =	vmul.f32 v14, v6  }
0x87: {  	v1 =	vmul.f32 v9, v15;
	v15 =	vld [tilespmem:s10+$0x90]  }
0x88: {  	v6 =	vmul.f32 v12, v16;
	[tilespmem:s14+$0x1D0] =	vst v4;
	v4 =	vmul.f32 v10, v17;
	v17 =	vld [tilespmem:s16+$0x30]  }
0x89: {  	[tilespmem:s14+$0x120] =	vst v1;
	v1 =	vld [tilespmem:s10+$0x1B0]  }
0x8a: {  	[tilespmem:s14+$0xFFFFFE60] =	vst v6;
	v3 =	vmul.f32 v11, v3;
	v6 =	vld [tilespmem:s10+$0x110]  }
0x8b: {  	v2 =	vmul.f32 v8, v2;
	v16 =	vld [tilespmem:s10+$0xFFFFFEA0];
	[tilespmem:s14+$0xFFFFFEF0] =	vst v4  }
0x8c: {  	v4 =	vmul.f32 v13, v5;
	v5 =	vld [tilespmem:s10+$0xFFFFFF20];
	[tilespmem:s14+$0xFFFFFF80] =	vst v3  }
0x8d: {  	[tilespmem:s14+$0x10] =	vst v2;
	v2 =	vmul.f32 v7, v15;
	v3 =	vld [tilespmem:s10+$0xFFFFFFA0]  }
0x8e: {  	[tilespmem:s14+$0xFFFFFDD0] =	vst v4;
	v4 =	vld [tilespmem:s10+$0x20];
	v1 =	vmul.f32 v1, v14  }
0x8f: {  	v15 =	vld [tilespmem:s10+$0xFFFFFE20];
	[tilespmem:s14+$0xA0] =	vst v2;
	v2 =	vmul.f32 v9, v6  }
0x90: {  	v6 =	vmul.f32 v12, v16;
	v16 =	vld [tilespmem:s10+$0xA0];
	[tilespmem:s14+$0x1E0] =	vst v1  }
0x91: {  	v1 =	vmul.f32 v10, v5;
	[tilespmem:s14+$0x130] =	vst v2;
	v2 =	vld [tilespmem:s10+$0x1C0]  }
0x92: {  	[tilespmem:s14+$0xFFFFFE70] =	vst v6;
	v3 =	vmul.f32 v11, v3;
	v5 =	vld [tilespmem:s10+$0x120]  }
0x93: {  	v6 =	vld [tilespmem:s10+$0xFFFFFEB0];
	[tilespmem:s14+$0xFFFFFF00] =	vst v1;
	v1 =	vmul.f32 v8, v4  }
0x94: {  	v17 =	vadd.f32 v18, v17;
	v18 =	vld [tilespmem:s16+$0xFFFFFFF0];
	v4 =	vmul.f32 v13, v15;
	[tilespmem:s14+$0xFFFFFF90] =	vst v3  }
0x95: {  	v15 =	vld [tilespmem:s10+$0xFFFFFF30];
	[tilespmem:s14+$0x20] =	vst v1;
	v1 =	vmul.f32 v7, v16  }
0x96: {  	v3 =	vld [tilespmem:s10+$0xFFFFFFB0];
	[tilespmem:s14+$0xFFFFFDE0] =	vst v4;
	v2 =	vmul.f32 v2, v14  }
0x97: {  	v4 =	vld [tilespmem:s10+$0x30];
	[tilespmem:s14+$0xB0] =	vst v1;
	v1 =	vmul.f32 v9, v5  }
0x98: {  	v25 =	vmul.f32 $2.000000030e-01, v17;
	v16 =	vld [tilespmem:s10+$0xFFFFFE30];
	v5 =	vmul.f32 v6, v12;
	[tilespmem:s14+$0x1F0] =	vst v2  }
0x99: {  	vm12 =	vge.f32 v17, $0.0e+00;
	v6 =	vld [tilespmem:s10+$0xB0];
	[tilespmem:s14+$0x140] =	vst v1  }
0x9a: {  	v17 =	vsel vm12, v17, v25;
	v2 =	vmul.f32 v15, v10;
	[tilespmem:s14+$0xFFFFFE80] =	vst v5;
	v5 =	vld [tilespmem:s10+$0x130]  }
0x9b: {  	v17 =	vmul.f32 $1.442695020e+00, v17;
	v3 =	vmul.f32 v3, v11;
	v15 =	vld [tilespmem:s10+$0xFFFFFEC0]  }
0x9c: {  	v1 =	vld [tilespmem:s10+$0x1D0];
	[tilespmem:s14+$0xFFFFFF10] =	vst v2;
	v2 =	vmul.f32 v4, v8  }
0x9d: {  	(erf) = vpow2.f32 v17;
	v17 =	vadd.f32 v24, v18;
	v18 =	vld [tilespmem:s9+$0x20];
	v4 =	vmul.f32 v16, v13;
	[tilespmem:s14+$0xFFFFFFA0] =	vst v3  }
0x9e: {  	v16 =	vld [tilespmem:s10+$0xFFFFFF40];
	[tilespmem:s14+$0x30] =	vst v2;
	v2 =	vmul.f32 v6, v7  }
0x9f: {  	v3 =	vld [tilespmem:s10+$0xFFFFFFC0];
	[tilespmem:s14+$0xFFFFFDF0] =	vst v4  }
0xa0: {  	v4 =	vld [tilespmem:s10+$0x40];
	[tilespmem:s14+$0xC0] =	vst v2;
	v2 =	vmul.f32 v5, v9;
	v5 =	vmul.f32 v15, v12  }
0xa1: {  	v6 =	vld [tilespmem:s10+$0xFFFFFE40];
	v1 =	vmul.f32 v1, v14  }
0xa2: {  	v15 =	vld [tilespmem:s10+$0xC0];
	[tilespmem:s14+$0xFFFFFE90] =	vst v5  }
0xa3: {  	[tilespmem:s14+$0x200] =	vst v1;
	v1 =	vmul.f32 v16, v10;
	v16 =	vld [tilespmem:s10+$0xFFFFFED0]  }
0xa4: {  	[tilespmem:s14+$0x150] =	vst v2;
	v2 =	vld [tilespmem:s10+$0x1E0];
	v3 =	vmul.f32 v3, v11  }
0xa5: {  	v5 =	vld [tilespmem:s10+$0x140];
	[tilespmem:s14+$0xFFFFFF20] =	vst v1;
	v1 =	vmul.f32 v4, v8  }
0xa6: {  	v4 =	vld [tilespmem:s10+$0xFFFFFF50];
	[tilespmem:s14+$0xFFFFFFB0] =	vst v3  }
0xa7: {  	v24 =	vmul.f32 $2.000000030e-01, v22;
	v3 =	vld [tilespmem:s10+$0xFFFFFFD0];
	[tilespmem:s14+$0x40] =	vst v1  }
0xa8: {  	v6 =	vmul.f32 v6, v13;
	v1 =	vld [tilespmem:s10+$0x50];
	v25 =	vmul.f32 v16, v12;
	v16 =	vadd.f32 v21, v20  }
0xa9: {  	v26 =	vadd.f32 v27, v26;
	vm14 =	vge.f32 v22, $0.0e+00;
	v2 =	vmul.f32 v2, v14;
	v20 =	vld [tilespmem:s16+$0x10]  }
0xaa: {  	v29 =	vmul.f32 $2.000000030e-01, v17;
	v22 =	vsel vm14, v22, v24;
	[tilespmem:s14+$0xFFFFFE00] =	vst v6;
	v21 =	vld [tilespmem:s9+$0x10];
	v28 =	vmul.f32 $2.000000030e-01, v16  }
0xab: {  	vm15 =	vge.f32 v17, $0.0e+00;
	v22 =	vmul.f32 $1.442695020e+00, v22;
	[tilespmem:s14+$0x210] =	vst v2;
	v2 =	vld [tilespmem:s10+$0xFFFFFE50];
	vm13 =	vge.f32 v16, $0.0e+00  }
0xac: {  	v17 =	vsel vm15, v17, v29;
	v18 =	vadd.f32 v18, v23;
	v16 =	vsel vm13, v16, v28;
	v28 =	vld [tilespmem:s16+$0xFFFFFFC0]  }
0xad: {  	v47 =	vld [tilespmem:s18+$0xFFFFFFF0];
	vm4 =	vge.f32 v26, $0.0e+00;
	v15 =	vmul.f32 v15, v7;
	v6 =	vmul.f32 $1.442695020e+00, v17  }
0xae: {  	v48 =	vld [tilespmem:s18+$0x0];
	vm6 =	vge.f32 v18, $0.0e+00;
	v24 =	vpop (erf);
	v5 =	vmul.f32 v5, v9;
	v4 =	vmul.f32 v4, v10  }
0xaf: {  	v49 =	vld [tilespmem:s17+$0x0];
	v24 =	vpsel !p5, $0x0, v24;
	v3 =	vmul.f32 v3, v11;
	v16 =	vmul.f32 $1.442695020e+00, v16  }
0xb0: {  	v50 =	vld [tilespmem:s18+$0x10];
	v1 =	vmul.f32 v1, v8;
	v20 =	vadd.f32 v21, v20;
	v21 =	vmul.f32 $2.000000030e-01, v26  }
0xb1: {  	v51 =	vld [tilespmem:s17+$0x10];
	[tilespmem:s14+$0xD0] =	vst v15;
	v2 =	vmul.f32 v2, v13;
	(erf) = vpow2.f32 v16;
	v19 =	vadd.f32 v19, v28  }
0xb2: {  	s15 =	simm.s32 $0x57C0;
	v16 =	vmul.f32 $2.000000030e-01, v20;
	v17 =	vsel vm4, v26, v21;
	v21 =	vmul.f32 $2.000000030e-01, v18;
	v26 =	vld [tilespmem:s10+$0xD0]  }
0xb3: {  	v52 =	vld [tilespmem:s18+$0x20];
	[tilespmem:s15+$0x230] =	vst v24;
	vm5 =	vge.f32 v20, $0.0e+00;
	(erf) = vpow2.f32 v22;
	v23 =	vmul.f32 $2.000000030e-01, v19  }
0xb4: {  	[tilespmem:s14+$0x160] =	vst v5;
	s16 =	simm.s32 $0x1700;
	v15 =	vmul.f32 $1.442695020e+00, v17;
	v20 =	vsel vm5, v20, v16;
	v16 =	vld [tilespmem:s10+$0x1F0];
	vm7 =	vge.f32 v19, $0.0e+00  }
0xb5: {  	[tilespmem:s14+$0xFFFFFFC0] =	vst v3;
	v5 =	vsel vm6, v18, v21;
	v21 =	vld [tilespmem:s16+$0x180];
	(erf) = vpow2.f32 v6;
	v17 =	vsel vm7, v19, v23  }
0xb6: {  	[tilespmem:s14+$0xFFFFFE10] =	vst v2;
	v6 =	vld [tilespmem:s10+$0x150];
	v20 =	vmul.f32 $1.442695020e+00, v20;
	v18 =	vmul.f32 $1.442695020e+00, v17  }
0xb7: {  	[tilespmem:s14+$0x50] =	vst v1;
	v22 =	vld [tilespmem:s10+$0xFFFFFE60];
	(erf) = vpow2.f32 v15;
	v3 =	vmul.f32 v26, v7  }
0xb8: {  	[tilespmem:s14+$0xFFFFFEA0] =	vst v25;
	v15 =	vbroadcast v24, $0x0;
	v19 =	vld [tilespmem:s10+$0x60];
	(erf) = vpow2.f32 v18  }
0xb9: {  	v5 =	vmul.f32 $1.442695020e+00, v5;
	v17 =	vld [tilespmem:s10+$0xFFFFFEE0];
	[tilespmem:s14+$0xE0] =	vst v3;
	(erf) = vpow2.f32 v20  }
0xba: {  	[tilespmem:s14+$0xFFFFFF30] =	vst v4;
	v2 =	vmul.f32 v15, v21;
	v23 =	vld [tilespmem:s10+$0xE0]  }
0xbb: {  	v18 =	vld [tilespmem:s10+$0xFFFFFF60];
	v1 =	vpop (erf);
	(erf) = vpow2.f32 v5;
	v5 =	vmul.f32 v6, v9  }
0xbc: {  	[tilespmem:s15+$0x1B0] =	vst v2;
	v20 =	vld [tilespmem:s10+$0xFFFFFFE0];
	v1 =	vpsel !p5, $0x0, v1;
	v3 =	vpop (erf)  }
0xbd: {  	v2 =	vld [tilespmem:s16+$0x190];
	[tilespmem:s15+$0xFFFFFED0] =	vst v1;
	v3 =	vpsel !p5, $0x0, v3  }
0xbe: {  	v4 =	vld [tilespmem:s16+$0xFFFFFE80];
	[tilespmem:s15+$0xFFFFFF60] =	vst v3  }
0xbf: {  	v14 =	vmul.f32 v16, v14;
	v16 =	vmul.f32 v17, v12;
	v17 =	vld [tilespmem:s18+$0xFFFFFFE0];
	[tilespmem:s14+$0x170] =	vst v5;
	v5 =	vpop (erf)  }
0xc0: {  	v25 =	vld [tilespmem:s16+$0xFFFFFF00];
	v5 =	vpsel !p5, $0x0, v5;
	v6 =	vpop (erf)  }
0xc1: {  	v39 =	vmul.f32 v23, v7;
	v23 =	vld [tilespmem:s17+$0xFFFFFFF0];
	[tilespmem:s15+$0xFFFFFFF0] =	vst v5;
	v6 =	vpsel !p5, $0x0, v6;
	v21 =	vpop (erf)  }
0xc2: {  	v27 =	vld [tilespmem:s16+$0xFFFFFF80];
	[tilespmem:s15+$0x80] =	vst v6;
	v26 =	vpsel !p5, $0x0, v21;
	v28 =	vpop (erf)  }
0xc3: {  	v2 =	vmul.f32 v15, v2;
	v21 =	vbroadcast v1, $0x0;
	v29 =	vld [tilespmem:s16+$0x0];
	[tilespmem:s15+$0xFFFFFE40] =	vst v26;
	v28 =	vpsel !p5, $0x0, v28  }
0xc4: {  	v1 =	vbroadcast v3, $0x0;
	v3 =	vpop (erf);
	v30 =	vld [tilespmem:s16+$0xFFFFFE00];
	[tilespmem:s15+$0x110] =	vst v28  }
0xc5: {  	v5 =	vbroadcast v5, $0x0;
	[tilespmem:s15+$0x1C0] =	vst v2;
	v31 =	vmul.f32 v21, v4;
	v3 =	vpsel !p5, $0x0, v3;
	v32 =	vld [tilespmem:s16+$0x80]  }
0xc6: {  	v33 =	vld [tilespmem:s16+$0x1A0];
	v4 =	vbroadcast v6, $0x0;
	v25 =	vmul.f32 v1, v25;
	[tilespmem:s15+$0x1A0] =	vst v3  }
0xc7: {  	v6 =	vbroadcast v26, $0x0;
	[tilespmem:s15+$0xFFFFFE50] =	vst v31;
	v26 =	vmul.f32 v5, v27;
	v27 =	vld [tilespmem:s16+$0x100]  }
0xc8: {  	v2 =	vbroadcast v28, $0x0;
	[tilespmem:s15+$0xFFFFFEE0] =	vst v25;
	v28 =	vld [tilespmem:s16+$0xFFFFFE90];
	v25 =	vmul.f32 v4, v29  }
0xc9: {  	[tilespmem:s15+$0xFFFFFF70] =	vst v26;
	v29 =	vmul.f32 v6, v30;
	v30 =	vld [tilespmem:s16+$0xFFFFFF10]  }
0xca: {  	v3 =	vbroadcast v3, $0x0;
	v26 =	vld [tilespmem:s16+$0xFFFFFF90];
	[tilespmem:s15+$0x0] =	vst v25;
	v25 =	vmul.f32 v2, v32  }
0xcb: {  	v31 =	vmul.f32 v15, v33;
	[tilespmem:s15+$0xFFFFFDC0] =	vst v29;
	v29 =	vld [tilespmem:s16+$0x10]  }
0xcc: {  	v41 =	vld [tilespmem:s16+$0xFFFFFE10];
	[tilespmem:s15+$0x90] =	vst v25;
	v25 =	vmul.f32 v3, v27  }
0xcd: {  	[tilespmem:s15+$0x1D0] =	vst v31;
	v27 =	vmul.f32 v21, v28;
	v28 =	vld [tilespmem:s16+$0x90]  }
0xce: {  	v30 =	vmul.f32 v1, v30;
	[tilespmem:s15+$0x120] =	vst v25;
	v25 =	vld [tilespmem:s16+$0x1B0]  }
0xcf: {  	[tilespmem:s15+$0xFFFFFE60] =	vst v27;
	v26 =	vmul.f32 v5, v26;
	v27 =	vld [tilespmem:s16+$0x110]  }
0xd0: {  	v31 =	vld [tilespmem:s16+$0xFFFFFEA0];
	[tilespmem:s15+$0xFFFFFEF0] =	vst v30;
	v29 =	vmul.f32 v4, v29  }
0xd1: {  	[tilespmem:s15+$0xFFFFFF80] =	vst v26;
	v30 =	vmul.f32 v6, v41;
	v42 =	vld [tilespmem:s16+$0xFFFFFF20]  }
0xd2: {  	v26 =	vld [tilespmem:s16+$0xFFFFFFA0];
	[tilespmem:s15+$0x10] =	vst v29;
	v28 =	vmul.f32 v2, v28  }
0xd3: {  	[tilespmem:s15+$0xFFFFFDD0] =	vst v30;
	v29 =	vld [tilespmem:s16+$0x20];
	v25 =	vmul.f32 v25, v15  }
0xd4: {  	v30 =	vld [tilespmem:s16+$0xFFFFFE20];
	[tilespmem:s15+$0xA0] =	vst v28;
	v27 =	vmul.f32 v3, v27  }
0xd5: {  	v28 =	vmul.f32 v21, v31;
	v31 =	vld [tilespmem:s16+$0xA0];
	[tilespmem:s15+$0x1E0] =	vst v25  }
0xd6: {  	v25 =	vmul.f32 v1, v42;
	[tilespmem:s15+$0x130] =	vst v27;
	v27 =	vld [tilespmem:s16+$0x1C0]  }
0xd7: {  	[tilespmem:s15+$0xFFFFFE70] =	vst v28;
	v26 =	vmul.f32 v5, v26;
	v28 =	vld [tilespmem:s16+$0x120]  }
0xd8: {  	v43 =	vld [tilespmem:s16+$0xFFFFFEB0];
	[tilespmem:s15+$0xFFFFFF00] =	vst v25;
	v25 =	vmul.f32 v4, v29  }
0xd9: {  	[tilespmem:s15+$0xFFFFFF90] =	vst v26;
	v29 =	vmul.f32 v6, v30;
	v30 =	vld [tilespmem:s16+$0xFFFFFF30]  }
0xda: {  	v26 =	vld [tilespmem:s16+$0xFFFFFFB0];
	[tilespmem:s15+$0x20] =	vst v25;
	v25 =	vmul.f32 v2, v31  }
0xdb: {  	[tilespmem:s15+$0xFFFFFDE0] =	vst v29;
	v29 =	vld [tilespmem:s16+$0x30];
	v27 =	vmul.f32 v27, v15  }
0xdc: {  	v31 =	vld [tilespmem:s16+$0xFFFFFE30];
	[tilespmem:s15+$0xB0] =	vst v25;
	v25 =	vmul.f32 v3, v28  }
0xdd: {  	v28 =	vmul.f32 v43, v21;
	v44 =	vld [tilespmem:s16+$0xB0];
	[tilespmem:s15+$0x1F0] =	vst v27  }
0xde: {  	v27 =	vmul.f32 v30, v1;
	[tilespmem:s15+$0x140] =	vst v25;
	v25 =	vld [tilespmem:s16+$0x1D0]  }
0xdf: {  	[tilespmem:s15+$0xFFFFFE80] =	vst v28;
	v26 =	vmul.f32 v26, v5;
	v28 =	vld [tilespmem:s16+$0x130]  }
0xe0: {  	v30 =	vld [tilespmem:s16+$0xFFFFFEC0];
	[tilespmem:s15+$0xFFFFFF10] =	vst v27;
	v27 =	vmul.f32 v29, v4  }
0xe1: {  	[tilespmem:s15+$0xFFFFFFA0] =	vst v26;
	v29 =	vmul.f32 v31, v6;
	v31 =	vld [tilespmem:s16+$0xFFFFFF40]  }
0xe2: {  	v26 =	vld [tilespmem:s16+$0xFFFFFFC0];
	[tilespmem:s15+$0x30] =	vst v27;
	v27 =	vmul.f32 v44, v2  }
0xe3: {  	v24 =	vld [tilespmem:s10+$0x160];
	[tilespmem:s15+$0xFFFFFDF0] =	vst v29;
	v25 =	vmul.f32 v25, v15  }
0xe4: {  	v29 =	vld [tilespmem:s16+$0x40];
	[tilespmem:s15+$0xC0] =	vst v27;
	v27 =	vmul.f32 v28, v3  }
0xe5: {  	v45 =	vld [tilespmem:s16+$0xFFFFFE40];
	v28 =	vmul.f32 v30, v21;
	[tilespmem:s15+$0x200] =	vst v25  }
0xe6: {  	v25 =	vmul.f32 v31, v1;
	[tilespmem:s15+$0x150] =	vst v27;
	v27 =	vld [tilespmem:s16+$0x1E0]  }
0xe7: {  	v30 =	vld [tilespmem:s16+$0xC0];
	[tilespmem:s15+$0xFFFFFE90] =	vst v28;
	v26 =	vmul.f32 v26, v5  }
0xe8: {  	v22 =	vmul.f32 v22, v13;
	v28 =	vld [tilespmem:s16+$0x140];
	[tilespmem:s15+$0xFFFFFF20] =	vst v25  }
0xe9: {  	v19 =	vmul.f32 v19, v8;
	v31 =	vld [tilespmem:s16+$0xFFFFFED0];
	v25 =	vmul.f32 v29, v4;
	[tilespmem:s15+$0xFFFFFFB0] =	vst v26  }
0xea: {  	[tilespmem:s14+$0x220] =	vst v14;
	v33 =	vadd.f32 v34, v46;
	v41 =	vmul.f32 v24, v9;
	v26 =	vld [tilespmem:s16+$0xFFFFFFD0];
	v24 =	vmul.f32 v45, v6  }
0xeb: {  	v36 =	vadd.f32 v37, v36;
	v18 =	vmul.f32 v18, v10;
	v29 =	vld [tilespmem:s16+$0xFFFFFF50];
	[tilespmem:s15+$0x40] =	vst v25;
	v27 =	vmul.f32 v27, v15  }
0xec: {  	v20 =	vmul.f32 v20, v11;
	v17 =	vadd.f32 v38, v17;
	v40 =	vmul.f32 $2.000000030e-01, v33;
	v25 =	vld [tilespmem:s16+$0x50];
	[tilespmem:s15+$0xFFFFFE00] =	vst v24  }
0xed: {  	v23 =	vadd.f32 v23, v47;
	vm8 =	vge.f32 v33, $0.0e+00;
	v30 =	vmul.f32 v30, v2;
	v24 =	vld [tilespmem:s17+$0x20];
	[tilespmem:s15+$0x210] =	vst v27  }
0xee: {  	[tilespmem:s14+$0xFFFFFEB0] =	vst v16;
	v33 =	vsel vm8, v33, v40;
	v28 =	vmul.f32 v28, v3;
	v31 =	vmul.f32 v31, v21;
	v27 =	vld [tilespmem:s16+$0x1F0]  }
0xef: {  	vm9 =	vge.f32 v36, $0.0e+00;
	[tilespmem:s15+$0xD0] =	vst v30;
	v30 =	vld [tilespmem:s10+$0xFFFFFEF0];
	v14 =	vmul.f32 v26, v5;
	v26 =	vmul.f32 $1.442695020e+00, v33  }
0xf0: {  	vm10 =	vge.f32 v17, $0.0e+00;
	v29 =	vmul.f32 v29, v1;
	[tilespmem:s15+$0xFFFFFEA0] =	vst v31;
	v31 =	vmul.f32 $2.000000030e-01, v23  }
0xf1: {  	[tilespmem:s15+$0x160] =	vst v28;
	v28 =	vadd.f32 v49, v48;
	v16 =	vmul.f32 v25, v4;
	(erf) = vpow2.f32 v26  }
0xf2: {  	v35 =	vld [tilespmem:s17+$0xFFFFFFC0];
	[tilespmem:s14+$0xFFFFFE20] =	vst v22;
	vm11 =	vge.f32 v23, $0.0e+00;
	v25 =	vmul.f32 $2.000000030e-01, v36;
	v26 =	vmul.f32 $2.000000030e-01, v17  }
0xf3: {  	[tilespmem:s15+$0xFFFFFF30] =	vst v29;
	vm12 =	vge.f32 v28, $0.0e+00;
	v29 =	vadd.f32 v51, v50;
	v15 =	vmul.f32 v27, v15;
	v27 =	vld [tilespmem:s18+$0xFFFFFFC0]  }
0xf4: {  	[tilespmem:s14+$0x60] =	vst v19;
	v55 =	vld [tilespmem:s16+$0x150];
	v24 =	vadd.f32 v24, v52;
	v12 =	vmul.f32 v30, v12;
	v25 =	vsel vm9, v36, v25  }
0xf5: {  	v53 =	vld [tilespmem:s16+$0xFFFFFE50];
	v17 =	vsel vm10, v17, v26;
	v26 =	vmul.f32 $2.000000030e-01, v28;
	[tilespmem:s15+$0x50] =	vst v16;
	v16 =	vmul.f32 $2.000000030e-01, v29  }
0xf6: {  	[tilespmem:s14+$0xFFFFFF40] =	vst v18;
	v54 =	vld [tilespmem:s16+$0xD0];
	vm13 =	vge.f32 v29, $0.0e+00;
	v18 =	vmul.f32 $2.000000030e-01, v24;
	vm14 =	vge.f32 v24, $0.0e+00  }
0xf7: {  	v56 =	vld [tilespmem:s16+$0xFFFFFEE0];
	[tilespmem:s15+$0xFFFFFFC0] =	vst v14;
	v25 =	vmul.f32 $1.442695020e+00, v25;
	v14 =	vmul.f32 $1.442695020e+00, v17;
	v17 =	vsel vm11, v23, v31  }
0xf8: {  	s19 =	sadd.s32 $0x10, s20;
	[tilespmem:s14+$0x180] =	vst v41;
	v22 =	vld [tilespmem:s16+$0xFFFFFF60];
	v17 =	vmul.f32 $1.442695020e+00, v17;
	v16 =	vsel vm13, v29, v16;
	v27 =	vadd.f32 v35, v27  }
0xf9: {  	p6 =	slt.u32 s19, $0x50910;
	v30 =	vld [tilespmem:s10+$0x170];
	[tilespmem:s14+$0xFFFFFEC0] =	vst v12;
	v18 =	vsel vm14, v24, v18;
	v12 =	vmul.f32 v55, v3;
	(erf) = vpow2.f32 v25  }
0xfa: {  	[tilespmem:s14+$0xFFFFFFD0] =	vst v20;
	v23 =	vld [tilespmem:s16+$0xFFFFFFE0];
	v25 =	vsel vm12, v28, v26;
	v16 =	vmul.f32 $1.442695020e+00, v16;
	v28 =	vpop (erf);
	v26 =	vmul.f32 $2.000000030e-01, v27  }
0xfb: {  	s18 =	simm.s32 $0x5C40;
	v31 =	vld [tilespmem:s10+$0xFFFFFFF0];
	[tilespmem:s15+$0x220] =	vst v15;
	v18 =	vmul.f32 $1.442695020e+00, v18;
	vm15 =	vge.f32 v27, $0.0e+00;
	v20 =	vpsel !p6, $0x0, v28  }
0xfc: {  	s19 =	simm.s32 $0x1B00;
	v24 =	vld [tilespmem:s10+$0xFFFFFE70];
	v15 =	vmul.f32 $1.442695020e+00, v25;
	(erf) = vpow2.f32 v14;
	[tilespmem:s18+$0x230] =	vst v20;
	v27 =	vsel vm15, v27, v26  }
0xfd: {  	[tilespmem:s14+$0xF0] =	vst v39;
	(erf) = vpow2.f32 v17;
	v19 =	vld [tilespmem:s19+$0x180];
	v14 =	vmul.f32 $1.442695020e+00, v27  }
0xfe: {  	v29 =	vld [tilespmem:s10+$0xF0];
	v17 =	vmul.f32 v54, v2;
	(erf) = vpow2.f32 v15  }
0xff: {  	v25 =	vld [tilespmem:s16+$0x60];
	[tilespmem:s15+$0x170] =	vst v12;
	v15 =	vmul.f32 v53, v6;
	(erf) = vpow2.f32 v14  }
0x100: {  	v33 =	vld [tilespmem:s16+$0x160];
	[tilespmem:s15+$0xE0] =	vst v17;
	v20 =	vbroadcast v20, $0x0;
	(erf) = vpow2.f32 v16  }
0x101: {  	v17 =	vmul.f32 v56, v21;
	[tilespmem:s15+$0xFFFFFE10] =	vst v15;
	v32 =	vld [tilespmem:s16+$0xE0]  }
0x102: {  	v28 =	vld [tilespmem:s16+$0xFFFFFE60];
	v14 =	vpop (erf);
	(erf) = vpow2.f32 v18;
	v15 =	vmul.f32 v20, v19  }
0x103: {  	[tilespmem:s15+$0xFFFFFEB0] =	vst v17;
	v26 =	vld [tilespmem:s10+$0xFFFFFF70]  }
0x104: {  	v34 =	vld [tilespmem:s16+$0xFFFFFEF0];
	[tilespmem:s18+$0x1B0] =	vst v15  }
0x105: {  	v14 =	vpsel !p6, $0x0, v14;
	v18 =	vpop (erf);
	v15 =	vld [tilespmem:s19+$0x190]  }
0x106: {  	v27 =	vld [tilespmem:s10+$0x70];
	[tilespmem:s18+$0xFFFFFED0] =	vst v14;
	v12 =	vpsel !p6, $0x0, v18;
	v18 =	vpop (erf)  }
0x107: {  	v16 =	vld [tilespmem:s19+$0xFFFFFE80];
	[tilespmem:s18+$0xFFFFFF60] =	vst v12;
	v17 =	vpsel !p6, $0x0, v18;
	v18 =	vpop (erf)  }
0x108: {  	v19 =	vld [tilespmem:s19+$0xFFFFFF00];
	[tilespmem:s18+$0xFFFFFFF0] =	vst v17;
	v57 =	vpsel !p6, $0x0, v18;
	v18 =	vpop (erf)  }
0x109: {  	v59 =	vld [tilespmem:s19+$0xFFFFFF80];
	[tilespmem:s18+$0x80] =	vst v57;
	v58 =	vpsel !p6, $0x0, v18;
	v60 =	vpop (erf)  }
0x10a: {  	v61 =	vld [tilespmem:s19+$0x0];
	v18 =	vbroadcast v14, $0x0;
	v14 =	vmul.f32 v20, v15;
	[tilespmem:s18+$0xFFFFFE40] =	vst v58;
	v38 =	vpsel !p6, $0x0, v60  }
0x10b: {  	v15 =	vbroadcast v12, $0x0;
	v62 =	vpop (erf);
	v63 =	vld [tilespmem:s19+$0xFFFFFE00];
	[tilespmem:s18+$0x110] =	vst v38  }
0x10c: {  	v12 =	vbroadcast v17, $0x0;
	v16 =	vmul.f32 v18, v16;
	v40 =	vpsel !p6, $0x0, v62;
	[tilespmem:s18+$0x1C0] =	vst v14;
	v42 =	vld [tilespmem:s19+$0x80]  }
0x10d: {  	v14 =	vbroadcast v57, $0x0;
	v19 =	vmul.f32 v15, v19;
	[tilespmem:s18+$0x1A0] =	vst v40;
	v45 =	vld [tilespmem:s19+$0x1A0]  }
0x10e: {  	v17 =	vbroadcast v58, $0x0;
	v46 =	vmul.f32 v12, v59;
	[tilespmem:s18+$0xFFFFFE50] =	vst v16;
	v47 =	vld [tilespmem:s19+$0x100]  }
0x10f: {  	v16 =	vbroadcast v38, $0x0;
	[tilespmem:s18+$0xFFFFFEE0] =	vst v19;
	v39 =	vmul.f32 v14, v61;
	v48 =	vld [tilespmem:s19+$0xFFFFFE90]  }
0x110: {  	[tilespmem:s18+$0xFFFFFF70] =	vst v46;
	v49 =	vld [tilespmem:s19+$0xFFFFFF10];
	v41 =	vmul.f32 v17, v63  }
0x111: {  	v19 =	vbroadcast v40, $0x0;
	v50 =	vld [tilespmem:s19+$0xFFFFFF90];
	[tilespmem:s18+$0x0] =	vst v39;
	v51 =	vmul.f32 v16, v42  }
0x112: {  	v52 =	vld [tilespmem:s19+$0x10];
	v35 =	vmul.f32 v20, v45;
	[tilespmem:s18+$0xFFFFFDC0] =	vst v41  }
0x113: {  	v37 =	vmul.f32 v19, v47;
	[tilespmem:s18+$0x90] =	vst v51;
	v53 =	vld [tilespmem:s19+$0xFFFFFE10]  }
0x114: {  	v38 =	vmul.f32 v18, v48;
	[tilespmem:s18+$0x1D0] =	vst v35;
	v54 =	vld [tilespmem:s19+$0x90]  }
0x115: {  	v36 =	vmul.f32 v15, v49;
	[tilespmem:s18+$0x120] =	vst v37;
	v55 =	vld [tilespmem:s19+$0x1B0]  }
0x116: {  	v56 =	vmul.f32 v12, v50;
	[tilespmem:s18+$0xFFFFFE60] =	vst v38;
	v57 =	vld [tilespmem:s19+$0x110]  }
0x117: {  	[tilespmem:s18+$0xFFFFFEF0] =	vst v36;
	v41 =	vmul.f32 v14, v52;
	v58 =	vld [tilespmem:s19+$0xFFFFFEA0]  }
0x118: {  	[tilespmem:s18+$0xFFFFFF80] =	vst v56;
	v59 =	vld [tilespmem:s19+$0xFFFFFF20];
	v40 =	vmul.f32 v17, v53  }
0x119: {  	v60 =	vld [tilespmem:s19+$0xFFFFFFA0];
	[tilespmem:s18+$0x10] =	vst v41;
	v35 =	vmul.f32 v16, v54  }
0x11a: {  	v61 =	vld [tilespmem:s19+$0x20];
	v37 =	vmul.f32 v55, v20;
	[tilespmem:s18+$0xFFFFFDD0] =	vst v40  }
0x11b: {  	v39 =	vmul.f32 v19, v57;
	[tilespmem:s18+$0xA0] =	vst v35;
	v62 =	vld [tilespmem:s19+$0xFFFFFE20]  }
0x11c: {  	v36 =	vmul.f32 v18, v58;
	[tilespmem:s18+$0x1E0] =	vst v37;
	v63 =	vld [tilespmem:s19+$0xA0]  }
0x11d: {  	v38 =	vmul.f32 v15, v59;
	[tilespmem:s18+$0x130] =	vst v39;
	v44 =	vld [tilespmem:s19+$0x1C0]  }
0x11e: {  	v45 =	vmul.f32 v12, v60;
	[tilespmem:s18+$0xFFFFFE70] =	vst v36;
	v46 =	vld [tilespmem:s19+$0x120]  }
0x11f: {  	[tilespmem:s18+$0xFFFFFF00] =	vst v38;
	v40 =	vmul.f32 v14, v61;
	v47 =	vld [tilespmem:s19+$0xFFFFFEB0]  }
0x120: {  	[tilespmem:s18+$0xFFFFFF90] =	vst v45;
	v48 =	vld [tilespmem:s19+$0xFFFFFF30];
	v35 =	vmul.f32 v17, v62  }
0x121: {  	v49 =	vld [tilespmem:s19+$0xFFFFFFB0];
	[tilespmem:s18+$0x20] =	vst v40;
	v37 =	vmul.f32 v16, v63  }
0x122: {  	v50 =	vld [tilespmem:s19+$0x30];
	v39 =	vmul.f32 v44, v20;
	[tilespmem:s18+$0xFFFFFDE0] =	vst v35  }
0x123: {  	v41 =	vmul.f32 v19, v46;
	[tilespmem:s18+$0xB0] =	vst v37;
	v51 =	vld [tilespmem:s19+$0xFFFFFE30]  }
0x124: {  	v38 =	vmul.f32 v47, v18;
	[tilespmem:s18+$0x1F0] =	vst v39;
	v52 =	vld [tilespmem:s19+$0xB0]  }
0x125: {  	v36 =	vmul.f32 v48, v15;
	[tilespmem:s18+$0x140] =	vst v41;
	v53 =	vld [tilespmem:s19+$0x1D0]  }
0x126: {  	v13 =	vmul.f32 v24, v13;
	v24 =	vmul.f32 v49, v12;
	[tilespmem:s18+$0xFFFFFE80] =	vst v38;
	v54 =	vld [tilespmem:s19+$0x130]  }
0x127: {  	v10 =	vmul.f32 v26, v10;
	[tilespmem:s18+$0xFFFFFF10] =	vst v36;
	v26 =	vmul.f32 v50, v14;
	v55 =	vld [tilespmem:s19+$0xFFFFFEC0]  }
0x128: {  	v11 =	vmul.f32 v31, v11;
	[tilespmem:s18+$0xFFFFFFA0] =	vst v24;
	v56 =	vld [tilespmem:s19+$0xFFFFFF40];
	v31 =	vmul.f32 v51, v17  }
0x129: {  	v8 =	vmul.f32 v27, v8;
	v57 =	vld [tilespmem:s19+$0xFFFFFFC0];
	[tilespmem:s18+$0x30] =	vst v26;
	v26 =	vmul.f32 v52, v16  }
0x12a: {  	v27 =	vmul.f32 v34, v21;
	v58 =	vld [tilespmem:s19+$0x40];
	[tilespmem:s18+$0xFFFFFDF0] =	vst v31;
	v31 =	vmul.f32 v53, v20  }
0x12b: {  	v24 =	vmul.f32 v22, v1;
	v38 =	vmul.f32 v54, v19;
	[tilespmem:s18+$0xC0] =	vst v26;
	v59 =	vld [tilespmem:s19+$0xFFFFFE40]  }
0x12c: {  	v26 =	vmul.f32 v28, v6;
	v28 =	vmul.f32 v55, v18;
	[tilespmem:s18+$0x200] =	vst v31;
	v60 =	vld [tilespmem:s19+$0xC0]  }
0x12d: {  	v22 =	vmul.f32 v25, v4;
	v35 =	vmul.f32 v56, v15;
	[tilespmem:s18+$0x150] =	vst v38;
	v61 =	vld [tilespmem:s19+$0x1E0]  }
0x12e: {  	v25 =	vmul.f32 v32, v2;
	v37 =	vmul.f32 v57, v12;
	[tilespmem:s18+$0xFFFFFE90] =	vst v28;
	v32 =	vld [tilespmem:s19+$0x140]  }
0x12f: {  	v21 =	vmul.f32 v29, v7;
	[tilespmem:s18+$0xFFFFFF20] =	vst v35;
	v62 =	vmul.f32 v58, v14;
	v31 =	vld [tilespmem:s19+$0xFFFFFED0]  }
0x130: {  	v28 =	vmul.f32 v33, v3;
	[tilespmem:s18+$0xFFFFFFB0] =	vst v37;
	v33 =	vld [tilespmem:s19+$0xFFFFFF50];
	v63 =	vmul.f32 v59, v17  }
0x131: {  	v7 =	vmul.f32 v30, v9;
	v9 =	vld [tilespmem:s19+$0xFFFFFFD0];
	[tilespmem:s18+$0x40] =	vst v62;
	v34 =	vmul.f32 v60, v16  }
0x132: {  	s4 =	simm.s32 $0x1B00;
	s8 =	simm.s32 $0x10;
	s9 =	simm.s32 $0x2C0;
	v23 =	vmul.f32 v23, v5;
	v29 =	vld [tilespmem:s19+$0x50];
	[tilespmem:s18+$0xFFFFFE00] =	vst v63;
	v30 =	vmul.f32 v61, v20  }
.LBB2_5:
0x133: {  	v35 =	vld [tilespmem:s9+$0x30];
	[tilespmem:s18+$0xD0] =	vst v34;
	v32 =	vmul.f32 v32, v19;
	s17 =	sadd.s32 $0x80, s17  }
0x134: {  	v34 =	vld [tilespmem:s17+$0x30];
	v31 =	vmul.f32 v31, v18;
	[tilespmem:s18+$0x210] =	vst v30  }
0x135: {  	v30 =	vmul.f32 v33, v15;
	[tilespmem:s18+$0x160] =	vst v32;
	v32 =	vld [tilespmem:s19+$0x1F0]  }
0x136: {  	v33 =	vld [tilespmem:s17+$0xFFFFFFC0];
	[tilespmem:s18+$0xFFFFFEA0] =	vst v31;
	v9 =	vmul.f32 v9, v12  }
0x137: {  	v31 =	vld [tilespmem:s9+$0xFFFFFFD0];
	[tilespmem:s18+$0xFFFFFF30] =	vst v30;
	v29 =	vmul.f32 v29, v14  }
0x138: {  	v30 =	vld [tilespmem:s17+$0xFFFFFFD0];
	[tilespmem:s18+$0xFFFFFFC0] =	vst v9  }
0x139: {  	v9 =	vld [tilespmem:s9+$0xFFFFFFE0];
	[tilespmem:s18+$0x50] =	vst v29  }
0x13a: {  	v34 =	vadd.f32 v34, v35;
	v29 =	vld [tilespmem:s17+$0xFFFFFFE0];
	v20 =	vmul.f32 v32, v20;
	[tilespmem:s15+$0xFFFFFE20] =	vst v26  }
0x13b: {  	v26 =	vld [tilespmem:s9+$0xFFFFFFF0];
	[tilespmem:s15+$0xFFFFFF40] =	vst v24  }
0x13c: {  	v32 =	vmul.f32 $2.000000030e-01, v34;
	v24 =	vld [tilespmem:s17+$0xFFFFFFF0];
	[tilespmem:s18+$0x220] =	vst v20  }
0x13d: {  	vm0 =	vge.f32 v34, $0.0e+00;
	v20 =	vadd.f32 v30, v31;
	v30 =	vld [tilespmem:s9+$0x0];
	[tilespmem:s15+$0xFFFFFFD0] =	vst v23  }
0x13e: {  	v31 =	vsel vm0, v34, v32;
	v23 =	vld [tilespmem:s17+$0x0];
	[tilespmem:s15+$0x60] =	vst v22  }
0x13f: {  	v31 =	vmul.f32 $1.442695020e+00, v31;
	v22 =	vmul.f32 $2.000000030e-01, v20;
	v9 =	vadd.f32 v29, v9;
	v29 =	vld [tilespmem:s9+$0x10];
	[tilespmem:s15+$0xF0] =	vst v25  }
0x140: {  	vm0 =	vge.f32 v20, $0.0e+00;
	v25 =	vld [tilespmem:s17+$0x10];
	[tilespmem:s15+$0x180] =	vst v28  }
0x141: {  	v28 =	vmul.f32 $2.000000030e-01, v9;
	v24 =	vadd.f32 v24, v26;
	v26 =	vld [tilespmem:s9+$0x20];
	(erf) = vpow2.f32 v31;
	[tilespmem:s14+$0xFFFFFE30] =	vst v13  }
0x142: {  	v13 =	vsel vm0, v20, v22;
	vm0 =	vge.f32 v9, $0.0e+00;
	v20 =	vld [tilespmem:s17+$0x20];
	[tilespmem:s15+$0xFFFFFEC0] =	vst v27  }
0x143: {  	v22 =	vld [tilespmem:s9+$0xFFFFFFC0];
	vm1 =	vge.f32 v24, $0.0e+00;
	v27 =	vmul.f32 $2.000000030e-01, v24;
	v23 =	vadd.f32 v23, v30;
	[tilespmem:s14+$0xFFFFFF50] =	vst v10  }
0x144: {  	v10 =	vmul.f32 $1.442695020e+00, v13;
	v9 =	vsel vm0, v9, v28;
	v13 =	vld [tilespmem:s19+$0xFFFFFE50];
	[tilespmem:s14+$0xFFFFFFE0] =	vst v11  }
0x145: {  	vm0 =	vge.f32 v23, $0.0e+00;
	v11 =	vmul.f32 $2.000000030e-01, v23;
	v25 =	vadd.f32 v25, v29;
	v28 =	vld [tilespmem:s19+$0xD0];
	[tilespmem:s14+$0x70] =	vst v8  }
0x146: {  	v8 =	vmul.f32 $1.442695020e+00, v9;
	v9 =	vsel vm1, v24, v27;
	(erf) = vpow2.f32 v10;
	v10 =	vld [tilespmem:s19+$0x150];
	[tilespmem:s14+$0x100] =	vst v21  }
0x147: {  	s8 =	sadd.s32 $0x8, s8;
	vm1 =	vge.f32 v25, $0.0e+00;
	v21 =	vmul.f32 $2.000000030e-01, v25;
	v20 =	vadd.f32 v20, v26;
	v24 =	vld [tilespmem:s19+$0xFFFFFEE0];
	[tilespmem:s14+$0x190] =	vst v7;
	s14 =	smov.u32 s15;
	s15 =	smov.u32 s18  }
0x148: {  	s10 =	sadd.s32 s20, s8;
	v9 =	vmul.f32 $1.442695020e+00, v9;
	v11 =	vsel vm0, v23, v11;
	v7 =	vadd.f32 v33, v22;
	v22 =	vld [tilespmem:s19+$0xFFFFFF60]  }
0x149: {  	p0 =	slt.u32 s8, $0x78;
	p1 =	slt.u32 s10, $0x50910;
	v21 =	vsel vm1, v25, v21;
	vm0 =	vge.f32 v20, $0.0e+00;
	v23 =	vmul.f32 $2.000000030e-01, v20;
	v25 =	vld [tilespmem:s19+$0xFFFFFFE0]  }
0x14a: {  	v11 =	vmul.f32 $1.442695020e+00, v11;
	vm1 =	vge.f32 v7, $0.0e+00;
	v26 =	vmul.f32 $2.000000030e-01, v7;
	v27 =	vpop (erf);
	v29 =	vld [tilespmem:s19+$0x60]  }
0x14b: {  	s18 =	sadd.s32 $0x480, s18;
	v21 =	vmul.f32 $1.442695020e+00, v21;
	v20 =	vsel vm0, v20, v23;
	v23 =	vpsel !p1, $0x0, v27;
	v27 =	vld [tilespmem:s16+$0xFFFFFE70]  }
0x14c: {  	s19 =	sadd.s32 $0x400, s19;
	v7 =	vsel vm1, v7, v26;
	v26 =	vmul.f32 $1.442695020e+00, v20;
	[tilespmem:s18+$0x230] =	vst v23;
	(erf) = vpow2.f32 v8;
	v8 =	vld [tilespmem:s16+$0xFFFFFF70]  }
0x14d: {  	v20 =	vmul.f32 $1.442695020e+00, v7;
	v30 =	vld [tilespmem:s19+$0x180];
	(erf) = vpow2.f32 v9  }
0x14e: {  	v9 =	vmul.f32 v13, v17;
	(erf) = vpow2.f32 v11;
	v11 =	vld [tilespmem:s16+$0xFFFFFFF0]  }
0x14f: {  	v13 =	vmul.f32 v28, v16;
	(erf) = vpow2.f32 v20;
	v7 =	vpop (erf);
	v28 =	vld [tilespmem:s16+$0x70]  }
0x150: {  	v20 =	vbroadcast v23, $0x0;
	v7 =	vpsel !p1, $0x0, v7;
	(erf) = vpow2.f32 v21;
	[tilespmem:s15+$0xFFFFFE10] =	vst v9;
	v9 =	vld [tilespmem:s16+$0xF0]  }
0x151: {  	[tilespmem:s18+$0xFFFFFED0] =	vst v7;
	v7 =	vbroadcast v7, $0x0;
	(erf) = vpow2.f32 v26;
	v21 =	vld [tilespmem:s4+$0xFFFFFE60]  }
0x152: {  	v10 =	vmul.f32 v10, v19;
	v31 =	vld [tilespmem:s19+$0xFFFFFE80];
	v23 =	vmul.f32 v20, v30;
	[tilespmem:s15+$0xE0] =	vst v13  }
0x153: {  	v30 =	vmul.f32 v24, v18;
	v24 =	vmul.f32 v22, v15;
	v32 =	vld [tilespmem:s4+$0xE0]  }
0x154: {  	v22 =	vmul.f32 v29, v14;
	[tilespmem:s18+$0x1B0] =	vst v23;
	v23 =	vmul.f32 v25, v12;
	v29 =	vld [tilespmem:s16+$0x170];
	s16 =	smov.u32 s4;
	s4 =	smov.u32 s19  }
0x155: {  	v13 =	vmul.f32 v27, v6;
	v33 =	vld [tilespmem:s19+$0x190];
	v25 =	vpop (erf);
	[tilespmem:s15+$0x170] =	vst v10;
	v10 =	vmul.f32 v8, v1;
	v1 =	vmov v15  }
0x156: {  	v11 =	vmul.f32 v11, v5;
	v25 =	vpsel !p1, $0x0, v25;
	v8 =	vpop (erf);
	v26 =	vmul.f32 v21, v17;
	[tilespmem:s15+$0xFFFFFEB0] =	vst v30;
	v21 =	vld [tilespmem:s16+$0x160]  }
0x157: {  	v30 =	vmul.f32 v7, v31;
	[tilespmem:s18+$0xFFFFFF60] =	vst v25;
	v15 =	vbroadcast v25, $0x0;
	v36 =	vpsel !p1, $0x0, v8;
	v6 =	vpop (erf);
	v27 =	vld [tilespmem:s16+$0xFFFFFEF0]  }
0x158: {  	v31 =	vld [tilespmem:s19+$0xFFFFFF00];
	[tilespmem:s18+$0xFFFFFFF0] =	vst v36;
	v34 =	vbroadcast v36, $0x0;
	v8 =	vpsel !p1, $0x0, v6;
	v6 =	vpop (erf);
	v25 =	vmul.f32 v32, v16  }
0x159: {  	v6 =	vpsel !p1, $0x0, v6;
	v32 =	vld [tilespmem:s19+$0xFFFFFF80];
	[tilespmem:s18+$0x80] =	vst v8;
	v35 =	vbroadcast v8, $0x0;
	v5 =	vpop (erf);
	v8 =	vmul.f32 v28, v4  }
0x15a: {  	[tilespmem:s18+$0xFFFFFE40] =	vst v6;
	v36 =	vbroadcast v6, $0x0;
	v37 =	vld [tilespmem:s19+$0x0];
	v41 =	vpsel !p1, $0x0, v5;
	v42 =	vmul.f32 v20, v33;
	v5 =	vpop (erf)  }
0x15b: {  	v33 =	vld [tilespmem:s19+$0xFFFFFE00];
	[tilespmem:s18+$0x110] =	vst v41;
	v38 =	vbroadcast v41, $0x0;
	v39 =	vpsel !p1, $0x0, v5;
	v28 =	vmul.f32 v21, v19;
	v5 =	vmovc v12;
	v12 =	vmovc v34  }
0x15c: {  	v4 =	vmovc v14;
	v14 =	vmovc v35;
	v34 =	vld [tilespmem:s19+$0x80];
	v40 =	vbroadcast v39, $0x0;
	[tilespmem:s18+$0x1C0] =	vst v42;
	v27 =	vmul.f32 v27, v18;
	v18 =	vmov v7  }
0x15d: {  	v21 =	vmul.f32 v9, v2;
	v6 =	vmovc v17;
	v17 =	vmov v36;
	v31 =	vmul.f32 v15, v31;
	[tilespmem:s18+$0x1A0] =	vst v39;
	v35 =	vld [tilespmem:s19+$0x1A0]  }
0x15e: {  	v2 =	vmovc v16;
	v7 =	vmul.f32 v29, v3;
	v16 =	vmov v38;
	[tilespmem:s18+$0xFFFFFE50] =	vst v30;
	v9 =	vmul.f32 v12, v32;
	v30 =	vld [tilespmem:s19+$0x100]  }
0x15f: {  	v3 =	vmov v19;
	v19 =	vmov v40;
	v29 =	vld [tilespmem:s19+$0xFFFFFE90];
	[tilespmem:s18+$0xFFFFFEE0] =	vst v31;
	v31 =	vmul.f32 v14, v37  }
0x160: {  	v32 =	vmul.f32 v17, v33;
	v33 =	vld [tilespmem:s19+$0xFFFFFF10];
	[tilespmem:s18+$0xFFFFFF70] =	vst v9  }
0x161: {  	v9 =	vld [tilespmem:s19+$0xFFFFFF90];
	[tilespmem:s18+$0x0] =	vst v31;
	v31 =	vmul.f32 v16, v34  }
0x162: {  	[tilespmem:s18+$0xFFFFFDC0] =	vst v32;
	v32 =	vld [tilespmem:s19+$0x10];
	v34 =	vmul.f32 v20, v35  }
0x163: {  	v35 =	vld [tilespmem:s19+$0xFFFFFE10];
	[tilespmem:s18+$0x90] =	vst v31;
	v30 =	vmul.f32 v19, v30  }
0x164: {  	v29 =	vmul.f32 v18, v29;
	v31 =	vld [tilespmem:s19+$0x90];
	[tilespmem:s18+$0x1D0] =	vst v34  }
0x165: {  	v33 =	vmul.f32 v15, v33;
	[tilespmem:s18+$0x120] =	vst v30;
	v30 =	vld [tilespmem:s19+$0x1B0]  }
0x166: {  	[tilespmem:s18+$0xFFFFFE60] =	vst v29;
	v9 =	vmul.f32 v12, v9;
	v29 =	vld [tilespmem:s19+$0x110]  }
0x167: {  	v34 =	vld [tilespmem:s19+$0xFFFFFEA0];
	[tilespmem:s18+$0xFFFFFEF0] =	vst v33;
	v32 =	vmul.f32 v14, v32  }
0x168: {  	v33 =	vmul.f32 v17, v35;
	v35 =	vld [tilespmem:s19+$0xFFFFFF20];
	[tilespmem:s18+$0xFFFFFF80] =	vst v9  }
0x169: {  	v9 =	vld [tilespmem:s19+$0xFFFFFFA0];
	[tilespmem:s18+$0x10] =	vst v32;
	v31 =	vmul.f32 v16, v31  }
0x16a: {  	[tilespmem:s18+$0xFFFFFDD0] =	vst v33;
	v32 =	vld [tilespmem:s19+$0x20];
	v30 =	vmul.f32 v30, v20  }
0x16b: {  	v33 =	vld [tilespmem:s19+$0xFFFFFE20];
	[tilespmem:s18+$0xA0] =	vst v31;
	v29 =	vmul.f32 v19, v29  }
0x16c: {  	v31 =	vmul.f32 v18, v34;
	v34 =	vld [tilespmem:s19+$0xA0];
	[tilespmem:s18+$0x1E0] =	vst v30  }
0x16d: {  	v30 =	vmul.f32 v15, v35;
	[tilespmem:s18+$0x130] =	vst v29;
	v29 =	vld [tilespmem:s19+$0x1C0]  }
0x16e: {  	[tilespmem:s18+$0xFFFFFE70] =	vst v31;
	v9 =	vmul.f32 v12, v9;
	v31 =	vld [tilespmem:s19+$0x120]  }
0x16f: {  	v35 =	vld [tilespmem:s19+$0xFFFFFEB0];
	[tilespmem:s18+$0xFFFFFF00] =	vst v30;
	v30 =	vmul.f32 v14, v32  }
0x170: {  	v32 =	vmul.f32 v17, v33;
	v33 =	vld [tilespmem:s19+$0xFFFFFF30];
	[tilespmem:s18+$0xFFFFFF90] =	vst v9  }
0x171: {  	v9 =	vld [tilespmem:s19+$0xFFFFFFB0];
	[tilespmem:s18+$0x20] =	vst v30;
	v30 =	vmul.f32 v16, v34  }
0x172: {  	[tilespmem:s18+$0xFFFFFDE0] =	vst v32;
	v32 =	vld [tilespmem:s19+$0x30];
	v29 =	vmul.f32 v29, v20  }
0x173: {  	v34 =	vld [tilespmem:s19+$0xFFFFFE30];
	[tilespmem:s18+$0xB0] =	vst v30;
	v30 =	vmul.f32 v19, v31  }
0x174: {  	v31 =	vmul.f32 v35, v18;
	v35 =	vld [tilespmem:s19+$0xB0];
	[tilespmem:s18+$0x1F0] =	vst v29  }
0x175: {  	v29 =	vmul.f32 v33, v15;
	[tilespmem:s18+$0x140] =	vst v30;
	v30 =	vld [tilespmem:s19+$0x1D0]  }
0x176: {  	[tilespmem:s18+$0xFFFFFE80] =	vst v31;
	v9 =	vmul.f32 v9, v12;
	v31 =	vld [tilespmem:s19+$0x130]  }
0x177: {  	v33 =	vld [tilespmem:s19+$0xFFFFFEC0];
	[tilespmem:s18+$0xFFFFFF10] =	vst v29;
	v29 =	vmul.f32 v32, v14  }
0x178: {  	v32 =	vmul.f32 v34, v17;
	v34 =	vld [tilespmem:s19+$0xFFFFFF40];
	[tilespmem:s18+$0xFFFFFFA0] =	vst v9  }
0x179: {  	v9 =	vld [tilespmem:s19+$0xFFFFFFC0];
	[tilespmem:s18+$0x30] =	vst v29;
	v29 =	vmul.f32 v35, v16  }
0x17a: {  	[tilespmem:s18+$0xFFFFFDF0] =	vst v32;
	v35 =	vld [tilespmem:s19+$0x40];
	v30 =	vmul.f32 v30, v20  }
0x17b: {  	v36 =	vld [tilespmem:s19+$0xFFFFFE40];
	[tilespmem:s18+$0xC0] =	vst v29;
	v29 =	vmul.f32 v31, v19  }
0x17c: {  	v31 =	vmul.f32 v33, v18;
	v37 =	vld [tilespmem:s19+$0xC0];
	[tilespmem:s18+$0x200] =	vst v30  }
0x17d: {  	v30 =	vmul.f32 v34, v15;
	[tilespmem:s18+$0x150] =	vst v29;
	v38 =	vld [tilespmem:s19+$0x1E0]  }
.Ltmp1:
0x17e: {  	[tilespmem:s18+$0xFFFFFE90] =	vst v31;
	v9 =	vmul.f32 v9, v12;
	v32 =	vld [tilespmem:s19+$0x140];
	(pc) =	sbr.rel @p0 .LBB2_5-.Ltmp1, $4  }
0x17f: {  	v31 =	vld [tilespmem:s19+$0xFFFFFED0];
	[tilespmem:s18+$0xFFFFFF20] =	vst v30;
	v29 =	vmul.f32 v35, v14  }
0x180: {  	v30 =	vmul.f32 v36, v17;
	v33 =	vld [tilespmem:s19+$0xFFFFFF50];
	[tilespmem:s18+$0xFFFFFFB0] =	vst v9  }
0x181: {  	v9 =	vld [tilespmem:s19+$0xFFFFFFD0];
	[tilespmem:s18+$0x40] =	vst v29;
	v34 =	vmul.f32 v37, v16  }
0x182: {  	s9 =	sadd.s32 $0x80, s9;
	[tilespmem:s18+$0xFFFFFE00] =	vst v30;
	v29 =	vld [tilespmem:s19+$0x50];
	v30 =	vmul.f32 v38, v20  }
0x183: {  	[tilespmem:s18+$0xD0] =	vst v34  }
0x184: {  	[tilespmem:s15+$0xFFFFFE20] =	vst v26  }
0x185: {  	[tilespmem:s15+$0xFFFFFF40] =	vst v24  }
0x186: {  	[tilespmem:s15+$0xFFFFFFD0] =	vst v23  }
0x187: {  	[tilespmem:s15+$0x60] =	vst v22  }
0x188: {  	[tilespmem:s15+$0xF0] =	vst v25  }
0x189: {  	[tilespmem:s15+$0x180] =	vst v28  }
0x18a: {  	[tilespmem:s14+$0xFFFFFE30] =	vst v13  }
0x18b: {  	[tilespmem:s15+$0xFFFFFEC0] =	vst v27  }
0x18c: {  	[tilespmem:s14+$0xFFFFFF50] =	vst v10  }
0x18d: {  	[tilespmem:s14+$0xFFFFFFE0] =	vst v11  }
0x18e: {  	[tilespmem:s14+$0x70] =	vst v8  }
0x18f: {  	v42 =	vld [tilespmem:s19+$0xFFFFFE50];
	[tilespmem:s14+$0x100] =	vst v21  }
0x190: {  	v32 =	vmul.f32 v32, v19;
	[tilespmem:s14+$0x190] =	vst v7;
	v43 =	vld [tilespmem:s19+$0xD0]  }
0x191: {  	v31 =	vmul.f32 v31, v18;
	[tilespmem:s18+$0x210] =	vst v30;
	v52 =	vld [tilespmem:s16+$0xFFFFFE70]  }
0x192: {  	v55 =	vld [tilespmem:s16+$0xFFFFFF70];
	v39 =	vmul.f32 v33, v15;
	[tilespmem:s18+$0x160] =	vst v32  }
0x193: {  	v56 =	vld [tilespmem:s16+$0xFFFFFFF0];
	[tilespmem:s18+$0xFFFFFEA0] =	vst v31;
	v9 =	vmul.f32 v9, v12  }
0x194: {  	v57 =	vld [tilespmem:s16+$0x70];
	[tilespmem:s18+$0xFFFFFF30] =	vst v39;
	v29 =	vmul.f32 v29, v14  }
0x195: {  	v58 =	vld [tilespmem:s16+$0xF0];
	[tilespmem:s18+$0xFFFFFFC0] =	vst v9;
	v9 =	vmul.f32 v42, v17  }
0x196: {  	v40 =	vld [tilespmem:s19+$0x1F0];
	[tilespmem:s18+$0x50] =	vst v29;
	v47 =	vmul.f32 v43, v16  }
0x197: {  	v44 =	vld [tilespmem:s19+$0x150];
	v6 =	vmul.f32 v52, v6;
	[tilespmem:s18+$0xFFFFFE10] =	vst v9  }
0x198: {  	v59 =	vld [tilespmem:s16+$0x170];
	v1 =	vmul.f32 v55, v1;
	[tilespmem:s18+$0xE0] =	vst v47  }
0x199: {  	v45 =	vld [tilespmem:s19+$0xFFFFFEE0];
	v5 =	vmul.f32 v56, v5;
	[tilespmem:s15+$0xFFFFFE30] =	vst v6  }
0x19a: {  	v46 =	vld [tilespmem:s19+$0xFFFFFF60];
	v4 =	vmul.f32 v57, v4;
	[tilespmem:s15+$0xFFFFFF50] =	vst v1  }
0x19b: {  	v48 =	vld [tilespmem:s19+$0xFFFFFFE0];
	v2 =	vmul.f32 v58, v2;
	[tilespmem:s15+$0xFFFFFFE0] =	vst v5  }
0x19c: {  	v41 =	vmul.f32 v40, v20;
	v49 =	vld [tilespmem:s19+$0x60];
	v20 =	vmul.f32 v44, v19;
	[tilespmem:s15+$0x70] =	vst v4  }
0x19d: {  	v3 =	vmul.f32 v59, v3;
	v9 =	vld [tilespmem:s4+$0xFFFFFE60];
	[tilespmem:s15+$0x100] =	vst v2  }
0x19e: {  	v10 =	vmul.f32 v45, v18;
	v11 =	vld [tilespmem:s4+$0xE0];
	[tilespmem:s18+$0x170] =	vst v20  }
0x19f: {  	[tilespmem:s15+$0x190] =	vst v3;
	v8 =	vmul.f32 v46, v15;
	v51 =	vld [tilespmem:s4+$0x160]  }
0x1a0: {  	[tilespmem:s18+$0xFFFFFEB0] =	vst v10;
	v53 =	vmul.f32 v48, v12  }
0x1a1: {  	v54 =	vld [tilespmem:s4+$0xFFFFFEF0];
	v21 =	vmul.f32 v49, v14;
	[tilespmem:s18+$0xFFFFFF40] =	vst v8  }
0x1a2: {  	v50 =	vmul.f32 v9, v17;
	[tilespmem:s18+$0xFFFFFFD0] =	vst v53;
	v61 =	vld [tilespmem:s4+$0xFFFFFF70]  }
0x1a3: {  	v11 =	vmul.f32 v11, v16;
	[tilespmem:s18+$0x60] =	vst v21;
	v1 =	vld [tilespmem:s4+$0xFFFFFFF0]  }
0x1a4: {  	[tilespmem:s18+$0xFFFFFE20] =	vst v50;
	v62 =	vld [tilespmem:s4+$0x70];
	v9 =	vmul.f32 v51, v19  }
0x1a5: {  	[tilespmem:s18+$0xF0] =	vst v11;
	v60 =	vld [tilespmem:s4+$0xFFFFFE70]  }
0x1a6: {  	v13 =	vmul.f32 v54, v18;
	v63 =	vld [tilespmem:s4+$0xF0];
	[tilespmem:s18+$0x180] =	vst v9  }
0x1a7: {  	[tilespmem:s18+$0x220] =	vst v41;
	v3 =	vmul.f32 v61, v15;
	v2 =	vld [tilespmem:s4+$0x170]  }
0x1a8: {  	[tilespmem:s18+$0xFFFFFEC0] =	vst v13;
	v1 =	vmul.f32 v1, v12  }
0x1a9: {  	v5 =	vmul.f32 v62, v14;
	[tilespmem:s18+$0xFFFFFF50] =	vst v3  }
0x1aa: {  	v6 =	vmul.f32 v60, v17;
	[tilespmem:s18+$0xFFFFFFE0] =	vst v1  }
0x1ab: {  	v3 =	vmul.f32 v63, v16;
	[tilespmem:s18+$0x70] =	vst v5  }
0x1ac: {  	s0 =	sadd.s32 $0x1, s0;
	[tilespmem:s18+$0xFFFFFE30] =	vst v6;
	v1 =	vmul.f32 v2, v19  }
0x1ad: {  	p0 =	sne.s32 s0, $0x51;
	[tilespmem:s18+$0x100] =	vst v3  }
.Ltmp2:
0x1ae: {  	[tilespmem:s18+$0x190] =	vst v1;
	(pc) =	sbr.rel @p0 .LBB2_4-.Ltmp2, $4  }
0x1af: {  	[spmem:s2] =	stream.indirect.scatter.add.f32 [tilespmem:s21], [sflag:$0x4], $0x90, s23, s23, $0xb8;
	[tilespmem:$0x1FB60] =	vst v63  }
0x1b0: {  	_ =	swait.ge [sflag:s22], $0x4800  }
0x1b1: {  	[sflag:s22] =	ssyncset.done $0x0  }
0x1b2: {  	s20 =	sadd.s32 $0x80, s20;
	[sflag:s22] =	ssyncadd.s32 $0xFFFFB800  }
0x1b3: {  	s0 =	stileid.u32  }
0x1b4: {  	[bflag:$0x0] =	sbarrier.arrive $0xFFFF;
	s0 =	sshll.u32 s0, $0x6  }
0x1b5: {  	s4 =	sshrl.u32 s11, $0x3;
	s8 =	rddreg [dreg:$0x7];
	s0 =	sor.u32 $0x1C04, s0  }
0x1b6: {  	[hbm:s8], [sflag:s0] =	dma.local [spmem:s4], $0x8DC  }
0x1b7: {  	_ =	swait.ge [sflag:s22], $0x8DC  }
0x1b8: {  	s10 =	smov.u32 s11;
	[sflag:s22] =	ssyncset.done $0x0  }
0x1b9: {  	s9 =	sshrl.u32 s12, $0x3;
	s11 =	rddreg [dreg:$0x8];
	[sflag:s22] =	ssyncadd.s32 $0xFFFFF724  }
0x1ba: {  	[hbm:s11], [sflag:s0] =	dma.local [spmem:s9], $0x8DC  }
0x1bb: {  	_ =	swait.ge [sflag:s22], $0x8DC  }
0x1bc: {  	s20 =	smov.u32 s12;
	[sflag:s22] =	ssyncset.done $0x0;
	s12 =	rddreg [dreg:$0x4]  }
0x1bd: {  	s14 =	rddreg [dreg:$0x9];
	[sflag:s22] =	ssyncadd.s32 $0xFFFFF724;
	s4 =	sshrl.u32 s12, $0x3  }
0x1be: {  	[hbm:s14], [sflag:s0] =	dma.local [spmem:s4], $0x8DC  }
0x1bf: {  	_ =	swait.ge [sflag:s22], $0x8DC  }
0x1c0: {  	[sflag:s22] =	ssyncset.done $0x0;
	s15 =	rddreg [dreg:$0x5]  }
0x1c1: {  	s16 =	rddreg [dreg:$0xa];
	[sflag:s22] =	ssyncadd.s32 $0xFFFFF724;
	s4 =	sshrl.u32 s15, $0x3  }
0x1c2: {  	[hbm:s16], [sflag:s0] =	dma.local [spmem:s4], $0x8DC  }
0x1c3: {  	_ =	swait.ge [sflag:s22], $0x8DC  }
0x1c4: {  	[sflag:s22] =	ssyncset.done $0x0;
	s17 =	rddreg [dreg:$0x6]  }
0x1c5: {  	s18 =	rddreg [dreg:$0xb];
	[sflag:s22] =	ssyncadd.s32 $0xFFFFF724;
	s4 =	sshrl.u32 s17, $0x3  }
0x1c6: {  	[hbm:s18], [sflag:s0] =	dma.local [spmem:s4], $0x8DC  }
0x1c7: {  	_ =	swait.ge [sflag:s22], $0x8DC  }
0x1c8: {  	s31 =	sadd.s32 $0x1, s31;
	s19 =	rddreg [dreg:$0xc]  }
0x1c9: {  	p0 =	sne.s32 s31, s19  }
.Ltmp3:
0x1ca: {  	_ = 	snop;
	(pc) =	sbr.rel @p0 .LBB2_1-.Ltmp3, $3  }
0x1cb: {  	_ =	sdelay $0x1  }
0x1cc: {  	[sflag:s22] =	ssyncset.done $0x0  }
0x1cd: {  	[sflag:s22] =	ssyncadd.s32 $0xFFFFF724  }
0x1ce: {  	_ =	sfence.sel $0x180000  }
0x1cf: {  	[bflag:$0x0] =	sbarrier.arrive $0xFFFF  }
0x1d0: {  	_ =	strace $0x9000004A  }
0x1d1: {  	s0 =	stileid.u32;
	[bflag:$0x2] =	sbarrier.arrive $0xFFFF  }
0x1d2: {  	p0 =	sne.s32 s0, $0x0;
	s0 =	rddreg [dreg:$0x3]  }
0x1d3: {  	s0 =	sadd.s32 @!p0 $0x100000, s0  }
0x1d4: {  	[sflag:s0] =	ssyncadd.tile.s32 @!p0 $0x1;
	_ =	shalt  }
.Lfunc_end2:
_tile_overlayer_lowered:
.L_overlay_start_2:
0x1d5: {  	(tag) =	ssettag $0x2  }
0x1d6: {  	s0 =	rddreg [dreg:$0x0];
	s2 =	stileid.u32  }
0x1d7: {  	s1 =	rddreg [dreg:$0x1];
	p0 =	sne.s32 s2, $0x0  }
0x1d8: {  	s3 =	rddreg [dreg:$0x2];
	[bflag:$0x3] =	sbarrier.arrive $0xFFFF;
	s2 =	simm.s32 @!p0 $0x1C04  }
0x1d9: {  	[timem:s3], [sflag:s2] =	dma.local @!p0 [hbm:s0], s1  }
0x1da: {  	s0 =	simm.s32 @!p0 $0x4  }
0x1db: {  	_ =	swait.ge @!p0 [sflag:s0], s1  }
0x1dc: {  	s1 =	ssub.s32 @!p0 $0x0, s1;
	[sflag:s0] =	ssyncset.done @!p0 $0x0  }
0x1dd: {  	[sflag:s0] =	ssyncadd.s32 @!p0 s1  }
0x1de: {  	[bflag:$0x3] =	sbarrier.arrive $0xFFFF  }
0x1df: {  	_ =	shalt  }

// kernel: kernel.7.cloned.1.call-start
scs
__scs_entry_jumppad:
0x0: {  	(pc) =	sbr.rel $0x88, $3  }
0x1: {  	(tag) =	ssettag $0x0;
	lr =	simm.s32 $0x1  }
0x2: {  	[smem:$0x3F97] =	sst lr;
	_ =	strace $0xD0000000  }
0x3: {  	_ = 	snop  }
0x4: {  	_ = 	snop  }
0x5: {  	_ = 	snop  }
0x6: {  	_ = 	snop  }
0x7: {  	_ = 	snop  }
__scs_overlays_trampoline_lowered:
0x8: {  	[smem:$0x3FA6] =	sst s0  }
0x9: {  	[smem:$0x3FA7] =	sst s1  }
0xa: {  	[smem:$0x3FA8] =	sst s2  }
0xb: {  	[smem:$0x3FA9] =	sst s3  }
0xc: {  	[smem:$0x3FAA] =	sst s4  }
0xd: {  	[smem:$0x3FAB] =	sst s5  }
0xe: {  	[smem:$0x3FAC] =	sst s6  }
0xf: {  	[smem:$0x3FAD] =	sst s7  }
0x10: {  	[smem:$0x3FAE] =	sst s8  }
0x11: {  	[smem:$0x3FAF] =	sst s9;
	s0 =	simm.s32 @!p0 $0x0  }
0x12: {  	s1 =	sld [smem:$0x3F95];
	s0 =	simm.s32 @p0 $0x1  }
0x13: {  	[smem:$0x3FB0] =	sst s0;
	s0 =	simm.s32 @!p1 $0x0  }
0x14: {  	s2 =	sld [smem:$0x3F94];
	s0 =	simm.s32 @p1 $0x1  }
0x15: {  	[smem:$0x3FB1] =	sst s0;
	s0 =	simm.s32 @!p2 $0x0  }
0x16: {  	s3 =	sld [smem:$0x3FDB];
	s0 =	simm.s32 @p2 $0x1  }
0x17: {  	s4 =	simm.s32 $0x1BF5;
	[smem:$0x3FB3] =	sst s0  }
0x18: {  	s0 =	sld [smem:$0x3F96];
	_ =	swait.ge [sflag:s4], $0x0  }
0x19: {  	s7 =	sld [smem:$0x3F97]  }
0x1a: {  	s8 =	sadd.s32 $0xFFFFE003, lr  }
0x1b: {  	s9 =	sadd.s32 $0xFFFFFEF7, lr;
	s5 =	simm.s32 $0xFFFFFFFF;
	p2 =	slt.u32 s8, $0xFFFFF086  }
0x1c: {  	p1 =	slt.u32 s9, $0xF7A;
	s5 =	simm.s32 @!p2 $0x0  }
0x1d: {  	s5 =	simm.s32 @p1 $0x1;
	p0 =	seq.s32 s7, s2  }
0x1e: {  	s7 =	smul.u32 @!p0 $0xF7A, s2;
	p2 =	seq.s32 @!p0 s5, $0x0  }
0x1f: {  	s9 =	smul.u32 $0xF7A, s1;
	s8 =	simm.s32 @!p0 $0x1BF5;
	p2 =	por !p2, p0  }
0x20: {  	[sflag:s8] =	ssyncset.s32 @!p0 $0xFFFFF086;
	s6 =	sadd.s32 @!p0 s3, s7;
	s7 =	simm.s32 @!p0 $0x108  }
0x21: {  	s3 =	sadd.s32 s3, s9;
	s6 =	sadd.s32 @!p0 $0x88, s6;
	s7 =	simm.s32 @p2 $0x1082  }
0x22: {  	[simem:s7], [sflag:s8] =	dma.local @!p0 [hbm:s6], $0xF7A  }
0x23: {  	s9 =	sor.u32 $0xD0000000, s2;
	s6 =	simm.s32 $0x108;
	_ =	swait.ge @!p0 [sflag:s8], $0x0  }
0x24: {  	s3 =	sadd.s32 $0x88, s3;
	s6 =	simm.s32 @!p1 $0x1082;
	[sflag:s4] =	ssyncset.s32 $0xFFFFF086  }
0x25: {  	[simem:s6], [sflag:s4] =	dma.local [hbm:s3], $0xF7A  }
0x26: {  	[smem:$0x3F97] =	sst s1;
	(tag) =	ssettag s2;
	_ =	strace s9  }
0x27: {  	s1 =	sld [smem:$0x3FA7]  }
0x28: {  	s2 =	sld [smem:$0x3FA8]  }
0x29: {  	s4 =	sld [smem:$0x3FAA]  }
0x2a: {  	p0 =	seq.s32 s5, $0x0;
	s5 =	sld [smem:$0x3FAB]  }
0x2b: {  	s6 =	sld [smem:$0x3FAC]  }
0x2c: {  	s7 =	sld [smem:$0x3FAD]  }
0x2d: {  	s3 =	simm.s32 $0x108;
	s8 =	sld [smem:$0x3FAE]  }
0x2e: {  	s3 =	simm.s32 @!p0 $0x1082;
	s9 =	sld [smem:$0x3FAF]  }
0x2f: {  	lr =	sadd.s32 s0, s3;
	s0 =	sld [smem:$0x3FA6]  }
0x30: {  	s3 =	sld [smem:$0x3FA9]  }
0x31: {  	[smem:$0x3FB2] =	sst s10  }
0x32: {  	s10 =	sld [smem:$0x3FB0];
	_ =	sdelay $0x3  }
0x33: {  	p0 =	seq.s32 s10, $0x1;
	s10 =	sld [smem:$0x3FB2];
	_ =	sdelay $0x3  }
0x34: {  	[smem:$0x3FB2] =	sst s10  }
0x35: {  	s10 =	sld [smem:$0x3FB1];
	_ =	sdelay $0x3  }
0x36: {  	p1 =	seq.s32 s10, $0x1;
	s10 =	sld [smem:$0x3FB2];
	_ =	sdelay $0x3  }
0x37: {  	[smem:$0x3FB2] =	sst s10  }
0x38: {  	s10 =	sld [smem:$0x3FB3]  }
0x39: {  	_ = 	snop;
	(pc) =	sbr.ind lr, $3  }
0x3a: {  	_ = 	snop  }
0x3b: {  	_ = 	snop  }
0x3c: {  	p2 =	seq.s32 s10, $0x1;
	s10 =	sld [smem:$0x3FB2]  }
0x3d: {  	_ =	shalt  }
0x3e: {  	_ =	shalt  }
0x3f: {  	_ =	shalt  }
0x40: {  	_ =	shalt  }
0x41: {  	_ =	shalt  }
0x42: {  	_ =	shalt  }
0x43: {  	_ =	shalt  }
0x44: {  	_ =	shalt  }
0x45: {  	_ =	shalt  }
0x46: {  	_ =	shalt  }
0x47: {  	_ =	shalt  }
0x48: {  	_ =	shalt  }
0x49: {  	_ =	shalt  }
0x4a: {  	_ =	shalt  }
0x4b: {  	_ =	shalt  }
0x4c: {  	_ =	shalt  }
0x4d: {  	_ =	shalt  }
0x4e: {  	_ =	shalt  }
0x4f: {  	_ =	shalt  }
0x50: {  	_ =	shalt  }
0x51: {  	_ =	shalt  }
0x52: {  	_ =	shalt  }
0x53: {  	_ =	shalt  }
0x54: {  	_ =	shalt  }
0x55: {  	_ =	shalt  }
0x56: {  	_ =	shalt  }
0x57: {  	_ =	shalt  }
0x58: {  	_ =	shalt  }
0x59: {  	_ =	shalt  }
0x5a: {  	_ =	shalt  }
0x5b: {  	_ =	shalt  }
0x5c: {  	_ =	shalt  }
0x5d: {  	_ =	shalt  }
0x5e: {  	_ =	shalt  }
0x5f: {  	_ =	shalt  }
0x60: {  	_ =	shalt  }
0x61: {  	_ =	shalt  }
0x62: {  	_ =	shalt  }
0x63: {  	_ =	shalt  }
0x64: {  	_ =	shalt  }
0x65: {  	_ =	shalt  }
0x66: {  	_ =	shalt  }
0x67: {  	_ =	shalt  }
0x68: {  	_ =	shalt  }
0x69: {  	_ =	shalt  }
0x6a: {  	_ =	shalt  }
0x6b: {  	_ =	shalt  }
0x6c: {  	_ =	shalt  }
0x6d: {  	_ =	shalt  }
0x6e: {  	_ =	shalt  }
0x6f: {  	_ =	shalt  }
0x70: {  	_ =	shalt  }
0x71: {  	_ =	shalt  }
0x72: {  	_ =	shalt  }
0x73: {  	_ =	shalt  }
0x74: {  	_ =	shalt  }
0x75: {  	_ =	shalt  }
0x76: {  	_ =	shalt  }
0x77: {  	_ =	shalt  }
0x78: {  	_ =	shalt  }
0x79: {  	_ =	shalt  }
0x7a: {  	_ =	shalt  }
0x7b: {  	_ =	shalt  }
0x7c: {  	_ =	shalt  }
0x7d: {  	_ =	shalt  }
0x7e: {  	_ =	shalt  }
0x7f: {  	_ =	shalt  }
0x80: {  	_ =	shalt  }
0x81: {  	_ =	shalt  }
0x82: {  	_ =	shalt  }
0x83: {  	_ =	shalt  }
0x84: {  	_ =	shalt  }
0x85: {  	_ =	shalt  }
0x86: {  	_ =	shalt  }
0x87: {  	_ =	shalt  }
.Lfunc_end0:
.L_simem_size_0:
called_computation_lowered:
.L_overlay_start_0:
0x88: {  	s2 =	sld [smem:$0x3FD9]  }
0x89: {  	s3 =	sld [smem:$0x3FFE];
	_ =	sdelay $0x1  }
0x8a: {  	s1 =	srdreg.scid  }
0x8b: {  	s0 =	sand.u32 $0x1, s1  }
0x8c: {  	s17 =	sshll.u32 s0, $0xA;
	s2 =	sadd.s32 s3, s2  }
0x8d: {  	s2 =	sadd.s32 s2, s17  }
0x8e: {  	[smem:$0x3FBE] =	sst s2  }
0x8f: {  	_ = 	snop  }
0x90: {  	s2 =	sld [smem:$0x3FD0];
	(tm) =	ssettm $0x1  }
0x91: {  	s18 =	sld [smem:$0x3FFB];
	_ =	sdelay $0x3  }
0x92: {  	_ =	strace s18  }
0x93: {  	s3 =	sld [smem:$0x3FFC];
	_ =	sdelay $0x3  }
0x94: {  	_ =	strace s3  }
0x95: {  	s3 =	sld [smem:$0x3FFD];
	_ =	sdelay $0x3  }
0x96: {  	_ =	strace s3  }
0x97: {  	_ =	strace $0x8FFFFFFF  }
0x98: {  	s19 =	sld [smem:$0x3FDB];
	_ =	sdelay $0x1  }
0x99: {  	s4 =	simm.s32 $_scs_section_size  }
0x9a: {  	s5 =	simm.s32 $_size__tile_overlayer_lowered;
	s6 =	simm.s32 $_tile_overlayer_lowered  }
0x9b: {  	s22 =	simm.s32 $0x1BFF;
	s21 =	sshll.u32 s6, $0x1;
	s3 =	sadd.s32 s4, s19  }
0x9c: {  	s7 =	simm.s32 $0x0;
	s20 =	sshll.u32 s5, $0x1;
	s5 =	sadd.s32 s21, s3  }
0x9d: {  	[timem:s7], [sflag:s22] =	dma.local [hbm:s5], s20  }
0x9e: {  	_ =	swait.ge [sflag:s22], s20  }
0x9f: {  	s4 =	ssub.s32 $0x0, s20;
	[sflag:s22] =	ssyncset.done $0x0  }
0xa0: {  	[sflag:s22] =	ssyncadd.s32 s4;
	_ =	sdelay $0x1  }
0xa1: {  	s23 =	simm.s32 $0x1B8B  }
0xa2: {  	_ =	swait.ge [sflag:s23], $0x1  }
0xa3: {  	[sflag:s23] =	ssyncset.done $0x0  }
0xa4: {  	s25 =	simm.s32 $0x1B8E;
	s24 =	sld [smem:$0x3FFE];
	[sflag:s23] =	ssyncadd.s32 $0xFFFFFFFF  }
0xa5: {  	s26 =	simm.s32 $execute0_lowered;
	[smem:$0x3FD2] =	sst s25  }
0xa6: {  	s5 =	sshll.u32 s26, $0x1;
	_ =	strace $0x80000046;
	[dreg:$0x1] =	wrdreg $0xFFFFFFFF  }
0xa7: {  	s28 =	simm.s32 $_size_execute0_lowered;
	s3 =	sadd.s32 s3, s5;
	[dreg:$0x0] =	wrdreg $0x0  }
0xa8: {  	s5 =	sshll.u32 s28, $0x1;
	[dreg:$0x2] =	wrdreg s3  }
0xa9: {  	[dreg:$0x3] =	wrdreg s5  }
0xaa: {  	[dreg:$0x4] =	wrdreg $0xC0  }
0xab: {  	_ =	task [dreg:s7], $0x5FFFF  }
0xac: {  	[dreg:$0x1] =	wrdreg $0xFFFFFFFF  }
0xad: {  	[dreg:$0x0] =	wrdreg $0x60  }
0xae: {  	[dreg:$0x2] =	wrdreg s24  }
0xaf: {  	[dreg:$0x3] =	wrdreg s2  }
0xb0: {  	[dreg:$0x4] =	wrdreg $0x99000  }
0xb1: {  	[dreg:$0x5] =	wrdreg $0x9  }
0xb2: {  	_ =	task.clear_ibuf [dreg:s7], $0x6FFFF;
	_ =	strace $0x90000046  }
0xb3: {  	s29 =	simm.s32 $0x9;
	_ =	strace $0x80000048  }
0xb4: {  	_ =	swait.ge [sflag:s29], $0x1  }
0xb5: {  	[sflag:s29] =	ssyncadd.s32 $0xFFFFFFFF  }
0xb6: {  	_ =	strace $0x90000048  }
0xb7: {  	_ =	sfence  }
0xb8: {  	s30 =	sld [smem:$0x0];
	_ =	sdelay $0x2  }
0xb9: {  	s31 =	sshll.u32 s1, $0xD;
	s1 =	sshrl.u32 s1, $0x2  }
0xba: {  	s3 =	sand.u32 $0x4000, s31;
	s1 =	sadd.s32 s1, s30  }
0xbb: {  	s0 =	sor.u32 s3, s0;
	s1 =	sshll.u32 s1, $0x11  }
0xbc: {  	s0 =	sor.u32 s1, s0  }
0xbd: {  	s0 =	sadd.s32 $0x8F2B, s0  }
0xbe: {  	[sflag:s0] =	ssyncadd.remote.s32 $0x1  }
0xbf: {  	_ =	sfence.sel $0xFFFF  }
0xc0: {  	[dreg:$0x0] =	wrdreg $0xFFFFFFFF;
	(pc) =	sbr.abs _section_cstart, $3  }
0xc1: {  	[dreg:$0x1] =	wrdreg $0xFFFFFFFF  }
0xc2: {  	_ =	task.clear_ibuf [dreg:s7], $0x2FFFF;
	_ =	strace $0x9FFFFFFF  }
0xc3: {  	(tm) =	ssettm $0x7FFFFFFF  }
tec
execute0_lowered:
.L_overlay_start_1:
0x0: {  	(tag) =	ssettag $0x1  }
0x1: {  	s0 =	rddreg [dreg:$0x0]  }
0x2: {  	s1 =	rddreg [dreg:$0x1]  }
0x3: {  	s2 =	rddreg [dreg:$0x2]  }
0x4: {  	s3 =	simm.s32 $0x0;
	s4 =	srdreg.scid;
	s19 =	stileid.u32  }
0x5: {  	s28 =	simm.s32 $0x2;
	s29 =	simm.s32 $0x3;
	s30 =	simm.s32 $0x1  }
0x6: {  	s31 =	simm.s32 $0x0;
	[smem:$0x7FF] =	sst s3;
	s5 =	sadd.s32 $0xB600, s0  }
0x7: {  	s6 =	sadd.s32 $0x1600, s0;
	s4 =	sand.u32 $0x1, s4;
	s9 =	smul.u32 $0x16260, s19  }
0x8: {  	s7 =	sadd.s32 $0x6600, s0;
	s0 =	sadd.s32 $0x1FA00, s0;
	s23 =	smul.u32 $0x5100, s19  }
0x9: {  	s11 =	sshll.u32 s19, $0x1;
	_ =	strace $0x80000047;
	s18 =	smul.u32 $0x162600, s4  }
0xa: {  	s8 =	ssub.s32 $0x2, s4;
	s13 =	sor.u32 s4, s11;
	s4 =	smul.u32 $0x2880, s4  }
0xb: {  	s10 =	sshrl.u32 s8, $0x1;
	s14 =	sadd.s32 $0x46E0, s9;
	s15 =	sadd.s32 $0x8DC0, s9  }
0xc: {  	s16 =	sadd.s32 $0xD4A0, s9;
	s17 =	sadd.s32 $0x11B80, s9;
	s13 =	smul.u32 $0x51, s13  }
0xd: {  	s8 =	ssub.s32 s8, s10;
	s10 =	sadd.s32 s9, s2;
	s20 =	sadd.s32 s14, s2  }
0xe: {  	s24 =	sadd.s32 s15, s2;
	s25 =	sadd.s32 s16, s2;
	s26 =	sadd.s32 s17, s2  }
0xf: {  	s9 =	sadd.s32 s9, s18;
	s14 =	sadd.s32 s18, s14;
	[dreg:$0x4] =	wrdreg s24  }
0x10: {  	s15 =	sadd.s32 s18, s15;
	s21 =	sadd.s32 s18, s16;
	[dreg:$0x5] =	wrdreg s25  }
0x11: {  	s22 =	sadd.s32 s18, s17;
	[dreg:$0x6] =	wrdreg s26;
	s9 =	sshrl.u32 s9, $0x3  }
0x12: {  	s14 =	sshrl.u32 s14, $0x3;
	s12 =	sshrl.u32 s15, $0x3;
	s25 =	smax.u32 s8, $0x1  }
0x13: {  	s15 =	sshrl.u32 s22, $0x3;
	s26 =	sadd.s32 s4, s23;
	[dreg:$0xc] =	wrdreg s25  }
0x14: {  	s22 =	simm.s32 $0x4;
	s9 =	sadd.s32 s0, s9;
	[dreg:$0xd] =	wrdreg s26  }
0x15: {  	s23 =	simm.s32 $0x80;
	s11 =	sadd.s32 s0, s14;
	[dreg:$0x7] =	wrdreg s9  }
0x16: {  	s14 =	sshrl.u32 s21, $0x3;
	[dreg:$0x8] =	wrdreg s11;
	s9 =	sadd.s32 s0, s12  }
0x17: {  	s21 =	simm.s32 $0x5100;
	s24 =	sadd.s32 s0, s14;
	[dreg:$0x9] =	wrdreg s9  }
0x18: {  	s25 =	simm.s32 $0x100;
	s0 =	sadd.s32 s0, s15;
	[dreg:$0xa] =	wrdreg s24  }
0x19: {  	v0 =	vimm.f32 $0.0e+00;
	s26 =	simm.s32 $0x900;
	[dreg:$0xb] =	wrdreg s0;
	s24 =	simm.s32 $0x1100  }
.LBB2_1:
0x1a: {  	s0 =	simm.s32 $0x0;
	s4 =	simm.s32 $0x240  }
.LBB2_2:
0x1b: {  	p0 =	sne.s32 s4, $0x11DC0;
	[tilespmem:s0+$0x5180] =	vst v0  }
0x1c: {  	[tilespmem:s0+$0x5100] =	vst v0  }
0x1d: {  	[tilespmem:s0+$0x5110] =	vst v0  }
0x1e: {  	[tilespmem:s0+$0x5120] =	vst v0  }
.Ltmp0:
0x1f: {  	[tilespmem:s0+$0x5130] =	vst v0;
	(pc) =	sbr.rel @p0 .LBB2_2-.Ltmp0, $4  }
0x20: {  	[tilespmem:s0+$0x5140] =	vst v0  }
0x21: {  	[tilespmem:s0+$0x5150] =	vst v0  }
0x22: {  	[tilespmem:s0+$0x5160] =	vst v0  }
0x23: {  	[tilespmem:s0+$0x5170] =	vst v0;
	s0 =	sshra.s32 s4, $0x2;
	s4 =	sadd.s32 $0x240, s4  }
0x24: {  	[tilespmem:s0+$0x5180] =	vst v0  }
0x25: {  	[tilespmem:s0+$0x5100] =	vst v0  }
0x26: {  	[tilespmem:s0+$0x5110] =	vst v0  }
0x27: {  	[tilespmem:s0+$0x5120] =	vst v0  }
0x28: {  	[tilespmem:s0+$0x5130] =	vst v0  }
0x29: {  	[tilespmem:s0+$0x5140] =	vst v0  }
0x2a: {  	[tilespmem:s0+$0x5150] =	vst v0  }
0x2b: {  	[tilespmem:s0+$0x5160] =	vst v0  }
0x2c: {  	[tilespmem:s0+$0x5170] =	vst v0  }
0x2d: {  	[spmem:s10] =	stream.linear.scatter [tilespmem:s21], [sflag:$0x4], $0x46E0, $0x38;
	[tilespmem:$0x1FB60] =	vst v63  }
0x2e: {  	_ =	swait.ge [sflag:s22], $0x46E0  }
0x2f: {  	[sflag:s22] =	ssyncset.done $0x0  }
0x30: {  	[sflag:s22] =	ssyncadd.s32 $0xFFFFB920  }
0x31: {  	[spmem:s20] =	stream.linear.scatter [tilespmem:s21], [sflag:$0x4], $0x46E0, $0x38;
	[tilespmem:$0x1FB60] =	vst v63  }
0x32: {  	_ =	swait.ge [sflag:s22], $0x46E0  }
0x33: {  	[sflag:s22] =	ssyncset.done $0x0  }
0x34: {  	s18 =	rddreg [dreg:$0x4];
	[sflag:s22] =	ssyncadd.s32 $0xFFFFB920  }
0x35: {  	[spmem:s18] =	stream.linear.scatter [tilespmem:s21], [sflag:$0x4], $0x46E0, $0x38;
	[tilespmem:$0x1FB60] =	vst v63  }
0x36: {  	_ =	swait.ge [sflag:s22], $0x46E0  }
0x37: {  	[sflag:s22] =	ssyncset.done $0x0  }
0x38: {  	s19 =	rddreg [dreg:$0x5];
	[sflag:s22] =	ssyncadd.s32 $0xFFFFB920  }
0x39: {  	[spmem:s19] =	stream.linear.scatter [tilespmem:s21], [sflag:$0x4], $0x46E0, $0x38;
	[tilespmem:$0x1FB60] =	vst v63  }
0x3a: {  	_ =	swait.ge [sflag:s22], $0x46E0  }
0x3b: {  	[sflag:s22] =	ssyncset.done $0x0  }
0x3c: {  	s12 =	smov.u32 s20;
	s20 =	rddreg [dreg:$0x6];
	[sflag:s22] =	ssyncadd.s32 $0xFFFFB920  }
0x3d: {  	[spmem:s20] =	stream.linear.scatter [tilespmem:s21], [sflag:$0x4], $0x46E0, $0x38;
	[tilespmem:$0x1FB60] =	vst v63  }
0x3e: {  	_ =	swait.ge [sflag:s22], $0x46E0  }
0x3f: {  	[sflag:s22] =	ssyncset.done $0x0  }
0x40: {  	[sflag:s22] =	ssyncadd.s32 $0xFFFFB920  }
0x41: {  	[bflag:$0x0] =	sbarrier.arrive $0xFFFF  }
0x42: {  	s11 =	smov.u32 s10;
	s0 =	simm.s32 $0x0;
	s20 =	rddreg [dreg:$0xd]  }
.LBB2_4:
0x43: {  	s4 =	sadd.s32 s13, s0  }
0x44: {  	s4 =	sshll.u32 s4, $0x5  }
0x45: {  	s4 =	sadd.s32 s5, s4  }
0x46: {  	[tilespmem:s3], [sflag:$0x4] =	stream.linear.gather [hbm4b:s4+s3], $0x100, $0x38;
	[tilespmem:$0x1FB60] =	vst v63  }
0x47: {  	_ =	swait.ge [sflag:s22], $0x100  }
0x48: {  	[sflag:s22] =	ssyncset.done $0x0  }
0x49: {  	[sflag:s22] =	ssyncadd.s32 $0xFFFFFF00  }
0x4a: {  	[tilespmem:s24], [sflag:$0x1] =	stream.indirect.gather [hbm4b:s1+s23], $0x80, s3, s23, $0xb8;
	[tilespmem:$0x1FB60] =	vst v63  }
0x4b: {  	_ = 	snop  }
0x4c: {  	[tilespmem:s25], [sflag:$0x2] =	stream.indirect.gather [hbm4b:s6+s23], $0x10, s3, s23, $0xb8;
	[tilespmem:$0x1FB60] =	vst v63  }
0x4d: {  	_ = 	snop  }
0x4e: {  	[tilespmem:s26], [sflag:$0x3] =	stream.indirect.gather [hbm4b:s7+s23], $0x10, s23, s23, $0xb8;
	[tilespmem:$0x1FB60] =	vst v63  }
0x4f: {  	_ =	swait.ge [sflag:s28], $0x800  }
0x50: {  	[sflag:s28] =	ssyncset.done $0x0  }
0x51: {  	[sflag:s28] =	ssyncadd.s32 $0xFFFFF800  }
0x52: {  	_ =	swait.ge [sflag:s29], $0x800  }
0x53: {  	[sflag:s29] =	ssyncset.done $0x0  }
0x54: {  	[sflag:s29] =	ssyncadd.s32 $0xFFFFF800  }
0x55: {  	_ =	swait.ge [sflag:s30], $0x4000  }
0x56: {  	[sflag:s30] =	ssyncset.done $0x0  }
0x57: {  	s19 =	simm.s32 $0x140;
	[sflag:s30] =	ssyncadd.s32 $0xFFFFC000  }
0x58: {  	s8 =	simm.s32 $0x940;
	v1 =	vld [tilespmem:s19+$0x30]  }
0x59: {  	v2 =	vld [tilespmem:s8+$0x30]  }
0x5a: {  	v3 =	vld [tilespmem:s8+$0xFFFFFFC0]  }
0x5b: {  	v4 =	vld [tilespmem:s19+$0xFFFFFFD0]  }
0x5c: {  	v5 =	vld [tilespmem:s8+$0xFFFFFFD0]  }
0x5d: {  	v7 =	vld [tilespmem:s19+$0xFFFFFFF0]  }
0x5e: {  	v9 =	vld [tilespmem:s8+$0xFFFFFFF0];
	v1 =	vadd.f32 v2, v1  }
0x5f: {  	v6 =	vld [tilespmem:s19+$0xFFFFFFE0]  }
0x60: {  	v2 =	vld [tilespmem:s8+$0xFFFFFFE0];
	v8 =	vmul.f32 $2.000000030e-01, v1  }
0x61: {  	v10 =	vld [tilespmem:s19+$0x0];
	vm0 =	vge.f32 v1, $0.0e+00  }
0x62: {  	v4 =	vadd.f32 v5, v4;
	v5 =	vld [tilespmem:s19+$0x10];
	v1 =	vsel vm0, v1, v8  }
0x63: {  	v7 =	vadd.f32 v9, v7;
	v9 =	vld [tilespmem:s19+$0xFFFFFFC0];
	v1 =	vmul.f32 $1.442695020e+00, v1  }
0x64: {  	v8 =	vld [tilespmem:s8+$0x0]  }
0x65: {  	v2 =	vadd.f32 v2, v6;
	v6 =	vld [tilespmem:s8+$0x10];
	(erf) = vpow2.f32 v1;
	_ =	sdelay $0x1  }
0x66: {  	v1 =	vmul.f32 $2.000000030e-01, v4  }
0x67: {  	vm6 =	vge.f32 v4, $0.0e+00;
	vm1 =	vge.f32 v7, $0.0e+00;
	v3 =	vadd.f32 v3, v9  }
0x68: {  	v12 =	vmul.f32 $2.000000030e-01, v2;
	v1 =	vsel vm6, v4, v1;
	v8 =	vadd.f32 v8, v10  }
0x69: {  	v11 =	vld [tilespmem:s19+$0x20];
	vm7 =	vge.f32 v2, $0.0e+00;
	v1 =	vmul.f32 $1.442695020e+00, v1;
	v5 =	vadd.f32 v6, v5  }
0x6a: {  	vm10 =	vge.f32 v3, $0.0e+00;
	v4 =	vld [tilespmem:s8+$0x20];
	v10 =	vmul.f32 $2.000000030e-01, v7;
	v6 =	vmul.f32 $2.000000030e-01, v8  }
0x6b: {  	v2 =	vsel vm7, v2, v12;
	(erf) = vpow2.f32 v1;
	v1 =	vmul.f32 $2.000000030e-01, v5  }
0x6c: {  	s9 =	sadd.s32 $0x0, s20;
	vm8 =	vge.f32 v8, $0.0e+00;
	v7 =	vsel vm1, v7, v10;
	vm9 =	vge.f32 v5, $0.0e+00  }
0x6d: {  	p0 =	slt.u32 s9, $0x50910;
	v6 =	vsel vm8, v8, v6;
	v1 =	vsel vm9, v5, v1;
	v5 =	vmul.f32 $2.000000030e-01, v3;
	v8 =	vpop (erf)  }
0x6e: {  	s14 =	simm.s32 $0x5340;
	v2 =	vmul.f32 $1.442695020e+00, v2;
	v7 =	vmul.f32 $1.442695020e+00, v7;
	v8 =	vpsel !p0, $0x0, v8  }
0x6f: {  	s10 =	simm.s32 $0x1300;
	v4 =	vadd.f32 v4, v11;
	v6 =	vmul.f32 $1.442695020e+00, v6;
	v3 =	vsel vm10, v3, v5;
	[tilespmem:s14+$0x230] =	vst v8  }
0x70: {  	(erf) = vpow2.f32 v2;
	v2 =	vmul.f32 $1.442695020e+00, v3;
	v3 =	vld [tilespmem:s10+$0x180]  }
0x71: {  	v9 =	vmul.f32 $2.000000030e-01, v4;
	(erf) = vpow2.f32 v7  }
0x72: {  	v1 =	vmul.f32 $1.442695020e+00, v1;
	vm11 =	vge.f32 v4, $0.0e+00;
	(erf) = vpow2.f32 v6  }
0x73: {  	v4 =	vsel vm11, v4, v9;
	v5 =	vbroadcast v8, $0x0;
	(erf) = vpow2.f32 v2  }
0x74: {  	v4 =	vmul.f32 $1.442695020e+00, v4;
	(erf) = vpow2.f32 v1  }
0x75: {  	v1 =	vmul.f32 v5, v3  }
0x76: {  	(erf) = vpow2.f32 v4  }
0x77: {  	s16 =	simm.s32 $0x1C0  }
0x78: {  	v26 =	vld [tilespmem:s16+$0x0];
	v2 =	vpop (erf);
	[tilespmem:s14+$0x1B0] =	vst v1  }
0x79: {  	s9 =	simm.s32 $0x9C0;
	v6 =	vpsel !p0, $0x0, v2;
	v3 =	vld [tilespmem:s10+$0x190];
	v1 =	vpop (erf)  }
0x7a: {  	v27 =	vld [tilespmem:s9+$0x0];
	[tilespmem:s14+$0xFFFFFED0] =	vst v6;
	v7 =	vpsel !p0, $0x0, v1;
	v1 =	vpop (erf)  }
0x7b: {  	v4 =	vld [tilespmem:s10+$0xFFFFFE80];
	[tilespmem:s14+$0xFFFFFF60] =	vst v7;
	v9 =	vpsel !p0, $0x0, v1;
	v1 =	vpop (erf)  }
0x7c: {  	v10 =	vld [tilespmem:s10+$0xFFFFFF00];
	[tilespmem:s14+$0xFFFFFFF0] =	vst v9;
	v13 =	vpsel !p0, $0x0, v1;
	v1 =	vpop (erf)  }
0x7d: {  	v1 =	vpsel !p0, $0x0, v1;
	v11 =	vld [tilespmem:s10+$0xFFFFFF80];
	[tilespmem:s14+$0x80] =	vst v13;
	v2 =	vpop (erf)  }
0x7e: {  	v12 =	vbroadcast v6, $0x0;
	v3 =	vmul.f32 v5, v3;
	[tilespmem:s14+$0xFFFFFE40] =	vst v1;
	v14 =	vld [tilespmem:s10+$0x0];
	v2 =	vpsel !p0, $0x0, v2  }
0x7f: {  	v15 =	vbroadcast v7, $0x0;
	v16 =	vpop (erf);
	v17 =	vld [tilespmem:s10+$0xFFFFFE00];
	[tilespmem:s14+$0x110] =	vst v2  }
0x80: {  	v18 =	vmul.f32 v12, v4;
	v19 =	vbroadcast v9, $0x0;
	v4 =	vpsel !p0, $0x0, v16;
	[tilespmem:s14+$0x1C0] =	vst v3;
	v16 =	vld [tilespmem:s10+$0x80]  }
0x81: {  	v20 =	vbroadcast v13, $0x0;
	[tilespmem:s14+$0x1A0] =	vst v4;
	v3 =	vmul.f32 v15, v10;
	v10 =	vld [tilespmem:s10+$0x1A0]  }
0x82: {  	[tilespmem:s14+$0xFFFFFE50] =	vst v18;
	v21 =	vbroadcast v1, $0x0;
	v18 =	vld [tilespmem:s10+$0x100];
	v11 =	vmul.f32 v19, v11  }
0x83: {  	v23 =	vld [tilespmem:s10+$0xFFFFFE90];
	v22 =	vbroadcast v2, $0x0;
	[tilespmem:s14+$0xFFFFFEE0] =	vst v3;
	v3 =	vmul.f32 v20, v14  }
0x84: {  	v14 =	vmul.f32 v21, v17;
	v17 =	vld [tilespmem:s10+$0xFFFFFF10];
	[tilespmem:s14+$0xFFFFFF70] =	vst v11  }
0x85: {  	v24 =	vbroadcast v4, $0x0;
	v11 =	vld [tilespmem:s10+$0xFFFFFF90];
	[tilespmem:s14+$0x0] =	vst v3;
	v3 =	vmul.f32 v22, v16  }
0x86: {  	[tilespmem:s14+$0xFFFFFDC0] =	vst v14;
	v14 =	vld [tilespmem:s10+$0x10];
	v10 =	vmul.f32 v5, v10  }
0x87: {  	v16 =	vld [tilespmem:s10+$0xFFFFFE10];
	[tilespmem:s14+$0x90] =	vst v3;
	v3 =	vmul.f32 v24, v18  }
0x88: {  	v18 =	vmul.f32 v12, v23;
	v23 =	vld [tilespmem:s10+$0x90];
	[tilespmem:s14+$0x1D0] =	vst v10  }
0x89: {  	v10 =	vmul.f32 v15, v17;
	[tilespmem:s14+$0x120] =	vst v3;
	v3 =	vld [tilespmem:s10+$0x1B0]  }
0x8a: {  	[tilespmem:s14+$0xFFFFFE60] =	vst v18;
	v11 =	vmul.f32 v19, v11;
	v17 =	vld [tilespmem:s10+$0x110]  }
0x8b: {  	v18 =	vld [tilespmem:s10+$0xFFFFFEA0];
	[tilespmem:s14+$0xFFFFFEF0] =	vst v10;
	v10 =	vmul.f32 v20, v14  }
0x8c: {  	v14 =	vmul.f32 v21, v16;
	v16 =	vld [tilespmem:s10+$0xFFFFFF20];
	[tilespmem:s14+$0xFFFFFF80] =	vst v11  }
0x8d: {  	v11 =	vld [tilespmem:s10+$0xFFFFFFA0];
	[tilespmem:s14+$0x10] =	vst v10;
	v10 =	vmul.f32 v22, v23  }
0x8e: {  	[tilespmem:s14+$0xFFFFFDD0] =	vst v14;
	v14 =	vld [tilespmem:s10+$0x20];
	v3 =	vmul.f32 v3, v5  }
0x8f: {  	v5 =	vld [tilespmem:s10+$0xFFFFFE20];
	[tilespmem:s14+$0xA0] =	vst v10;
	v10 =	vmul.f32 v24, v17  }
0x90: {  	v17 =	vmul.f32 v12, v18;
	v18 =	vld [tilespmem:s10+$0xA0];
	[tilespmem:s14+$0x1E0] =	vst v3  }
0x91: {  	v3 =	vmul.f32 v15, v16;
	[tilespmem:s14+$0x130] =	vst v10;
	v10 =	vld [tilespmem:s10+$0x1C0]  }
0x92: {  	[tilespmem:s14+$0xFFFFFE70] =	vst v17;
	v11 =	vmul.f32 v19, v11;
	v16 =	vld [tilespmem:s10+$0x120]  }
0x93: {  	v17 =	vld [tilespmem:s10+$0xFFFFFEB0];
	[tilespmem:s14+$0xFFFFFF00] =	vst v3;
	v14 =	vmul.f32 v20, v14  }
0x94: {  	v3 =	vbroadcast v8, $0x1;
	v5 =	vmul.f32 v21, v5;
	v23 =	vld [tilespmem:s10+$0xFFFFFF30];
	[tilespmem:s14+$0xFFFFFF90] =	vst v11  }
0x95: {  	v8 =	vld [tilespmem:s10+$0xFFFFFFB0];
	[tilespmem:s14+$0x20] =	vst v14;
	v11 =	vmul.f32 v22, v18  }
0x96: {  	[tilespmem:s14+$0xFFFFFDE0] =	vst v5;
	v5 =	vld [tilespmem:s10+$0x30];
	v10 =	vmul.f32 v10, v3  }
0x97: {  	v14 =	vld [tilespmem:s10+$0xFFFFFE30];
	[tilespmem:s14+$0xB0] =	vst v11  }
0x98: {  	v11 =	vmul.f32 v24, v16;
	v16 =	vld [tilespmem:s10+$0xB0];
	[tilespmem:s14+$0x1F0] =	vst v10  }
0x99: {  	v12 =	vmul.f32 v17, v12;
	v10 =	vmul.f32 v23, v15;
	v15 =	vld [tilespmem:s10+$0x1D0]  }
0x9a: {  	[tilespmem:s14+$0x140] =	vst v11;
	v23 =	vld [tilespmem:s16+$0xFFFFFFE0]  }
0x9b: {  	[tilespmem:s14+$0xFFFFFE80] =	vst v12;
	v17 =	vld [tilespmem:s10+$0x130]  }
0x9c: {  	v18 =	vld [tilespmem:s10+$0xFFFFFEC0]  }
0x9d: {  	v8 =	vmul.f32 v8, v19;
	[tilespmem:s14+$0xFFFFFF10] =	vst v10;
	v5 =	vmul.f32 v5, v20;
	v20 =	vld [tilespmem:s9+$0xFFFFFFC0]  }
0x9e: {  	v10 =	vmul.f32 v14, v21;
	v14 =	vld [tilespmem:s10+$0xFFFFFF40]  }
0x9f: {  	[tilespmem:s14+$0xFFFFFFA0] =	vst v8;
	v21 =	vld [tilespmem:s16+$0xFFFFFFD0]  }
0xa0: {  	v19 =	vld [tilespmem:s10+$0xFFFFFFC0]  }
0xa1: {  	[tilespmem:s14+$0x30] =	vst v5;
	v5 =	vmul.f32 v16, v22;
	v22 =	vld [tilespmem:s9+$0xFFFFFFD0]  }
0xa2: {  	v11 =	vbroadcast v6, $0x1;
	v12 =	vbroadcast v7, $0x1;
	[tilespmem:s14+$0xFFFFFDF0] =	vst v10;
	v6 =	vld [tilespmem:s10+$0x40]  }
0xa3: {  	v7 =	vbroadcast v9, $0x1;
	v8 =	vmul.f32 v15, v3;
	v15 =	vld [tilespmem:s10+$0xFFFFFE40]  }
0xa4: {  	[tilespmem:s14+$0xC0] =	vst v5;
	v5 =	vmul.f32 v17, v24;
	v9 =	vmul.f32 v18, v11;
	v24 =	vld [tilespmem:s9+$0xFFFFFFE0]  }
0xa5: {  	v16 =	vld [tilespmem:s10+$0xC0];
	[tilespmem:s14+$0x200] =	vst v8;
	v8 =	vbroadcast v13, $0x1;
	v10 =	vmul.f32 v14, v12  }
0xa6: {  	v13 =	vbroadcast v1, $0x1;
	v1 =	vld [tilespmem:s16+$0xFFFFFFF0];
	[tilespmem:s14+$0xFFFFFE90] =	vst v9;
	v9 =	vmul.f32 v19, v7  }
0xa7: {  	[tilespmem:s14+$0xFFFFFF20] =	vst v10;
	v10 =	vld [tilespmem:s9+$0x30]  }
0xa8: {  	[tilespmem:s14+$0xFFFFFFB0] =	vst v9;
	v9 =	vld [tilespmem:s16+$0x30]  }
0xa9: {  	[tilespmem:s14+$0x150] =	vst v5;
	v5 =	vld [tilespmem:s10+$0x1E0]  }
0xaa: {  	v14 =	vld [tilespmem:s10+$0x140]  }
0xab: {  	v17 =	vld [tilespmem:s10+$0xFFFFFED0];
	v6 =	vmul.f32 v6, v8  }
0xac: {  	v21 =	vadd.f32 v22, v21;
	v18 =	vld [tilespmem:s10+$0xFFFFFF50]  }
0xad: {  	v26 =	vadd.f32 v27, v26;
	v15 =	vmul.f32 v15, v13;
	v19 =	vld [tilespmem:s10+$0xFFFFFFD0];
	[tilespmem:s14+$0x40] =	vst v6;
	v25 =	vadd.f32 v10, v9  }
0xae: {  	v28 =	vmul.f32 $2.000000030e-01, v21;
	v6 =	vld [tilespmem:s10+$0x50];
	v9 =	vbroadcast v2, $0x1  }
0xaf: {  	vm4 =	vge.f32 v26, $0.0e+00;
	v10 =	vbroadcast v4, $0x1;
	v2 =	vld [tilespmem:s9+$0xFFFFFFF0];
	v4 =	vmul.f32 $2.000000030e-01, v25  }
0xb0: {  	v22 =	vld [tilespmem:s16+$0x10];
	v23 =	vadd.f32 v24, v23;
	v5 =	vmul.f32 v5, v3;
	vm12 =	vge.f32 v25, $0.0e+00  }
0xb1: {  	v17 =	vmul.f32 v17, v11;
	v18 =	vmul.f32 v18, v12;
	v4 =	vsel vm12, v25, v4;
	v25 =	vld [tilespmem:s9+$0x10]  }
0xb2: {  	v24 =	vld [tilespmem:s16+$0x20];
	vm13 =	vge.f32 v21, $0.0e+00;
	v19 =	vmul.f32 v19, v7;
	v4 =	vmul.f32 $1.442695020e+00, v4  }
0xb3: {  	v16 =	vmul.f32 v16, v9;
	v29 =	vmul.f32 v6, v8;
	v6 =	vsel vm13, v21, v28;
	v21 =	vld [tilespmem:s16+$0xFFFFFFC0]  }
0xb4: {  	v14 =	vmul.f32 v14, v10;
	v1 =	vadd.f32 v2, v1;
	v2 =	vld [tilespmem:s9+$0x20];
	(erf) = vpow2.f32 v4  }
0xb5: {  	vm14 =	vge.f32 v23, $0.0e+00;
	v6 =	vmul.f32 $1.442695020e+00, v6;
	v4 =	vmul.f32 $2.000000030e-01, v23  }
0xb6: {  	s17 =	sadd.s32 $0x8, s20;
	vm15 =	vge.f32 v1, $0.0e+00;
	v28 =	vmul.f32 $2.000000030e-01, v1;
	v22 =	vadd.f32 v25, v22  }
0xb7: {  	s18 =	simm.s32 $0x240;
	p5 =	slt.u32 s17, $0x50910;
	(erf) = vpow2.f32 v6;
	v4 =	vsel vm14, v23, v4;
	v23 =	vmul.f32 $2.000000030e-01, v26  }
0xb8: {  	s17 =	simm.s32 $0xA40;
	v48 =	vld [tilespmem:s18+$0x30];
	v6 =	vadd.f32 v20, v21;
	v25 =	vmul.f32 $1.442695020e+00, v4;
	v4 =	vmul.f32 $2.000000030e-01, v22  }
0xb9: {  	v49 =	vld [tilespmem:s17+$0x30];
	[tilespmem:s14+$0xFFFFFE00] =	vst v15;
	v1 =	vsel vm15, v1, v28;
	v2 =	vadd.f32 v2, v24;
	vm5 =	vge.f32 v22, $0.0e+00  }
0xba: {  	v41 =	vld [tilespmem:s18+$0x0];
	[tilespmem:s14+$0x210] =	vst v5;
	(erf) = vpow2.f32 v25;
	v20 =	vsel vm5, v22, v4;
	v22 =	vmul.f32 $2.000000030e-01, v6  }
0xbb: {  	v5 =	vld [tilespmem:s10+$0xFFFFFE50];
	[tilespmem:s14+$0xD0] =	vst v16;
	v15 =	vmul.f32 $1.442695020e+00, v1;
	vm7 =	vge.f32 v6, $0.0e+00;
	v1 =	vsel vm4, v26, v23  }
0xbc: {  	[tilespmem:s14+$0x160] =	vst v14;
	v21 =	vmul.f32 $2.000000030e-01, v2;
	v16 =	vmul.f32 $1.442695020e+00, v1;
	v4 =	vld [tilespmem:s10+$0x1F0];
	v6 =	vsel vm7, v6, v22  }
0xbd: {  	[tilespmem:s14+$0xFFFFFFC0] =	vst v19;
	vm6 =	vge.f32 v2, $0.0e+00;
	(erf) = vpow2.f32 v15;
	v22 =	vld [tilespmem:s10+$0x150];
	v23 =	vpop (erf);
	v14 =	vmul.f32 $1.442695020e+00, v6  }
0xbe: {  	s15 =	simm.s32 $0x57C0;
	[tilespmem:s14+$0xFFFFFEA0] =	vst v17;
	v15 =	vld [tilespmem:s10+$0xFFFFFFE0];
	v2 =	vsel vm6, v2, v21;
	(erf) = vpow2.f32 v16;
	v1 =	vpsel !p5, $0x0, v23  }
0xbf: {  	s16 =	simm.s32 $0x1700;
	v20 =	vmul.f32 $1.442695020e+00, v20;
	v23 =	vld [tilespmem:s10+$0xD0];
	[tilespmem:s15+$0x230] =	vst v1;
	(erf) = vpow2.f32 v14  }
0xc0: {  	[tilespmem:s14+$0xFFFFFF30] =	vst v18;
	v5 =	vmul.f32 v5, v13;
	v21 =	vld [tilespmem:s16+$0x180]  }
0xc1: {  	[tilespmem:s14+$0x50] =	vst v29;
	v17 =	vmul.f32 $1.442695020e+00, v2;
	v6 =	vld [tilespmem:s10+$0xFFFFFEE0];
	v2 =	vpop (erf);
	(erf) = vpow2.f32 v20  }
0xc2: {  	[tilespmem:s14+$0xFFFFFE10] =	vst v5;
	v16 =	vld [tilespmem:s10+$0x60];
	v2 =	vpsel !p5, $0x0, v2;
	v19 =	vmul.f32 v22, v10  }
0xc3: {  	v14 =	vld [tilespmem:s10+$0xFFFFFF60];
	v24 =	vbroadcast v1, $0x0;
	[tilespmem:s15+$0xFFFFFED0] =	vst v2;
	(erf) = vpow2.f32 v17;
	v20 =	vpop (erf)  }
0xc4: {  	v18 =	vmul.f32 v23, v9;
	v23 =	vld [tilespmem:s16+$0xFFFFFE80];
	[tilespmem:s14+$0x170] =	vst v19;
	v25 =	vpsel !p5, $0x0, v20  }
0xc5: {  	v17 =	vld [tilespmem:s10+$0xFFFFFE60];
	[tilespmem:s15+$0xFFFFFF60] =	vst v25;
	v5 =	vmul.f32 v24, v21  }
0xc6: {  	v20 =	vpop (erf);
	[tilespmem:s14+$0xE0] =	vst v18;
	v27 =	vld [tilespmem:s16+$0xFFFFFF00]  }
0xc7: {  	v30 =	vbroadcast v2, $0x0;
	v19 =	vld [tilespmem:s10+$0x160];
	v26 =	vpsel !p5, $0x0, v20;
	v20 =	vpop (erf);
	[tilespmem:s15+$0x1B0] =	vst v5  }
0xc8: {  	[tilespmem:s15+$0xFFFFFFF0] =	vst v26;
	v28 =	vpsel !p5, $0x0, v20;
	v5 =	vld [tilespmem:s16+$0x190];
	v20 =	vpop (erf)  }
0xc9: {  	v32 =	vbroadcast v25, $0x0;
	v18 =	vld [tilespmem:s10+$0xE0];
	[tilespmem:s15+$0x80] =	vst v28;
	v23 =	vmul.f32 v30, v23;
	v20 =	vpsel !p5, $0x0, v20  }
0xca: {  	v29 =	vld [tilespmem:s16+$0xFFFFFF80];
	v21 =	vpop (erf);
	[tilespmem:s15+$0xFFFFFE40] =	vst v20  }
0xcb: {  	v31 =	vld [tilespmem:s16+$0x0];
	v21 =	vpsel !p5, $0x0, v21;
	v27 =	vmul.f32 v32, v27;
	[tilespmem:s15+$0xFFFFFE50] =	vst v23  }
0xcc: {  	v22 =	vpop (erf);
	v33 =	vld [tilespmem:s16+$0xFFFFFE00];
	[tilespmem:s15+$0x110] =	vst v21  }
0xcd: {  	v34 =	vbroadcast v26, $0x0;
	v22 =	vpsel !p5, $0x0, v22;
	v39 =	vld [tilespmem:s16+$0xFFFFFE90];
	[tilespmem:s15+$0xFFFFFEE0] =	vst v27;
	v5 =	vmul.f32 v24, v5  }
0xce: {  	[tilespmem:s15+$0x1A0] =	vst v22;
	v50 =	vld [tilespmem:s16+$0xFFFFFF10]  }
0xcf: {  	v23 =	vmul.f32 v34, v29;
	v35 =	vld [tilespmem:s16+$0x80];
	[tilespmem:s15+$0x1C0] =	vst v5;
	v5 =	vbroadcast v28, $0x0  }
0xd0: {  	v37 =	vbroadcast v20, $0x0;
	v29 =	vld [tilespmem:s16+$0x100]  }
0xd1: {  	[tilespmem:s15+$0xFFFFFF70] =	vst v23;
	v36 =	vld [tilespmem:s16+$0x1A0];
	v27 =	vmul.f32 v5, v31  }
0xd2: {  	v38 =	vbroadcast v21, $0x0;
	v40 =	vld [tilespmem:s16+$0xFFFFFF90];
	v31 =	vmul.f32 v37, v33  }
0xd3: {  	v33 =	vmul.f32 v32, v50;
	v50 =	vld [tilespmem:s17+$0xFFFFFFC0];
	[tilespmem:s15+$0x0] =	vst v27  }
0xd4: {  	v27 =	vmul.f32 v38, v35;
	[tilespmem:s15+$0xFFFFFDC0] =	vst v31;
	v31 =	vld [tilespmem:s16+$0x10]  }
0xd5: {  	v23 =	vbroadcast v22, $0x0;
	v52 =	vld [tilespmem:s16+$0xFFFFFE10];
	[tilespmem:s15+$0xFFFFFEF0] =	vst v33  }
0xd6: {  	v51 =	vmul.f32 v24, v36;
	[tilespmem:s15+$0x90] =	vst v27;
	v57 =	vld [tilespmem:s16+$0xFFFFFF20]  }
0xd7: {  	v27 =	vmul.f32 v23, v29;
	v29 =	vmul.f32 v30, v39;
	v53 =	vld [tilespmem:s16+$0x90]  }
0xd8: {  	[tilespmem:s15+$0x1D0] =	vst v51;
	v51 =	vmul.f32 v4, v3;
	v3 =	vbroadcast v22, $0x1;
	v22 =	vld [tilespmem:s18+$0xFFFFFFF0]  }
0xd9: {  	[tilespmem:s15+$0x120] =	vst v27;
	v27 =	vld [tilespmem:s16+$0x1B0]  }
0xda: {  	[tilespmem:s15+$0xFFFFFE60] =	vst v29;
	v29 =	vmul.f32 v34, v40;
	v54 =	vld [tilespmem:s16+$0x110]  }
0xdb: {  	v55 =	vld [tilespmem:s16+$0xFFFFFEA0];
	v31 =	vmul.f32 v5, v31;
	v56 =	vmul.f32 v37, v52  }
0xdc: {  	[tilespmem:s15+$0xFFFFFF80] =	vst v29;
	v52 =	vmul.f32 v6, v11;
	v6 =	vbroadcast v20, $0x1;
	v20 =	vld [tilespmem:s17+$0xFFFFFFE0]  }
0xdd: {  	v29 =	vld [tilespmem:s16+$0xFFFFFFA0]  }
0xde: {  	[tilespmem:s15+$0x10] =	vst v31;
	v31 =	vmul.f32 v38, v53;
	v53 =	vld [tilespmem:s18+$0xFFFFFFD0]  }
0xdf: {  	[tilespmem:s15+$0xFFFFFDD0] =	vst v56;
	v58 =	vld [tilespmem:s16+$0x20]  }
0xe0: {  	v24 =	vmul.f32 v27, v24;
	v27 =	vld [tilespmem:s16+$0xFFFFFE20];
	[tilespmem:s15+$0xA0] =	vst v31;
	v31 =	vmul.f32 v23, v54  }
0xe1: {  	v59 =	vmul.f32 v30, v55;
	v54 =	vmul.f32 v15, v7;
	v15 =	vld [tilespmem:s17+$0xFFFFFFD0]  }
0xe2: {  	v55 =	vmul.f32 v16, v8;
	v16 =	vmul.f32 v17, v13;
	v17 =	vld [tilespmem:s18+$0xFFFFFFE0]  }
0xe3: {  	v60 =	vld [tilespmem:s16+$0xA0]  }
0xe4: {  	[tilespmem:s15+$0x1E0] =	vst v24;
	v24 =	vmul.f32 v32, v57;
	v57 =	vld [tilespmem:s18+$0x10]  }
0xe5: {  	[tilespmem:s15+$0x130] =	vst v31;
	v31 =	vld [tilespmem:s16+$0x1C0]  }
0xe6: {  	[tilespmem:s15+$0xFFFFFE70] =	vst v59;
	v61 =	vld [tilespmem:s16+$0x120]  }
0xe7: {  	v29 =	vmul.f32 v34, v29;
	v62 =	vld [tilespmem:s16+$0xFFFFFEB0]  }
0xe8: {  	[tilespmem:s15+$0xFFFFFF00] =	vst v24;
	v24 =	vmul.f32 v5, v58;
	v58 =	vld [tilespmem:s17+$0x10]  }
0xe9: {  	[tilespmem:s15+$0xFFFFFF90] =	vst v29;
	v63 =	vld [tilespmem:s16+$0xFFFFFF30]  }
0xea: {  	v29 =	vbroadcast v1, $0x1;
	v1 =	vld [tilespmem:s16+$0xFFFFFFB0]  }
0xeb: {  	[tilespmem:s14+$0xFFFFFEB0] =	vst v52;
	v27 =	vmul.f32 v37, v27;
	v17 =	vadd.f32 v20, v17;
	v20 =	vld [tilespmem:s18+$0x20]  }
0xec: {  	[tilespmem:s15+$0x20] =	vst v24;
	v24 =	vmul.f32 v38, v60;
	v60 =	vld [tilespmem:s10+$0xFFFFFEF0]  }
0xed: {  	[tilespmem:s15+$0xFFFFFDE0] =	vst v27;
	v27 =	vld [tilespmem:s16+$0x30];
	v31 =	vmul.f32 v31, v29  }
0xee: {  	v42 =	vld [tilespmem:s16+$0xFFFFFE30];
	[tilespmem:s15+$0xB0] =	vst v24;
	v24 =	vmul.f32 v23, v61  }
0xef: {  	v4 =	vbroadcast v21, $0x1;
	v30 =	vmul.f32 v62, v30;
	v43 =	vld [tilespmem:s16+$0xB0];
	[tilespmem:s15+$0x1F0] =	vst v31  }
0xf0: {  	v21 =	vmul.f32 v18, v9;
	v18 =	vadd.f32 v49, v48;
	v31 =	vmul.f32 v63, v32;
	[tilespmem:s15+$0x140] =	vst v24;
	v44 =	vld [tilespmem:s16+$0x1D0]  }
0xf1: {  	[tilespmem:s15+$0xFFFFFE80] =	vst v30;
	v1 =	vmul.f32 v1, v34;
	v30 =	vld [tilespmem:s16+$0x130]  }
0xf2: {  	v34 =	vmul.f32 $2.000000030e-01, v18;
	v45 =	vld [tilespmem:s16+$0xFFFFFEC0];
	[tilespmem:s15+$0xFFFFFF10] =	vst v31  }
0xf3: {  	vm8 =	vge.f32 v18, $0.0e+00;
	v5 =	vmul.f32 v27, v5;
	[tilespmem:s15+$0xFFFFFFA0] =	vst v1;
	v31 =	vld [tilespmem:s16+$0xFFFFFF40]  }
0xf4: {  	v24 =	vbroadcast v2, $0x1;
	v18 =	vsel vm8, v18, v34;
	v27 =	vmul.f32 v42, v37;
	v46 =	vld [tilespmem:s16+$0xFFFFFFC0]  }
0xf5: {  	v42 =	vld [tilespmem:s17+$0x0];
	v18 =	vmul.f32 $1.442695020e+00, v18;
	[tilespmem:s15+$0x30] =	vst v5;
	v1 =	vmul.f32 v43, v38  }
0xf6: {  	v5 =	vbroadcast v25, $0x1;
	[tilespmem:s15+$0xFFFFFDF0] =	vst v27;
	v27 =	vld [tilespmem:s16+$0x40];
	v2 =	vmul.f32 v44, v29  }
0xf7: {  	(erf) = vpow2.f32 v18;
	v25 =	vld [tilespmem:s16+$0xFFFFFE40];
	[tilespmem:s15+$0xC0] =	vst v1;
	v23 =	vmul.f32 v30, v23  }
0xf8: {  	v18 =	vld [tilespmem:s17+$0x20];
	v1 =	vbroadcast v26, $0x1;
	v26 =	vmul.f32 v45, v24;
	[tilespmem:s15+$0x200] =	vst v2  }
0xf9: {  	[tilespmem:s15+$0x150] =	vst v23;
	v23 =	vld [tilespmem:s16+$0x1E0]  }
0xfa: {  	v2 =	vbroadcast v28, $0x1;
	v28 =	vmul.f32 v31, v5;
	[tilespmem:s15+$0xFFFFFE90] =	vst v26;
	v31 =	vld [tilespmem:s16+$0x140]  }
0xfb: {  	v56 =	vmul.f32 v19, v10;
	v47 =	vld [tilespmem:s16+$0xFFFFFED0]  }
0xfc: {  	v15 =	vadd.f32 v15, v53;
	v27 =	vmul.f32 v27, v2;
	v19 =	vmul.f32 v25, v6;
	v25 =	vld [tilespmem:s17+$0xFFFFFFF0]  }
0xfd: {  	v30 =	vld [tilespmem:s16+$0xC0];
	v26 =	vmul.f32 v46, v1;
	[tilespmem:s15+$0xFFFFFF20] =	vst v28  }
0xfe: {  	v59 =	vmul.f32 $2.000000030e-01, v15;
	v28 =	vld [tilespmem:s16+$0xFFFFFF50];
	[tilespmem:s15+$0x40] =	vst v27  }
0xff: {  	vm9 =	vge.f32 v15, $0.0e+00;
	[tilespmem:s15+$0xFFFFFFB0] =	vst v26;
	v27 =	vld [tilespmem:s16+$0x50];
	v23 =	vmul.f32 v23, v29  }
0x100: {  	v14 =	vmul.f32 v14, v12;
	v15 =	vsel vm9, v15, v59;
	v26 =	vld [tilespmem:s16+$0xFFFFFFD0];
	[tilespmem:s15+$0xFFFFFE00] =	vst v19;
	v31 =	vmul.f32 v31, v3  }
0x101: {  	v15 =	vmul.f32 $1.442695020e+00, v15;
	v32 =	vmul.f32 v47, v24;
	[tilespmem:s15+$0x210] =	vst v23;
	v19 =	vadd.f32 v25, v22;
	v25 =	vld [tilespmem:s18+$0xFFFFFFC0]  }
0x102: {  	vm10 =	vge.f32 v17, $0.0e+00;
	v11 =	vmul.f32 v60, v11;
	v30 =	vmul.f32 v30, v4;
	[tilespmem:s15+$0x160] =	vst v31;
	v23 =	vld [tilespmem:s16+$0x1F0]  }
0x103: {  	(erf) = vpow2.f32 v15;
	v28 =	vmul.f32 v28, v5;
	[tilespmem:s15+$0xFFFFFEA0] =	vst v32;
	v31 =	vadd.f32 v58, v57  }
0x104: {  	v18 =	vadd.f32 v18, v20;
	[tilespmem:s15+$0xD0] =	vst v30;
	v20 =	vld [tilespmem:s16+$0xFFFFFEE0];
	v27 =	vmul.f32 v27, v2;
	v30 =	vmul.f32 $2.000000030e-01, v19  }
0x105: {  	[tilespmem:s14+$0x180] =	vst v56;
	v26 =	vmul.f32 v26, v1;
	vm11 =	vge.f32 v19, $0.0e+00;
	vm13 =	vge.f32 v31, $0.0e+00  }
0x106: {  	v61 =	vld [tilespmem:s16+$0xD0];
	v19 =	vsel vm11, v19, v30;
	[tilespmem:s15+$0x50] =	vst v27;
	v27 =	vmul.f32 $2.000000030e-01, v31;
	v25 =	vadd.f32 v50, v25  }
0x107: {  	v32 =	vld [tilespmem:s10+$0x170];
	[tilespmem:s15+$0xFFFFFF30] =	vst v28;
	v30 =	vmul.f32 $1.442695020e+00, v19;
	v22 =	vmul.f32 v23, v29;
	v29 =	vadd.f32 v42, v41  }
0x108: {  	[tilespmem:s15+$0xFFFFFFC0] =	vst v26;
	v26 =	vld [tilespmem:s16+$0x150];
	v23 =	vmul.f32 $2.000000030e-01, v17;
	v19 =	vsel vm13, v31, v27;
	v27 =	vmul.f32 $2.000000030e-01, v18  }
0x109: {  	s19 =	sadd.s32 $0x10, s20;
	[tilespmem:s14+$0xFFFFFF40] =	vst v14;
	vm14 =	vge.f32 v18, $0.0e+00;
	v15 =	vld [tilespmem:s16+$0xFFFFFF60];
	v20 =	vmul.f32 v20, v24;
	v28 =	vmul.f32 $2.000000030e-01, v29  }
0x10a: {  	p6 =	slt.u32 s19, $0x50910;
	[tilespmem:s14+$0xFFFFFE20] =	vst v16;
	v14 =	vld [tilespmem:s16+$0xFFFFFFE0];
	vm15 =	vge.f32 v25, $0.0e+00;
	v17 =	vsel vm10, v17, v23;
	vm12 =	vge.f32 v29, $0.0e+00  }
0x10b: {  	v23 =	vld [tilespmem:s16+$0xFFFFFE50];
	[tilespmem:s15+$0x220] =	vst v22;
	v17 =	vmul.f32 $1.442695020e+00, v17;
	v16 =	vsel vm12, v29, v28;
	v28 =	vmul.f32 $2.000000030e-01, v25;
	v29 =	vpop (erf)  }
0x10c: {  	s18 =	simm.s32 $0x5C40;
	v31 =	vmul.f32 $1.442695020e+00, v19;
	v27 =	vsel vm14, v18, v27;
	v18 =	vld [tilespmem:s10+$0xFFFFFE70];
	[tilespmem:s15+$0xFFFFFEB0] =	vst v20;
	v19 =	vpsel !p6, $0x0, v29  }
0x10d: {  	s19 =	simm.s32 $0x1B00;
	v33 =	vld [tilespmem:s16+$0xFFFFFEF0];
	v22 =	vmul.f32 $1.442695020e+00, v16;
	(erf) = vpow2.f32 v17;
	v25 =	vsel vm15, v25, v28;
	[tilespmem:s18+$0x230] =	vst v19  }
0x10e: {  	[tilespmem:s14+$0x220] =	vst v51;
	(erf) = vpow2.f32 v30;
	v25 =	vmul.f32 $1.442695020e+00, v25;
	v28 =	vld [tilespmem:s19+$0x180]  }
0x10f: {  	[tilespmem:s14+$0xF0] =	vst v21;
	v27 =	vmul.f32 $1.442695020e+00, v27;
	v16 =	vld [tilespmem:s16+$0x60];
	(erf) = vpow2.f32 v22  }
0x110: {  	[tilespmem:s14+$0xFFFFFFD0] =	vst v54;
	v17 =	vld [tilespmem:s10+$0xFFFFFF70];
	v62 =	vbroadcast v19, $0x0;
	(erf) = vpow2.f32 v25  }
0x111: {  	[tilespmem:s14+$0x60] =	vst v55;
	v29 =	vld [tilespmem:s10+$0xFFFFFFF0];
	v21 =	vmul.f32 v23, v6;
	(erf) = vpow2.f32 v31  }
0x112: {  	[tilespmem:s14+$0xFFFFFEC0] =	vst v11;
	v11 =	vmul.f32 v26, v3;
	v30 =	vld [tilespmem:s10+$0x70];
	v23 =	vmul.f32 v61, v4  }
0x113: {  	v22 =	vpop (erf);
	[tilespmem:s15+$0xFFFFFE10] =	vst v21;
	v31 =	vld [tilespmem:s10+$0xF0];
	(erf) = vpow2.f32 v27;
	v27 =	vmul.f32 v62, v28  }
0x114: {  	[tilespmem:s15+$0xE0] =	vst v23;
	v35 =	vld [tilespmem:s16+$0xFFFFFE60]  }
0x115: {  	v22 =	vpsel !p6, $0x0, v22;
	v25 =	vld [tilespmem:s16+$0xE0];
	[tilespmem:s18+$0x1B0] =	vst v27  }
0x116: {  	[tilespmem:s18+$0xFFFFFED0] =	vst v22;
	v26 =	vpop (erf);
	v23 =	vld [tilespmem:s19+$0x190]  }
0x117: {  	[tilespmem:s15+$0x170] =	vst v11;
	v21 =	vld [tilespmem:s19+$0xFFFFFE80];
	v26 =	vpsel !p6, $0x0, v26;
	v11 =	vpop (erf)  }
0x118: {  	v27 =	vld [tilespmem:s16+$0x160];
	[tilespmem:s18+$0xFFFFFF60] =	vst v26;
	v36 =	vpsel !p6, $0x0, v11;
	v11 =	vpop (erf)  }
0x119: {  	v20 =	vld [tilespmem:s19+$0xFFFFFF00];
	[tilespmem:s18+$0xFFFFFFF0] =	vst v36;
	v37 =	vpsel !p6, $0x0, v11;
	v11 =	vpop (erf)  }
0x11a: {  	[tilespmem:s18+$0x80] =	vst v37;
	v38 =	vpsel !p6, $0x0, v11;
	v11 =	vld [tilespmem:s19+$0xFFFFFF80];
	v28 =	vpop (erf)  }
0x11b: {  	v39 =	vbroadcast v22, $0x0;
	v63 =	vld [tilespmem:s19+$0x0];
	[tilespmem:s18+$0xFFFFFE40] =	vst v38;
	v41 =	vpsel !p6, $0x0, v28;
	v23 =	vmul.f32 v62, v23  }
0x11c: {  	v42 =	vbroadcast v26, $0x0;
	v28 =	vpop (erf);
	v43 =	vld [tilespmem:s19+$0xFFFFFE00];
	[tilespmem:s18+$0x110] =	vst v41  }
0x11d: {  	v21 =	vmul.f32 v39, v21;
	v44 =	vbroadcast v36, $0x0;
	v45 =	vpsel !p6, $0x0, v28;
	v28 =	vld [tilespmem:s19+$0x80];
	[tilespmem:s18+$0x1C0] =	vst v23  }
0x11e: {  	v46 =	vbroadcast v37, $0x0;
	v20 =	vmul.f32 v42, v20;
	[tilespmem:s18+$0x1A0] =	vst v45;
	v23 =	vld [tilespmem:s19+$0x1A0]  }
0x11f: {  	[tilespmem:s18+$0xFFFFFE50] =	vst v21;
	v47 =	vbroadcast v38, $0x0;
	v21 =	vld [tilespmem:s19+$0x100];
	v11 =	vmul.f32 v44, v11  }
0x120: {  	v49 =	vld [tilespmem:s19+$0xFFFFFE90];
	v48 =	vbroadcast v41, $0x0;
	[tilespmem:s18+$0xFFFFFEE0] =	vst v20;
	v20 =	vmul.f32 v46, v63  }
0x121: {  	v53 =	vld [tilespmem:s19+$0xFFFFFF10];
	v52 =	vmul.f32 v47, v43;
	[tilespmem:s18+$0xFFFFFF70] =	vst v11  }
0x122: {  	v50 =	vbroadcast v45, $0x0;
	[tilespmem:s18+$0x0] =	vst v20;
	v11 =	vld [tilespmem:s19+$0xFFFFFF90];
	v20 =	vmul.f32 v48, v28  }
0x123: {  	v28 =	vld [tilespmem:s19+$0x10];
	[tilespmem:s18+$0xFFFFFDC0] =	vst v52;
	v23 =	vmul.f32 v62, v23  }
0x124: {  	v21 =	vmul.f32 v50, v21;
	[tilespmem:s18+$0x90] =	vst v20;
	v20 =	vld [tilespmem:s19+$0xFFFFFE10]  }
0x125: {  	v54 =	vmul.f32 v39, v49;
	[tilespmem:s18+$0x1D0] =	vst v23;
	v23 =	vld [tilespmem:s19+$0x90]  }
0x126: {  	v43 =	vmul.f32 v42, v53;
	[tilespmem:s18+$0x120] =	vst v21;
	v21 =	vld [tilespmem:s19+$0x1B0]  }
0x127: {  	[tilespmem:s18+$0xFFFFFE60] =	vst v54;
	v55 =	vld [tilespmem:s19+$0x110];
	v11 =	vmul.f32 v44, v11  }
0x128: {  	v56 =	vld [tilespmem:s19+$0xFFFFFEA0];
	[tilespmem:s18+$0xFFFFFEF0] =	vst v43;
	v28 =	vmul.f32 v46, v28  }
0x129: {  	v20 =	vmul.f32 v47, v20;
	[tilespmem:s18+$0xFFFFFF80] =	vst v11;
	v11 =	vld [tilespmem:s19+$0xFFFFFF20]  }
0x12a: {  	[tilespmem:s18+$0x10] =	vst v28;
	v28 =	vld [tilespmem:s19+$0xFFFFFFA0];
	v23 =	vmul.f32 v48, v23  }
0x12b: {  	v57 =	vld [tilespmem:s19+$0x20];
	[tilespmem:s18+$0xFFFFFDD0] =	vst v20;
	v20 =	vmul.f32 v21, v62  }
0x12c: {  	v21 =	vmul.f32 v50, v55;
	[tilespmem:s18+$0xA0] =	vst v23;
	v23 =	vld [tilespmem:s19+$0xFFFFFE20]  }
0x12d: {  	v58 =	vmul.f32 v39, v56;
	[tilespmem:s18+$0x1E0] =	vst v20;
	v59 =	vld [tilespmem:s19+$0xA0]  }
0x12e: {  	[tilespmem:s18+$0x130] =	vst v21;
	v20 =	vmul.f32 v42, v11;
	v60 =	vld [tilespmem:s19+$0x1C0]  }
0x12f: {  	[tilespmem:s18+$0xFFFFFE70] =	vst v58;
	v11 =	vbroadcast v22, $0x1;
	v61 =	vld [tilespmem:s19+$0x120];
	v22 =	vmul.f32 v44, v28  }
0x130: {  	v21 =	vmul.f32 v15, v5;
	v15 =	vld [tilespmem:s19+$0xFFFFFEB0];
	v34 =	vmul.f32 v46, v57;
	[tilespmem:s18+$0xFFFFFF00] =	vst v20  }
0x131: {  	v28 =	vbroadcast v19, $0x1;
	v23 =	vmul.f32 v47, v23;
	[tilespmem:s18+$0xFFFFFF90] =	vst v22;
	v51 =	vld [tilespmem:s19+$0xFFFFFF30]  }
0x132: {  	v20 =	vmul.f32 v14, v1;
	[tilespmem:s18+$0x20] =	vst v34;
	v14 =	vld [tilespmem:s19+$0xFFFFFFB0];
	v19 =	vmul.f32 v48, v59  }
0x133: {  	v22 =	vmul.f32 v16, v2;
	v16 =	vld [tilespmem:s19+$0x30];
	[tilespmem:s18+$0xFFFFFDE0] =	vst v23;
	v62 =	vmul.f32 v60, v28  }
0x134: {  	v18 =	vmul.f32 v18, v13;
	v13 =	vmul.f32 v50, v61;
	v63 =	vld [tilespmem:s19+$0xFFFFFE30];
	[tilespmem:s18+$0xB0] =	vst v19  }
0x135: {  	v8 =	vmul.f32 v30, v8;
	v15 =	vmul.f32 v15, v39;
	v49 =	vld [tilespmem:s19+$0xB0];
	[tilespmem:s18+$0x1F0] =	vst v62  }
0x136: {  	v19 =	vmul.f32 v17, v12;
	[tilespmem:s18+$0x140] =	vst v13;
	v17 =	vmul.f32 v51, v42;
	v34 =	vld [tilespmem:s19+$0x1D0]  }
0x137: {  	v12 =	vbroadcast v26, $0x1;
	[tilespmem:s18+$0xFFFFFE80] =	vst v15;
	v26 =	vld [tilespmem:s19+$0x130];
	v14 =	vmul.f32 v14, v44  }
0x138: {  	v9 =	vmul.f32 v31, v9;
	v52 =	vld [tilespmem:s19+$0xFFFFFEC0];
	v15 =	vmul.f32 v16, v46;
	[tilespmem:s18+$0xFFFFFF10] =	vst v17  }
0x139: {  	v23 =	vmul.f32 v35, v6;
	v16 =	vmul.f32 v63, v47;
	v53 =	vld [tilespmem:s19+$0xFFFFFF40];
	[tilespmem:s18+$0xFFFFFFA0] =	vst v14  }
0x13a: {  	v13 =	vbroadcast v36, $0x1;
	[tilespmem:s18+$0x30] =	vst v15;
	v54 =	vld [tilespmem:s19+$0xFFFFFFC0];
	v35 =	vmul.f32 v49, v48  }
0x13b: {  	v17 =	vbroadcast v38, $0x1;
	v55 =	vld [tilespmem:s19+$0x40];
	[tilespmem:s18+$0xFFFFFDF0] =	vst v16;
	v34 =	vmul.f32 v34, v28  }
0x13c: {  	v14 =	vbroadcast v37, $0x1;
	v57 =	vmul.f32 v26, v50;
	v56 =	vld [tilespmem:s19+$0xFFFFFE40];
	[tilespmem:s18+$0xC0] =	vst v35  }
0x13d: {  	v15 =	vbroadcast v41, $0x1;
	v36 =	vmul.f32 v52, v11;
	v58 =	vld [tilespmem:s19+$0xC0];
	[tilespmem:s18+$0x200] =	vst v34  }
0x13e: {  	v26 =	vmul.f32 v25, v4;
	[tilespmem:s18+$0x150] =	vst v57;
	v59 =	vmul.f32 v53, v12;
	v60 =	vld [tilespmem:s19+$0x1E0]  }
0x13f: {  	v25 =	vmul.f32 v33, v24;
	[tilespmem:s18+$0xFFFFFE90] =	vst v36;
	v33 =	vld [tilespmem:s19+$0x140];
	v61 =	vmul.f32 v54, v13  }
0x140: {  	v24 =	vmul.f32 v29, v7;
	v29 =	vld [tilespmem:s19+$0xFFFFFED0];
	v62 =	vmul.f32 v55, v14;
	[tilespmem:s18+$0xFFFFFF20] =	vst v59  }
0x141: {  	v16 =	vbroadcast v45, $0x1;
	v63 =	vmul.f32 v56, v17;
	v30 =	vld [tilespmem:s19+$0xFFFFFF50];
	[tilespmem:s18+$0xFFFFFFB0] =	vst v61  }
0x142: {  	v7 =	vmul.f32 v32, v10;
	[tilespmem:s18+$0x40] =	vst v62;
	v10 =	vld [tilespmem:s19+$0xFFFFFFD0];
	v34 =	vmul.f32 v58, v15  }
0x143: {  	s4 =	simm.s32 $0x1B00;
	s8 =	simm.s32 $0x10;
	s9 =	simm.s32 $0x2C0;
	v27 =	vmul.f32 v27, v3;
	v31 =	vld [tilespmem:s19+$0x50];
	[tilespmem:s18+$0xFFFFFE00] =	vst v63;
	v32 =	vmul.f32 v60, v28  }
.LBB2_5:
0x144: {  	v35 =	vld [tilespmem:s9+$0x30];
	[tilespmem:s18+$0xD0] =	vst v34;
	v33 =	vmul.f32 v33, v16;
	s17 =	sadd.s32 $0x80, s17  }
0x145: {  	v34 =	vld [tilespmem:s17+$0x30];
	v29 =	vmul.f32 v29, v11;
	[tilespmem:s18+$0x210] =	vst v32  }
0x146: {  	v30 =	vmul.f32 v30, v12;
	[tilespmem:s18+$0x160] =	vst v33;
	v32 =	vld [tilespmem:s19+$0x1F0]  }
0x147: {  	v33 =	vld [tilespmem:s17+$0xFFFFFFC0];
	[tilespmem:s18+$0xFFFFFEA0] =	vst v29;
	v10 =	vmul.f32 v10, v13  }
0x148: {  	v29 =	vld [tilespmem:s9+$0xFFFFFFD0];
	[tilespmem:s18+$0xFFFFFF30] =	vst v30;
	v30 =	vmul.f32 v31, v14  }
0x149: {  	v31 =	vld [tilespmem:s17+$0xFFFFFFD0];
	[tilespmem:s18+$0xFFFFFFC0] =	vst v10  }
0x14a: {  	v10 =	vld [tilespmem:s9+$0xFFFFFFE0];
	[tilespmem:s18+$0x50] =	vst v30  }
0x14b: {  	v34 =	vadd.f32 v34, v35;
	v30 =	vld [tilespmem:s17+$0xFFFFFFE0];
	v28 =	vmul.f32 v32, v28;
	[tilespmem:s15+$0xFFFFFE20] =	vst v23  }
0x14c: {  	v23 =	vld [tilespmem:s9+$0xFFFFFFF0];
	[tilespmem:s15+$0xFFFFFF40] =	vst v21  }
0x14d: {  	v32 =	vmul.f32 $2.000000030e-01, v34;
	v21 =	vld [tilespmem:s17+$0xFFFFFFF0];
	[tilespmem:s18+$0x220] =	vst v28  }
0x14e: {  	vm0 =	vge.f32 v34, $0.0e+00;
	v28 =	vadd.f32 v31, v29;
	v29 =	vld [tilespmem:s9+$0x0];
	[tilespmem:s15+$0xFFFFFFD0] =	vst v20  }
0x14f: {  	v31 =	vsel vm0, v34, v32;
	v20 =	vld [tilespmem:s17+$0x0];
	[tilespmem:s15+$0x60] =	vst v22  }
0x150: {  	v31 =	vmul.f32 $1.442695020e+00, v31;
	v22 =	vmul.f32 $2.000000030e-01, v28;
	v10 =	vadd.f32 v30, v10;
	v30 =	vld [tilespmem:s9+$0x10];
	[tilespmem:s15+$0xF0] =	vst v26  }
0x151: {  	vm0 =	vge.f32 v28, $0.0e+00;
	v26 =	vld [tilespmem:s17+$0x10];
	[tilespmem:s15+$0x180] =	vst v27  }
0x152: {  	v27 =	vmul.f32 $2.000000030e-01, v10;
	v21 =	vadd.f32 v21, v23;
	v23 =	vld [tilespmem:s9+$0x20];
	(erf) = vpow2.f32 v31;
	[tilespmem:s14+$0xFFFFFE30] =	vst v18  }
0x153: {  	v18 =	vsel vm0, v28, v22;
	vm0 =	vge.f32 v10, $0.0e+00;
	v22 =	vld [tilespmem:s17+$0x20];
	[tilespmem:s15+$0xFFFFFEC0] =	vst v25  }
0x154: {  	v25 =	vld [tilespmem:s9+$0xFFFFFFC0];
	vm1 =	vge.f32 v21, $0.0e+00;
	v28 =	vmul.f32 $2.000000030e-01, v21;
	v20 =	vadd.f32 v20, v29;
	[tilespmem:s14+$0xFFFFFF50] =	vst v19  }
0x155: {  	v18 =	vmul.f32 $1.442695020e+00, v18;
	v10 =	vsel vm0, v10, v27;
	v19 =	vld [tilespmem:s19+$0xFFFFFE50];
	[tilespmem:s14+$0xFFFFFFE0] =	vst v24  }
0x156: {  	vm0 =	vge.f32 v20, $0.0e+00;
	v24 =	vmul.f32 $2.000000030e-01, v20;
	v26 =	vadd.f32 v26, v30;
	v27 =	vld [tilespmem:s19+$0xD0];
	[tilespmem:s14+$0x70] =	vst v8  }
0x157: {  	v8 =	vmul.f32 $1.442695020e+00, v10;
	v10 =	vsel vm1, v21, v28;
	(erf) = vpow2.f32 v18;
	v18 =	vld [tilespmem:s19+$0x150];
	[tilespmem:s14+$0x100] =	vst v9  }
0x158: {  	s8 =	sadd.s32 $0x8, s8;
	vm1 =	vge.f32 v26, $0.0e+00;
	v9 =	vmul.f32 $2.000000030e-01, v26;
	v21 =	vadd.f32 v22, v23;
	v22 =	vld [tilespmem:s19+$0xFFFFFEE0];
	[tilespmem:s14+$0x190] =	vst v7;
	s14 =	smov.u32 s15;
	s15 =	smov.u32 s18  }
0x159: {  	s10 =	sadd.s32 s20, s8;
	v23 =	vmul.f32 $1.442695020e+00, v10;
	v29 =	vsel vm0, v20, v24;
	v7 =	vadd.f32 v33, v25;
	v20 =	vld [tilespmem:s19+$0xFFFFFF60]  }
0x15a: {  	p0 =	slt.u32 s8, $0x78;
	p1 =	slt.u32 s10, $0x50910;
	v9 =	vsel vm1, v26, v9;
	vm0 =	vge.f32 v21, $0.0e+00;
	v24 =	vmul.f32 $2.000000030e-01, v21;
	v25 =	vld [tilespmem:s19+$0xFFFFFFE0]  }
0x15b: {  	v28 =	vmul.f32 $1.442695020e+00, v29;
	vm1 =	vge.f32 v7, $0.0e+00;
	v26 =	vmul.f32 $2.000000030e-01, v7;
	v10 =	vpop (erf);
	v30 =	vld [tilespmem:s19+$0x60]  }
0x15c: {  	s18 =	sadd.s32 $0x480, s18;
	v9 =	vmul.f32 $1.442695020e+00, v9;
	v21 =	vsel vm0, v21, v24;
	v10 =	vpsel !p1, $0x0, v10;
	v24 =	vld [tilespmem:s16+$0xFFFFFE70]  }
0x15d: {  	s19 =	sadd.s32 $0x400, s19;
	v7 =	vsel vm1, v7, v26;
	v21 =	vmul.f32 $1.442695020e+00, v21;
	[tilespmem:s18+$0x230] =	vst v10;
	(erf) = vpow2.f32 v8;
	v8 =	vld [tilespmem:s16+$0xFFFFFF70]  }
0x15e: {  	v29 =	vmul.f32 $1.442695020e+00, v7;
	v26 =	vld [tilespmem:s19+$0x180];
	(erf) = vpow2.f32 v23  }
0x15f: {  	v19 =	vmul.f32 v19, v17;
	(erf) = vpow2.f32 v28;
	v36 =	vld [tilespmem:s16+$0xFFFFFFF0]  }
0x160: {  	v23 =	vmul.f32 v27, v15;
	(erf) = vpow2.f32 v29;
	v7 =	vpop (erf);
	v37 =	vld [tilespmem:s16+$0x70]  }
0x161: {  	v28 =	vbroadcast v10, $0x0;
	v7 =	vpsel !p1, $0x0, v7;
	(erf) = vpow2.f32 v9;
	[tilespmem:s15+$0xFFFFFE10] =	vst v19;
	v9 =	vld [tilespmem:s16+$0xF0]  }
0x162: {  	[tilespmem:s18+$0xFFFFFED0] =	vst v7;
	v29 =	vbroadcast v7, $0x0;
	(erf) = vpow2.f32 v21;
	v19 =	vld [tilespmem:s4+$0xFFFFFE60]  }
0x163: {  	v7 =	vbroadcast v7, $0x1;
	v27 =	vld [tilespmem:s19+$0xFFFFFE80];
	v21 =	vmul.f32 v28, v26;
	[tilespmem:s15+$0xE0] =	vst v23  }
0x164: {  	v18 =	vmul.f32 v18, v16;
	v26 =	vmul.f32 v22, v11;
	v38 =	vld [tilespmem:s4+$0xE0]  }
0x165: {  	[tilespmem:s18+$0x1B0] =	vst v21;
	v21 =	vmul.f32 v20, v12;
	v20 =	vmul.f32 v25, v13;
	v39 =	vld [tilespmem:s16+$0x170];
	s16 =	smov.u32 s4;
	s4 =	smov.u32 s19  }
0x166: {  	v22 =	vmul.f32 v30, v14;
	v25 =	vld [tilespmem:s19+$0x190];
	v23 =	vpop (erf);
	[tilespmem:s15+$0x170] =	vst v18;
	v18 =	vmul.f32 v24, v6;
	v6 =	vmov v17  }
0x167: {  	v32 =	vpsel !p1, $0x0, v23;
	v24 =	vpop (erf);
	v23 =	vmul.f32 v19, v6;
	[tilespmem:s15+$0xFFFFFEB0] =	vst v26;
	v40 =	vld [tilespmem:s16+$0x160];
	v19 =	vmul.f32 v8, v5  }
0x168: {  	v8 =	vmul.f32 v29, v27;
	[tilespmem:s18+$0xFFFFFF60] =	vst v32;
	v30 =	vbroadcast v32, $0x0;
	v33 =	vpsel !p1, $0x0, v24;
	v24 =	vpop (erf);
	v41 =	vld [tilespmem:s16+$0xFFFFFEF0]  }
0x169: {  	v26 =	vbroadcast v32, $0x1;
	v27 =	vld [tilespmem:s19+$0xFFFFFF00];
	[tilespmem:s18+$0xFFFFFFF0] =	vst v33;
	v31 =	vbroadcast v33, $0x0;
	v24 =	vpsel !p1, $0x0, v24;
	v17 =	vpop (erf)  }
0x16a: {  	v42 =	vbroadcast v33, $0x1;
	v17 =	vpsel !p1, $0x0, v17;
	v43 =	vld [tilespmem:s19+$0xFFFFFF80];
	[tilespmem:s18+$0x80] =	vst v24;
	v32 =	vbroadcast v24, $0x0;
	v5 =	vpop (erf)  }
0x16b: {  	[tilespmem:s18+$0xFFFFFE40] =	vst v17;
	v33 =	vbroadcast v17, $0x0;
	v44 =	vld [tilespmem:s19+$0x0];
	v45 =	vpsel !p1, $0x0, v5;
	v25 =	vmul.f32 v28, v25;
	v5 =	vpop (erf)  }
0x16c: {  	v17 =	vbroadcast v17, $0x1;
	v46 =	vld [tilespmem:s19+$0xFFFFFE00];
	[tilespmem:s18+$0x110] =	vst v45;
	v35 =	vbroadcast v45, $0x0;
	v47 =	vpsel !p1, $0x0, v5;
	v5 =	vmovc v12;
	v12 =	vmovc v26  }
0x16d: {  	v48 =	vbroadcast v24, $0x1;
	v24 =	vld [tilespmem:s19+$0x80];
	v34 =	vbroadcast v47, $0x0;
	[tilespmem:s18+$0x1C0] =	vst v25  }
0x16e: {  	v45 =	vbroadcast v45, $0x1;
	v25 =	vmul.f32 v30, v27;
	[tilespmem:s18+$0x1A0] =	vst v47;
	v49 =	vld [tilespmem:s19+$0x1A0]  }
0x16f: {  	[tilespmem:s18+$0xFFFFFE50] =	vst v8;
	v8 =	vmul.f32 v31, v43;
	v43 =	vbroadcast v47, $0x1;
	v47 =	vld [tilespmem:s19+$0x100]  }
0x170: {  	v26 =	vmul.f32 v38, v15;
	v50 =	vld [tilespmem:s19+$0xFFFFFE90];
	[tilespmem:s18+$0xFFFFFEE0] =	vst v25;
	v25 =	vmul.f32 v32, v44  }
0x171: {  	v27 =	vmul.f32 v40, v16;
	v38 =	vmul.f32 v33, v46;
	v44 =	vld [tilespmem:s19+$0xFFFFFF10];
	[tilespmem:s18+$0xFFFFFF70] =	vst v8  }
0x172: {  	v40 =	vld [tilespmem:s19+$0xFFFFFF90];
	[tilespmem:s18+$0x0] =	vst v25;
	v8 =	vmul.f32 v35, v24;
	v25 =	vmul.f32 v41, v11;
	v11 =	vmov v7  }
0x173: {  	v24 =	vmul.f32 v36, v1;
	v1 =	vmovc v13;
	v13 =	vmov v42;
	[tilespmem:s18+$0xFFFFFDC0] =	vst v38;
	v38 =	vld [tilespmem:s19+$0x10];
	v7 =	vmul.f32 v28, v49  }
0x174: {  	v36 =	vld [tilespmem:s19+$0xFFFFFE10];
	[tilespmem:s18+$0x90] =	vst v8;
	v41 =	vmul.f32 v34, v47;
	v8 =	vmul.f32 v37, v2;
	v2 =	vmovc v14;
	v14 =	vmov v48  }
0x175: {  	v9 =	vmul.f32 v9, v4;
	v4 =	vmovc v15;
	v15 =	vmov v45;
	v37 =	vmul.f32 v29, v50;
	v42 =	vld [tilespmem:s19+$0x90];
	[tilespmem:s18+$0x1D0] =	vst v7  }
0x176: {  	v7 =	vmul.f32 v39, v3;
	v3 =	vmovc v16;
	v16 =	vmov v43;
	v44 =	vmul.f32 v30, v44;
	[tilespmem:s18+$0x120] =	vst v41;
	v41 =	vld [tilespmem:s19+$0x1B0]  }
0x177: {  	[tilespmem:s18+$0xFFFFFE60] =	vst v37;
	v37 =	vmul.f32 v31, v40;
	v39 =	vld [tilespmem:s19+$0x110]  }
0x178: {  	v40 =	vld [tilespmem:s19+$0xFFFFFEA0];
	[tilespmem:s18+$0xFFFFFEF0] =	vst v44;
	v38 =	vmul.f32 v32, v38  }
0x179: {  	v36 =	vmul.f32 v33, v36;
	v43 =	vld [tilespmem:s19+$0xFFFFFF20];
	[tilespmem:s18+$0xFFFFFF80] =	vst v37  }
0x17a: {  	v37 =	vld [tilespmem:s19+$0xFFFFFFA0];
	[tilespmem:s18+$0x10] =	vst v38;
	v38 =	vmul.f32 v35, v42  }
0x17b: {  	[tilespmem:s18+$0xFFFFFDD0] =	vst v36;
	v36 =	vld [tilespmem:s19+$0x20];
	v28 =	vmul.f32 v41, v28  }
0x17c: {  	v41 =	vld [tilespmem:s19+$0xFFFFFE20];
	[tilespmem:s18+$0xA0] =	vst v38;
	v38 =	vmul.f32 v34, v39  }
0x17d: {  	v39 =	vmul.f32 v29, v40;
	v40 =	vld [tilespmem:s19+$0xA0];
	[tilespmem:s18+$0x1E0] =	vst v28  }
0x17e: {  	v28 =	vmul.f32 v30, v43;
	[tilespmem:s18+$0x130] =	vst v38;
	v38 =	vld [tilespmem:s19+$0x1C0]  }
0x17f: {  	[tilespmem:s18+$0xFFFFFE70] =	vst v39;
	v37 =	vmul.f32 v31, v37;
	v39 =	vld [tilespmem:s19+$0x120]  }
0x180: {  	v42 =	vld [tilespmem:s19+$0xFFFFFEB0];
	[tilespmem:s18+$0xFFFFFF00] =	vst v28;
	v36 =	vmul.f32 v32, v36  }
0x181: {  	v28 =	vbroadcast v10, $0x1;
	v41 =	vmul.f32 v33, v41;
	v43 =	vld [tilespmem:s19+$0xFFFFFF30];
	[tilespmem:s18+$0xFFFFFF90] =	vst v37  }
0x182: {  	v10 =	vld [tilespmem:s19+$0xFFFFFFB0];
	[tilespmem:s18+$0x20] =	vst v36;
	v36 =	vmul.f32 v35, v40  }
0x183: {  	[tilespmem:s18+$0xFFFFFDE0] =	vst v41;
	v37 =	vld [tilespmem:s19+$0x30];
	v38 =	vmul.f32 v38, v28  }
0x184: {  	v40 =	vld [tilespmem:s19+$0xFFFFFE30];
	[tilespmem:s18+$0xB0] =	vst v36;
	v36 =	vmul.f32 v34, v39  }
0x185: {  	v29 =	vmul.f32 v42, v29;
	v39 =	vld [tilespmem:s19+$0xB0];
	[tilespmem:s18+$0x1F0] =	vst v38  }
0x186: {  	v30 =	vmul.f32 v43, v30;
	[tilespmem:s18+$0x140] =	vst v36;
	v36 =	vld [tilespmem:s19+$0x1D0]  }
0x187: {  	[tilespmem:s18+$0xFFFFFE80] =	vst v29;
	v10 =	vmul.f32 v10, v31;
	v29 =	vld [tilespmem:s19+$0x130]  }
0x188: {  	v31 =	vld [tilespmem:s19+$0xFFFFFEC0];
	[tilespmem:s18+$0xFFFFFF10] =	vst v30;
	v30 =	vmul.f32 v37, v32  }
0x189: {  	v32 =	vmul.f32 v40, v33;
	v33 =	vld [tilespmem:s19+$0xFFFFFF40];
	[tilespmem:s18+$0xFFFFFFA0] =	vst v10  }
0x18a: {  	v10 =	vld [tilespmem:s19+$0xFFFFFFC0];
	[tilespmem:s18+$0x30] =	vst v30;
	v30 =	vmul.f32 v39, v35  }
0x18b: {  	[tilespmem:s18+$0xFFFFFDF0] =	vst v32;
	v32 =	vld [tilespmem:s19+$0x40];
	v35 =	vmul.f32 v36, v28  }
0x18c: {  	v36 =	vld [tilespmem:s19+$0xFFFFFE40];
	[tilespmem:s18+$0xC0] =	vst v30;
	v29 =	vmul.f32 v29, v34  }
0x18d: {  	v30 =	vmul.f32 v31, v11;
	v31 =	vld [tilespmem:s19+$0xC0];
	[tilespmem:s18+$0x200] =	vst v35  }
0x18e: {  	v34 =	vmul.f32 v33, v12;
	[tilespmem:s18+$0x150] =	vst v29;
	v35 =	vld [tilespmem:s19+$0x1E0]  }
.Ltmp1:
0x18f: {  	[tilespmem:s18+$0xFFFFFE90] =	vst v30;
	v10 =	vmul.f32 v10, v13;
	v33 =	vld [tilespmem:s19+$0x140];
	(pc) =	sbr.rel @p0 .LBB2_5-.Ltmp1, $4  }
0x190: {  	v29 =	vld [tilespmem:s19+$0xFFFFFED0];
	[tilespmem:s18+$0xFFFFFF20] =	vst v34;
	v32 =	vmul.f32 v32, v14  }
0x191: {  	v36 =	vmul.f32 v36, v17;
	v30 =	vld [tilespmem:s19+$0xFFFFFF50];
	[tilespmem:s18+$0xFFFFFFB0] =	vst v10  }
0x192: {  	v10 =	vld [tilespmem:s19+$0xFFFFFFD0];
	[tilespmem:s18+$0x40] =	vst v32;
	v34 =	vmul.f32 v31, v15  }
0x193: {  	s9 =	sadd.s32 $0x80, s9;
	[tilespmem:s18+$0xFFFFFE00] =	vst v36;
	v31 =	vld [tilespmem:s19+$0x50];
	v32 =	vmul.f32 v35, v28  }
0x194: {  	[tilespmem:s18+$0xD0] =	vst v34  }
0x195: {  	[tilespmem:s15+$0xFFFFFE20] =	vst v23  }
0x196: {  	[tilespmem:s15+$0xFFFFFF40] =	vst v21  }
0x197: {  	[tilespmem:s15+$0xFFFFFFD0] =	vst v20  }
0x198: {  	[tilespmem:s15+$0x60] =	vst v22  }
0x199: {  	[tilespmem:s15+$0xF0] =	vst v26  }
0x19a: {  	[tilespmem:s15+$0x180] =	vst v27  }
0x19b: {  	[tilespmem:s14+$0xFFFFFE30] =	vst v18  }
0x19c: {  	[tilespmem:s15+$0xFFFFFEC0] =	vst v25  }
0x19d: {  	[tilespmem:s14+$0xFFFFFF50] =	vst v19  }
0x19e: {  	[tilespmem:s14+$0xFFFFFFE0] =	vst v24  }
0x19f: {  	[tilespmem:s14+$0x70] =	vst v8  }
0x1a0: {  	[tilespmem:s14+$0x100] =	vst v9  }
0x1a1: {  	v33 =	vmul.f32 v33, v16;
	v42 =	vld [tilespmem:s19+$0xFFFFFE50];
	[tilespmem:s14+$0x190] =	vst v7  }
0x1a2: {  	v29 =	vmul.f32 v29, v11;
	[tilespmem:s18+$0x210] =	vst v32;
	v43 =	vld [tilespmem:s19+$0xD0]  }
0x1a3: {  	v53 =	vld [tilespmem:s16+$0xFFFFFE70];
	v30 =	vmul.f32 v30, v12;
	[tilespmem:s18+$0x160] =	vst v33  }
0x1a4: {  	v54 =	vld [tilespmem:s16+$0xFFFFFF70];
	[tilespmem:s18+$0xFFFFFEA0] =	vst v29;
	v10 =	vmul.f32 v10, v13  }
0x1a5: {  	v55 =	vld [tilespmem:s16+$0xFFFFFFF0];
	[tilespmem:s18+$0xFFFFFF30] =	vst v30;
	v40 =	vmul.f32 v31, v14  }
0x1a6: {  	v56 =	vld [tilespmem:s16+$0x70];
	[tilespmem:s18+$0xFFFFFFC0] =	vst v10;
	v10 =	vmul.f32 v42, v17  }
0x1a7: {  	v57 =	vld [tilespmem:s16+$0xF0];
	[tilespmem:s18+$0x50] =	vst v40;
	v18 =	vmul.f32 v43, v15  }
0x1a8: {  	v44 =	vld [tilespmem:s19+$0x150];
	v6 =	vmul.f32 v53, v6;
	[tilespmem:s18+$0xFFFFFE10] =	vst v10  }
0x1a9: {  	v58 =	vld [tilespmem:s16+$0x170];
	v5 =	vmul.f32 v54, v5;
	[tilespmem:s18+$0xE0] =	vst v18  }
0x1aa: {  	v45 =	vld [tilespmem:s19+$0xFFFFFEE0];
	v1 =	vmul.f32 v55, v1;
	[tilespmem:s15+$0xFFFFFE30] =	vst v6  }
0x1ab: {  	v46 =	vld [tilespmem:s19+$0xFFFFFF60];
	v2 =	vmul.f32 v56, v2;
	[tilespmem:s15+$0xFFFFFF50] =	vst v5  }
0x1ac: {  	v47 =	vld [tilespmem:s19+$0xFFFFFFE0];
	v4 =	vmul.f32 v57, v4;
	[tilespmem:s15+$0xFFFFFFE0] =	vst v1  }
0x1ad: {  	v48 =	vld [tilespmem:s19+$0x60];
	v20 =	vmul.f32 v44, v16;
	[tilespmem:s15+$0x70] =	vst v2  }
0x1ae: {  	v3 =	vmul.f32 v58, v3;
	v10 =	vld [tilespmem:s4+$0xFFFFFE60];
	[tilespmem:s15+$0x100] =	vst v4  }
0x1af: {  	v49 =	vmul.f32 v45, v11;
	v50 =	vld [tilespmem:s4+$0xE0];
	[tilespmem:s18+$0x170] =	vst v20  }
0x1b0: {  	[tilespmem:s15+$0x190] =	vst v3;
	v8 =	vmul.f32 v46, v12;
	v52 =	vld [tilespmem:s4+$0x160]  }
0x1b1: {  	v32 =	vld [tilespmem:s19+$0x1F0];
	[tilespmem:s18+$0xFFFFFEB0] =	vst v49;
	v9 =	vmul.f32 v47, v13  }
0x1b2: {  	v18 =	vld [tilespmem:s4+$0xFFFFFEF0];
	v21 =	vmul.f32 v48, v14;
	[tilespmem:s18+$0xFFFFFF40] =	vst v8  }
0x1b3: {  	v51 =	vmul.f32 v10, v17;
	[tilespmem:s18+$0xFFFFFFD0] =	vst v9;
	v61 =	vld [tilespmem:s4+$0xFFFFFF70]  }
0x1b4: {  	v19 =	vmul.f32 v50, v15;
	[tilespmem:s18+$0x60] =	vst v21;
	v62 =	vld [tilespmem:s4+$0xFFFFFFF0]  }
0x1b5: {  	[tilespmem:s18+$0xFFFFFE20] =	vst v51;
	v1 =	vld [tilespmem:s4+$0x70];
	v10 =	vmul.f32 v52, v16  }
0x1b6: {  	v41 =	vmul.f32 v32, v28;
	[tilespmem:s18+$0xF0] =	vst v19;
	v60 =	vld [tilespmem:s4+$0xFFFFFE70]  }
0x1b7: {  	v59 =	vmul.f32 v18, v11;
	v2 =	vld [tilespmem:s4+$0xF0];
	[tilespmem:s18+$0x180] =	vst v10  }
0x1b8: {  	[tilespmem:s18+$0x220] =	vst v41;
	v3 =	vmul.f32 v61, v12;
	v63 =	vld [tilespmem:s4+$0x170]  }
0x1b9: {  	[tilespmem:s18+$0xFFFFFEC0] =	vst v59;
	v5 =	vmul.f32 v62, v13  }
0x1ba: {  	v1 =	vmul.f32 v1, v14;
	[tilespmem:s18+$0xFFFFFF50] =	vst v3  }
0x1bb: {  	v6 =	vmul.f32 v60, v17;
	[tilespmem:s18+$0xFFFFFFE0] =	vst v5  }
0x1bc: {  	v2 =	vmul.f32 v2, v15;
	[tilespmem:s18+$0x70] =	vst v1  }
0x1bd: {  	s0 =	sadd.s32 $0x1, s0;
	[tilespmem:s18+$0xFFFFFE30] =	vst v6;
	v3 =	vmul.f32 v63, v16  }
0x1be: {  	p0 =	sne.s32 s0, $0x51;
	[tilespmem:s18+$0x100] =	vst v2  }
.Ltmp2:
0x1bf: {  	[tilespmem:s18+$0x190] =	vst v3;
	(pc) =	sbr.rel @p0 .LBB2_4-.Ltmp2, $4  }
0x1c0: {  	[spmem:s2] =	stream.indirect.scatter.add.f32 [tilespmem:s21], [sflag:$0x4], $0x90, s23, s23, $0xb8;
	[tilespmem:$0x1FB60] =	vst v63  }
0x1c1: {  	_ =	swait.ge [sflag:s22], $0x4800  }
0x1c2: {  	[sflag:s22] =	ssyncset.done $0x0  }
0x1c3: {  	s20 =	sadd.s32 $0x80, s20;
	[sflag:s22] =	ssyncadd.s32 $0xFFFFB800  }
0x1c4: {  	s0 =	stileid.u32  }
0x1c5: {  	[bflag:$0x0] =	sbarrier.arrive $0xFFFF;
	s0 =	sshll.u32 s0, $0x6  }
0x1c6: {  	s4 =	sshrl.u32 s11, $0x3;
	s8 =	rddreg [dreg:$0x7];
	s0 =	sor.u32 $0x1C04, s0  }
0x1c7: {  	[hbm:s8], [sflag:s0] =	dma.local [spmem:s4], $0x8DC  }
0x1c8: {  	_ =	swait.ge [sflag:s22], $0x8DC  }
0x1c9: {  	s10 =	smov.u32 s11;
	[sflag:s22] =	ssyncset.done $0x0  }
0x1ca: {  	s9 =	sshrl.u32 s12, $0x3;
	s11 =	rddreg [dreg:$0x8];
	[sflag:s22] =	ssyncadd.s32 $0xFFFFF724  }
0x1cb: {  	[hbm:s11], [sflag:s0] =	dma.local [spmem:s9], $0x8DC  }
0x1cc: {  	_ =	swait.ge [sflag:s22], $0x8DC  }
0x1cd: {  	s20 =	smov.u32 s12;
	[sflag:s22] =	ssyncset.done $0x0;
	s12 =	rddreg [dreg:$0x4]  }
0x1ce: {  	s14 =	rddreg [dreg:$0x9];
	[sflag:s22] =	ssyncadd.s32 $0xFFFFF724;
	s4 =	sshrl.u32 s12, $0x3  }
0x1cf: {  	[hbm:s14], [sflag:s0] =	dma.local [spmem:s4], $0x8DC  }
0x1d0: {  	_ =	swait.ge [sflag:s22], $0x8DC  }
0x1d1: {  	[sflag:s22] =	ssyncset.done $0x0;
	s15 =	rddreg [dreg:$0x5]  }
0x1d2: {  	s16 =	rddreg [dreg:$0xa];
	[sflag:s22] =	ssyncadd.s32 $0xFFFFF724;
	s4 =	sshrl.u32 s15, $0x3  }
0x1d3: {  	[hbm:s16], [sflag:s0] =	dma.local [spmem:s4], $0x8DC  }
0x1d4: {  	_ =	swait.ge [sflag:s22], $0x8DC  }
0x1d5: {  	[sflag:s22] =	ssyncset.done $0x0;
	s17 =	rddreg [dreg:$0x6]  }
0x1d6: {  	s18 =	rddreg [dreg:$0xb];
	[sflag:s22] =	ssyncadd.s32 $0xFFFFF724;
	s4 =	sshrl.u32 s17, $0x3  }
0x1d7: {  	[hbm:s18], [sflag:s0] =	dma.local [spmem:s4], $0x8DC  }
0x1d8: {  	_ =	swait.ge [sflag:s22], $0x8DC  }
0x1d9: {  	s31 =	sadd.s32 $0x1, s31;
	s19 =	rddreg [dreg:$0xc]  }
0x1da: {  	p0 =	sne.s32 s31, s19  }
.Ltmp3:
0x1db: {  	_ = 	snop;
	(pc) =	sbr.rel @p0 .LBB2_1-.Ltmp3, $3  }
0x1dc: {  	_ =	sdelay $0x1  }
0x1dd: {  	[sflag:s22] =	ssyncset.done $0x0  }
0x1de: {  	[sflag:s22] =	ssyncadd.s32 $0xFFFFF724  }
0x1df: {  	_ =	sfence.sel $0x180000  }
0x1e0: {  	[bflag:$0x0] =	sbarrier.arrive $0xFFFF  }
0x1e1: {  	_ =	strace $0x90000047  }
0x1e2: {  	s0 =	stileid.u32;
	[bflag:$0x2] =	sbarrier.arrive $0xFFFF  }
0x1e3: {  	p0 =	sne.s32 s0, $0x0;
	s0 =	rddreg [dreg:$0x3]  }
0x1e4: {  	s0 =	sadd.s32 @!p0 $0x100000, s0  }
0x1e5: {  	[sflag:s0] =	ssyncadd.tile.s32 @!p0 $0x1;
	_ =	shalt  }
.Lfunc_end2:
_tile_overlayer_lowered:
.L_overlay_start_2:
0x1e6: {  	(tag) =	ssettag $0x2  }
0x1e7: {  	s0 =	rddreg [dreg:$0x0];
	s2 =	stileid.u32  }
0x1e8: {  	s1 =	rddreg [dreg:$0x1];
	p0 =	sne.s32 s2, $0x0  }
0x1e9: {  	s3 =	rddreg [dreg:$0x2];
	[bflag:$0x3] =	sbarrier.arrive $0xFFFF;
	s2 =	simm.s32 @!p0 $0x1C04  }
0x1ea: {  	[timem:s3], [sflag:s2] =	dma.local @!p0 [hbm:s0], s1  }
0x1eb: {  	s0 =	simm.s32 @!p0 $0x4  }
0x1ec: {  	_ =	swait.ge @!p0 [sflag:s0], s1  }
0x1ed: {  	s1 =	ssub.s32 @!p0 $0x0, s1;
	[sflag:s0] =	ssyncset.done @!p0 $0x0  }
0x1ee: {  	[sflag:s0] =	ssyncadd.s32 @!p0 s1  }
0x1ef: {  	[bflag:$0x3] =	sbarrier.arrive $0xFFFF  }
0x1f0: {  	_ =	shalt  }

</sc_bundles>
